<compile_context>
chip_gen: v7x
topology: tpu7x:2x2x1
jax: 0.10.2.dev20260603
libtpu: 0.0.44.dev20260713+nightly
codegen_flags: <defaults>
</compile_context>

<pallas_src>
import functools

import jax
import jax.numpy as jnp
from jax import lax
from jax.experimental import pallas as pl
from jax.experimental.pallas import tpu as pltpu
from jax.experimental.pallas import tpu_sc as plsc

M, D = 16384, 128
N_IN = M * D // 2
N_OUT = M * D

NC, NS, L = 2, 16, 16
NW = NC * NS
CH_IN = N_IN // NW
CH_OUT = N_OUT // NW

SUB = 8
SUB_IN = CH_IN // SUB
SUB_OUT = CH_OUT // SUB
UNROLL = 8

_mesh = plsc.VectorSubcoreMesh(core_axis_name="c", subcore_axis_name="s")


@functools.partial(
    pl.kernel,
    mesh=_mesh,
    out_type=jax.ShapeDtypeStruct((N_OUT,), jnp.float32),
    scratch_types=[
        pltpu.VMEM((CH_IN,), jnp.float32),
        pltpu.VMEM((CH_OUT,), jnp.float32),
        [pltpu.SemaphoreType.DMA] * SUB,
        [pltpu.SemaphoreType.DMA] * SUB,
    ],
    compiler_params=pltpu.CompilerParams(needs_layout_passes=False),
)
def _extend_sc(x_hbm, out_hbm, in_v, out_v, in_sems, out_sems):
    wid = lax.axis_index("s") * NC + lax.axis_index("c")
    base_in = wid * CH_IN
    base_out = wid * CH_OUT

    nan_vec = jnp.full((L,), jnp.nan, dtype=jnp.float32)
    odd = lax.iota(jnp.int32, L) * 2 + 1

    in_copies = [
        pltpu.async_copy(
            x_hbm.at[pl.ds(base_in + s * SUB_IN, SUB_IN)],
            in_v.at[pl.ds(s * SUB_IN, SUB_IN)],
            in_sems[s],
        )
        for s in range(SUB)
    ]

    def make_body(sub_base):
        def body(i, carry):
            b = sub_base + i * (L * UNROLL)
            for u in range(UNROLL):
                w = in_v[pl.ds(b + u * L, L)]
                o = 2 * b + u * (2 * L)
                out_v[pl.ds(o, L)] = nan_vec
                out_v[pl.ds(o + L, L)] = nan_vec
                plsc.store_scatter(out_v, [o + odd], w)
            return carry

        return body

    out_copies = []
    for s in range(SUB):
        in_copies[s].wait()
        lax.fori_loop(0, SUB_IN // (L * UNROLL), make_body(s * SUB_IN), 0)
        out_copies.append(
            pltpu.async_copy(
                out_v.at[pl.ds(s * SUB_OUT, SUB_OUT)],
                out_hbm.at[pl.ds(base_out + s * SUB_OUT, SUB_OUT)],
                out_sems[s],
            )
        )
    for c in out_copies:
        c.wait()


def kernel(x):
    out_flat = _extend_sc(x.reshape(-1))
    return out_flat.reshape(M, D)

# --- scband reference (transcript-rebuilt; emitter-appended) ---
"""Pipeline reference for scband-extend-24421184045770 (READ-ONLY COPY).

The authoritative reference and input builder live on the scoring server;
editing this copy changes nothing except your own understanding.
"""

import jax, jax.numpy as jnp
import numpy as np

M, D = 16384, 128

# The Extend layer's constructor mask: True at even flat positions, False at odd.
# Exactly half the entries are False, so x must contain M*D/2 = 1,048,576 values.
_MASK_NP = (np.arange(M * D).reshape(M, D) % 2 == 0)
_FLAT = _MASK_NP.reshape(-1)
_FALSE_IDX = np.where(~_FLAT)[0]  # positions that receive x values
_TRUE_IDX = np.where(_FLAT)[0]    # positions that receive NaN


def setup_inputs(seed: int = 0) -> dict:
    key = jax.random.key(seed)
    x = jax.random.normal(key, (8192, 128), dtype=jnp.float32)
    return {"x": x}


def reference(x):
    # Faithful translation of Extend.call:
    #   where = ~mask; scatter x.flatten() into positions where mask is False
    #   scatter NaN into positions where mask is True; return their sum.
    # tf.scatter_nd with 2D indices over a 2D shape == flat scatter then reshape.
    # NOTE: original casts to float64; JAX default config is float32-only, so we
    # keep float32 (same math, NaN semantics preserved).
    false_idx = jnp.asarray(_FALSE_IDX)
    true_idx = jnp.asarray(_TRUE_IDX)
    n = M * D
    scatter = jnp.zeros((n,), dtype=jnp.float32).at[false_idx].set(x.reshape(-1))
    x_nan = jnp.full((true_idx.shape[0],), jnp.nan, dtype=jnp.float32)
    scatter_nan = jnp.zeros((n,), dtype=jnp.float32).at[true_idx].set(x_nan)
    return (scatter + scatter_nan).reshape(M, D)

if __name__ == "__main__":
    import jax
    _d = setup_inputs()
    print(jax.jit(kernel)(*tuple(_d.values())))

</pallas_src>

<mosaic_0001>
#map = affine_map<(d0, d1) -> (0)>
module attributes {stable_mosaic.version = 14 : i64} {
  func.func @_extend_sc(%arg0: i32, %arg1: i32, %arg2: memref<1048576xf32, #tpu.memory_space<hbm>>, %arg3: memref<2097152xf32, #tpu.memory_space<hbm>>, %arg4: memref<32768xf32, #tpu.memory_space<vmem>>, %arg5: memref<65536xf32, #tpu.memory_space<vmem>>, %arg6: memref<!tpu.dma_semaphore, #tpu.memory_space<semaphore_mem>>, %arg7: memref<!tpu.dma_semaphore, #tpu.memory_space<semaphore_mem>>, %arg8: memref<!tpu.dma_semaphore, #tpu.memory_space<semaphore_mem>>, %arg9: memref<!tpu.dma_semaphore, #tpu.memory_space<semaphore_mem>>, %arg10: memref<!tpu.dma_semaphore, #tpu.memory_space<semaphore_mem>>, %arg11: memref<!tpu.dma_semaphore, #tpu.memory_space<semaphore_mem>>, %arg12: memref<!tpu.dma_semaphore, #tpu.memory_space<semaphore_mem>>, %arg13: memref<!tpu.dma_semaphore, #tpu.memory_space<semaphore_mem>>, %arg14: memref<!tpu.dma_semaphore, #tpu.memory_space<semaphore_mem>>, %arg15: memref<!tpu.dma_semaphore, #tpu.memory_space<semaphore_mem>>, %arg16: memref<!tpu.dma_semaphore, #tpu.memory_space<semaphore_mem>>, %arg17: memref<!tpu.dma_semaphore, #tpu.memory_space<semaphore_mem>>, %arg18: memref<!tpu.dma_semaphore, #tpu.memory_space<semaphore_mem>>, %arg19: memref<!tpu.dma_semaphore, #tpu.memory_space<semaphore_mem>>, %arg20: memref<!tpu.dma_semaphore, #tpu.memory_space<semaphore_mem>>, %arg21: memref<!tpu.dma_semaphore, #tpu.memory_space<semaphore_mem>>) attributes {dimension_semantics = [#tpu.dimension_semantics<core_parallel>, #tpu.dimension_semantics<subcore_parallel>], iteration_bounds = array<i64: 2, 16>, scalar_prefetch = 0 : i64, scratch_operands = 18 : i64, tpu.core_type = #tpu.core_type<sc_vector_subcore>, window_params = [{transform_indices = #map}, {transform_indices = #map}]} {
    %mul3A = arith.constant 2 : i32
    %mul3A_0 = arith.muli %arg1, %mul3A : i32
    %add3A = arith.addi %mul3A_0, %arg0 : i32
    %mul3A_1 = arith.constant 32768 : i32
    %mul3A_2 = arith.muli %add3A, %mul3A_1 : i32
    %mul3A_3 = arith.constant 65536 : i32
    %mul3A_4 = arith.muli %add3A, %mul3A_3 : i32
    %broadcast_in_dim3A = arith.constant 0x7FC00000 : f32
    %broadcast_in_dim3A_5 = vector.broadcast %broadcast_in_dim3A : f32 to vector<16xf32>
    %iota3A = tpu.iota {dimensions = array<i32: 0>} : vector<16xi32>
    %mul3A_6 = arith.constant 2 : i32
    %mul3A_7 = vector.broadcast %mul3A_6 : i32 to vector<16xi32>
    %mul3A_8 = arith.muli %iota3A, %mul3A_7 : vector<16xi32>
    %add3A_9 = arith.constant 1 : i32
    %add3A_10 = vector.broadcast %add3A_9 : i32 to vector<16xi32>
    %add3A_11 = arith.addi %mul3A_8, %add3A_10 : vector<16xi32>
    %add3A_12 = arith.constant 0 : i32
    %add3A_13 = arith.addi %mul3A_2, %add3A_12 : i32
    %dma_start3A = arith.constant 0 : i32
    %dma_start3A_14 = tpu.memref_slice %arg4[%dma_start3A] : memref<32768xf32, #tpu.memory_space<vmem>> -> memref<4096xf32, #tpu.memory_space<vmem>>
    %dma_start3A_15 = tpu.memref_slice %arg2[%add3A_13] : memref<1048576xf32, #tpu.memory_space<hbm>> -> memref<4096xf32, #tpu.memory_space<hbm>>
    %dma_start3A_16 = arith.constant 0 : i32
    %dma_start3A_17 = tpu.memref_slice %arg4[%dma_start3A_16] : memref<32768xf32, #tpu.memory_space<vmem>> -> memref<4096xf32, #tpu.memory_space<vmem>>
    %dma_start3A_18 = tpu.memref_slice %arg2[%add3A_13] : memref<1048576xf32, #tpu.memory_space<hbm>> -> memref<4096xf32, #tpu.memory_space<hbm>>
    tpu.enqueue_dma source(%dma_start3A_18 : memref<4096xf32, #tpu.memory_space<hbm>>) target(%dma_start3A_17 : memref<4096xf32, #tpu.memory_space<vmem>>) target_semaphore(%arg6 : memref<!tpu.dma_semaphore, #tpu.memory_space<semaphore_mem>>)
    %add3A_19 = arith.constant 4096 : i32
    %add3A_20 = arith.addi %mul3A_2, %add3A_19 : i32
    %dma_start3A_21 = arith.constant 4096 : i32
    %dma_start3A_22 = tpu.memref_slice %arg4[%dma_start3A_21] : memref<32768xf32, #tpu.memory_space<vmem>> -> memref<4096xf32, #tpu.memory_space<vmem>>
    %dma_start3A_23 = tpu.memref_slice %arg2[%add3A_20] : memref<1048576xf32, #tpu.memory_space<hbm>> -> memref<4096xf32, #tpu.memory_space<hbm>>
    %dma_start3A_24 = arith.constant 4096 : i32
    %dma_start3A_25 = tpu.memref_slice %arg4[%dma_start3A_24] : memref<32768xf32, #tpu.memory_space<vmem>> -> memref<4096xf32, #tpu.memory_space<vmem>>
    %dma_start3A_26 = tpu.memref_slice %arg2[%add3A_20] : memref<1048576xf32, #tpu.memory_space<hbm>> -> memref<4096xf32, #tpu.memory_space<hbm>>
    tpu.enqueue_dma source(%dma_start3A_26 : memref<4096xf32, #tpu.memory_space<hbm>>) target(%dma_start3A_25 : memref<4096xf32, #tpu.memory_space<vmem>>) target_semaphore(%arg7 : memref<!tpu.dma_semaphore, #tpu.memory_space<semaphore_mem>>)
    %add3A_27 = arith.constant 8192 : i32
    %add3A_28 = arith.addi %mul3A_2, %add3A_27 : i32
    %dma_start3A_29 = arith.constant 8192 : i32
    %dma_start3A_30 = tpu.memref_slice %arg4[%dma_start3A_29] : memref<32768xf32, #tpu.memory_space<vmem>> -> memref<4096xf32, #tpu.memory_space<vmem>>
    %dma_start3A_31 = tpu.memref_slice %arg2[%add3A_28] : memref<1048576xf32, #tpu.memory_space<hbm>> -> memref<4096xf32, #tpu.memory_space<hbm>>
    %dma_start3A_32 = arith.constant 8192 : i32
    %dma_start3A_33 = tpu.memref_slice %arg4[%dma_start3A_32] : memref<32768xf32, #tpu.memory_space<vmem>> -> memref<4096xf32, #tpu.memory_space<vmem>>
    %dma_start3A_34 = tpu.memref_slice %arg2[%add3A_28] : memref<1048576xf32, #tpu.memory_space<hbm>> -> memref<4096xf32, #tpu.memory_space<hbm>>
    tpu.enqueue_dma source(%dma_start3A_34 : memref<4096xf32, #tpu.memory_space<hbm>>) target(%dma_start3A_33 : memref<4096xf32, #tpu.memory_space<vmem>>) target_semaphore(%arg8 : memref<!tpu.dma_semaphore, #tpu.memory_space<semaphore_mem>>)
    %add3A_35 = arith.constant 12288 : i32
    %add3A_36 = arith.addi %mul3A_2, %add3A_35 : i32
    %dma_start3A_37 = arith.constant 12288 : i32
    %dma_start3A_38 = tpu.memref_slice %arg4[%dma_start3A_37] : memref<32768xf32, #tpu.memory_space<vmem>> -> memref<4096xf32, #tpu.memory_space<vmem>>
    %dma_start3A_39 = tpu.memref_slice %arg2[%add3A_36] : memref<1048576xf32, #tpu.memory_space<hbm>> -> memref<4096xf32, #tpu.memory_space<hbm>>
    %dma_start3A_40 = arith.constant 12288 : i32
    %dma_start3A_41 = tpu.memref_slice %arg4[%dma_start3A_40] : memref<32768xf32, #tpu.memory_space<vmem>> -> memref<4096xf32, #tpu.memory_space<vmem>>
    %dma_start3A_42 = tpu.memref_slice %arg2[%add3A_36] : memref<1048576xf32, #tpu.memory_space<hbm>> -> memref<4096xf32, #tpu.memory_space<hbm>>
    tpu.enqueue_dma source(%dma_start3A_42 : memref<4096xf32, #tpu.memory_space<hbm>>) target(%dma_start3A_41 : memref<4096xf32, #tpu.memory_space<vmem>>) target_semaphore(%arg9 : memref<!tpu.dma_semaphore, #tpu.memory_space<semaphore_mem>>)
    %add3A_43 = arith.constant 16384 : i32
    %add3A_44 = arith.addi %mul3A_2, %add3A_43 : i32
    %dma_start3A_45 = arith.constant 16384 : i32
    %dma_start3A_46 = tpu.memref_slice %arg4[%dma_start3A_45] : memref<32768xf32, #tpu.memory_space<vmem>> -> memref<4096xf32, #tpu.memory_space<vmem>>
    %dma_start3A_47 = tpu.memref_slice %arg2[%add3A_44] : memref<1048576xf32, #tpu.memory_space<hbm>> -> memref<4096xf32, #tpu.memory_space<hbm>>
    %dma_start3A_48 = arith.constant 16384 : i32
    %dma_start3A_49 = tpu.memref_slice %arg4[%dma_start3A_48] : memref<32768xf32, #tpu.memory_space<vmem>> -> memref<4096xf32, #tpu.memory_space<vmem>>
    %dma_start3A_50 = tpu.memref_slice %arg2[%add3A_44] : memref<1048576xf32, #tpu.memory_space<hbm>> -> memref<4096xf32, #tpu.memory_space<hbm>>
    tpu.enqueue_dma source(%dma_start3A_50 : memref<4096xf32, #tpu.memory_space<hbm>>) target(%dma_start3A_49 : memref<4096xf32, #tpu.memory_space<vmem>>) target_semaphore(%arg10 : memref<!tpu.dma_semaphore, #tpu.memory_space<semaphore_mem>>)
    %add3A_51 = arith.constant 20480 : i32
    %add3A_52 = arith.addi %mul3A_2, %add3A_51 : i32
    %dma_start3A_53 = arith.constant 20480 : i32
    %dma_start3A_54 = tpu.memref_slice %arg4[%dma_start3A_53] : memref<32768xf32, #tpu.memory_space<vmem>> -> memref<4096xf32, #tpu.memory_space<vmem>>
    %dma_start3A_55 = tpu.memref_slice %arg2[%add3A_52] : memref<1048576xf32, #tpu.memory_space<hbm>> -> memref<4096xf32, #tpu.memory_space<hbm>>
    %dma_start3A_56 = arith.constant 20480 : i32
    %dma_start3A_57 = tpu.memref_slice %arg4[%dma_start3A_56] : memref<32768xf32, #tpu.memory_space<vmem>> -> memref<4096xf32, #tpu.memory_space<vmem>>
    %dma_start3A_58 = tpu.memref_slice %arg2[%add3A_52] : memref<1048576xf32, #tpu.memory_space<hbm>> -> memref<4096xf32, #tpu.memory_space<hbm>>
    tpu.enqueue_dma source(%dma_start3A_58 : memref<4096xf32, #tpu.memory_space<hbm>>) target(%dma_start3A_57 : memref<4096xf32, #tpu.memory_space<vmem>>) target_semaphore(%arg11 : memref<!tpu.dma_semaphore, #tpu.memory_space<semaphore_mem>>)
    %add3A_59 = arith.constant 24576 : i32
    %add3A_60 = arith.addi %mul3A_2, %add3A_59 : i32
    %dma_start3A_61 = arith.constant 24576 : i32
    %dma_start3A_62 = tpu.memref_slice %arg4[%dma_start3A_61] : memref<32768xf32, #tpu.memory_space<vmem>> -> memref<4096xf32, #tpu.memory_space<vmem>>
    %dma_start3A_63 = tpu.memref_slice %arg2[%add3A_60] : memref<1048576xf32, #tpu.memory_space<hbm>> -> memref<4096xf32, #tpu.memory_space<hbm>>
    %dma_start3A_64 = arith.constant 24576 : i32
    %dma_start3A_65 = tpu.memref_slice %arg4[%dma_start3A_64] : memref<32768xf32, #tpu.memory_space<vmem>> -> memref<4096xf32, #tpu.memory_space<vmem>>
    %dma_start3A_66 = tpu.memref_slice %arg2[%add3A_60] : memref<1048576xf32, #tpu.memory_space<hbm>> -> memref<4096xf32, #tpu.memory_space<hbm>>
    tpu.enqueue_dma source(%dma_start3A_66 : memref<4096xf32, #tpu.memory_space<hbm>>) target(%dma_start3A_65 : memref<4096xf32, #tpu.memory_space<vmem>>) target_semaphore(%arg12 : memref<!tpu.dma_semaphore, #tpu.memory_space<semaphore_mem>>)
    %add3A_67 = arith.constant 28672 : i32
    %add3A_68 = arith.addi %mul3A_2, %add3A_67 : i32
    %dma_start3A_69 = arith.constant 28672 : i32
    %dma_start3A_70 = tpu.memref_slice %arg4[%dma_start3A_69] : memref<32768xf32, #tpu.memory_space<vmem>> -> memref<4096xf32, #tpu.memory_space<vmem>>
    %dma_start3A_71 = tpu.memref_slice %arg2[%add3A_68] : memref<1048576xf32, #tpu.memory_space<hbm>> -> memref<4096xf32, #tpu.memory_space<hbm>>
    %dma_start3A_72 = arith.constant 28672 : i32
    %dma_start3A_73 = tpu.memref_slice %arg4[%dma_start3A_72] : memref<32768xf32, #tpu.memory_space<vmem>> -> memref<4096xf32, #tpu.memory_space<vmem>>
    %dma_start3A_74 = tpu.memref_slice %arg2[%add3A_68] : memref<1048576xf32, #tpu.memory_space<hbm>> -> memref<4096xf32, #tpu.memory_space<hbm>>
    tpu.enqueue_dma source(%dma_start3A_74 : memref<4096xf32, #tpu.memory_space<hbm>>) target(%dma_start3A_73 : memref<4096xf32, #tpu.memory_space<vmem>>) target_semaphore(%arg13 : memref<!tpu.dma_semaphore, #tpu.memory_space<semaphore_mem>>)
    %dma_wait3A = arith.constant 0 : i32
    %dma_wait3A_75 = tpu.memref_slice %arg4[%dma_wait3A] : memref<32768xf32, #tpu.memory_space<vmem>> -> memref<4096xf32, #tpu.memory_space<vmem>>
    %dma_wait3A_76 = tpu.memref_slice %arg2[%add3A_13] : memref<1048576xf32, #tpu.memory_space<hbm>> -> memref<4096xf32, #tpu.memory_space<hbm>>
    %dma_wait3A_77 = arith.constant 0 : i32
    %dma_wait3A_78 = tpu.memref_slice %arg4[%dma_wait3A_77] : memref<32768xf32, #tpu.memory_space<vmem>> -> memref<4096xf32, #tpu.memory_space<vmem>>
    %dma_wait3A_79 = tpu.memref_slice %arg2[%add3A_13] : memref<1048576xf32, #tpu.memory_space<hbm>> -> memref<4096xf32, #tpu.memory_space<hbm>>
    tpu.wait_dma2 semaphore(%arg6 : memref<!tpu.dma_semaphore, #tpu.memory_space<semaphore_mem>>) src(%dma_wait3A_79 : memref<4096xf32, #tpu.memory_space<hbm>>) dst(%dma_wait3A_78 : memref<4096xf32, #tpu.memory_space<vmem>>)
    %scan3A = arith.constant 0 : i32
    %scan3A_80 = arith.constant 0 : i32
    %scan3A_81 = arith.constant 32 : i32
    %scan3A_82 = arith.addi %scan3A_80, %scan3A_81 : i32
    %scan3A_83 = arith.constant 1 : i32
    scf.for %scan3A_281 = %scan3A_80 to %scan3A_82 step %scan3A_83  : i32 {
      %mul3A_282 = arith.constant 128 : i32
      %mul3A_283 = arith.muli %scan3A_281, %mul3A_282 : i32
      %add3A_284 = arith.constant 0 : i32
      %add3A_285 = arith.addi %add3A_284, %mul3A_283 : i32
      %add3A_286 = arith.constant 0 : i32
      %add3A_287 = arith.addi %add3A_285, %add3A_286 : i32
      %get3A = arith.index_cast %add3A_287 : i32 to index
      %get3A_288 = tpu.vector_load %arg4[%get3A] {strides = array<i32>} : memref<32768xf32, #tpu.memory_space<vmem>>, vector<16xf32>,
      %mul3A_289 = arith.constant 2 : i32
      %mul3A_290 = arith.muli %mul3A_289, %add3A_285 : i32
      %add3A_291 = arith.constant 0 : i32
      %add3A_292 = arith.addi %mul3A_290, %add3A_291 : i32
      %swap3A = arith.index_cast %add3A_292 : i32 to index
      %swap3A_293 = tpu.vector_load %arg5[%swap3A] {strides = array<i32>} : memref<65536xf32, #tpu.memory_space<vmem>>, vector<16xf32>,
      tpu.vector_store %arg5[%swap3A], %broadcast_in_dim3A_5 {strides = array<i32>} : memref<65536xf32, #tpu.memory_space<vmem>>, vector<16xf32>,
      %add3A_294 = arith.constant 16 : i32
      %add3A_295 = arith.addi %add3A_292, %add3A_294 : i32
      %swap3A_296 = arith.index_cast %add3A_295 : i32 to index
      %swap3A_297 = tpu.vector_load %arg5[%swap3A_296] {strides = array<i32>} : memref<65536xf32, #tpu.memory_space<vmem>>, vector<16xf32>,
      tpu.vector_store %arg5[%swap3A_296], %broadcast_in_dim3A_5 {strides = array<i32>} : memref<65536xf32, #tpu.memory_space<vmem>>, vector<16xf32>,
      %add3A_298 = vector.broadcast %add3A_292 : i32 to vector<16xi32>
      %add3A_299 = arith.addi %add3A_298, %add3A_11 : vector<16xi32>
      tpu.vector_store_idx %arg5[%add3A_299], %get3A_288 : memref<65536xf32, #tpu.memory_space<vmem>>[vector<16xi32>], vector<16xf32>,
      %add3A_300 = arith.constant 16 : i32
      %add3A_301 = arith.addi %add3A_285, %add3A_300 : i32
      %get3A_302 = arith.index_cast %add3A_301 : i32 to index
      %get3A_303 = tpu.vector_load %arg4[%get3A_302] {strides = array<i32>} : memref<32768xf32, #tpu.memory_space<vmem>>, vector<16xf32>,
      %mul3A_304 = arith.constant 2 : i32
      %mul3A_305 = arith.muli %mul3A_304, %add3A_285 : i32
      %add3A_306 = arith.constant 32 : i32
      %add3A_307 = arith.addi %mul3A_305, %add3A_306 : i32
      %swap3A_308 = arith.index_cast %add3A_307 : i32 to index
      %swap3A_309 = tpu.vector_load %arg5[%swap3A_308] {strides = array<i32>} : memref<65536xf32, #tpu.memory_space<vmem>>, vector<16xf32>,
      tpu.vector_store %arg5[%swap3A_308], %broadcast_in_dim3A_5 {strides = array<i32>} : memref<65536xf32, #tpu.memory_space<vmem>>, vector<16xf32>,
      %add3A_310 = arith.constant 16 : i32
      %add3A_311 = arith.addi %add3A_307, %add3A_310 : i32
      %swap3A_312 = arith.index_cast %add3A_311 : i32 to index
      %swap3A_313 = tpu.vector_load %arg5[%swap3A_312] {strides = array<i32>} : memref<65536xf32, #tpu.memory_space<vmem>>, vector<16xf32>,
      tpu.vector_store %arg5[%swap3A_312], %broadcast_in_dim3A_5 {strides = array<i32>} : memref<65536xf32, #tpu.memory_space<vmem>>, vector<16xf32>,
      %add3A_314 = vector.broadcast %add3A_307 : i32 to vector<16xi32>
      %add3A_315 = arith.addi %add3A_314, %add3A_11 : vector<16xi32>
      tpu.vector_store_idx %arg5[%add3A_315], %get3A_303 : memref<65536xf32, #tpu.memory_space<vmem>>[vector<16xi32>], vector<16xf32>,
      %add3A_316 = arith.constant 32 : i32
      %add3A_317 = arith.addi %add3A_285, %add3A_316 : i32
      %get3A_318 = arith.index_cast %add3A_317 : i32 to index
      %get3A_319 = tpu.vector_load %arg4[%get3A_318] {strides = array<i32>} : memref<32768xf32, #tpu.memory_space<vmem>>, vector<16xf32>,
      %mul3A_320 = arith.constant 2 : i32
      %mul3A_321 = arith.muli %mul3A_320, %add3A_285 : i32
      %add3A_322 = arith.constant 64 : i32
      %add3A_323 = arith.addi %mul3A_321, %add3A_322 : i32
      %swap3A_324 = arith.index_cast %add3A_323 : i32 to index
      %swap3A_325 = tpu.vector_load %arg5[%swap3A_324] {strides = array<i32>} : memref<65536xf32, #tpu.memory_space<vmem>>, vector<16xf32>,
      tpu.vector_store %arg5[%swap3A_324], %broadcast_in_dim3A_5 {strides = array<i32>} : memref<65536xf32, #tpu.memory_space<vmem>>, vector<16xf32>,
      %add3A_326 = arith.constant 16 : i32
      %add3A_327 = arith.addi %add3A_323, %add3A_326 : i32
      %swap3A_328 = arith.index_cast %add3A_327 : i32 to index
      %swap3A_329 = tpu.vector_load %arg5[%swap3A_328] {strides = array<i32>} : memref<65536xf32, #tpu.memory_space<vmem>>, vector<16xf32>,
      tpu.vector_store %arg5[%swap3A_328], %broadcast_in_dim3A_5 {strides = array<i32>} : memref<65536xf32, #tpu.memory_space<vmem>>, vector<16xf32>,
      %add3A_330 = vector.broadcast %add3A_323 : i32 to vector<16xi32>
      %add3A_331 = arith.addi %add3A_330, %add3A_11 : vector<16xi32>
      tpu.vector_store_idx %arg5[%add3A_331], %get3A_319 : memref<65536xf32, #tpu.memory_space<vmem>>[vector<16xi32>], vector<16xf32>,
      %add3A_332 = arith.constant 48 : i32
      %add3A_333 = arith.addi %add3A_285, %add3A_332 : i32
      %get3A_334 = arith.index_cast %add3A_333 : i32 to index
      %get3A_335 = tpu.vector_load %arg4[%get3A_334] {strides = array<i32>} : memref<32768xf32, #tpu.memory_space<vmem>>, vector<16xf32>,
      %mul3A_336 = arith.constant 2 : i32
      %mul3A_337 = arith.muli %mul3A_336, %add3A_285 : i32
      %add3A_338 = arith.constant 96 : i32
      %add3A_339 = arith.addi %mul3A_337, %add3A_338 : i32
      %swap3A_340 = arith.index_cast %add3A_339 : i32 to index
      %swap3A_341 = tpu.vector_load %arg5[%swap3A_340] {strides = array<i32>} : memref<65536xf32, #tpu.memory_space<vmem>>, vector<16xf32>,
      tpu.vector_store %arg5[%swap3A_340], %broadcast_in_dim3A_5 {strides = array<i32>} : memref<65536xf32, #tpu.memory_space<vmem>>, vector<16xf32>,
      %add3A_342 = arith.constant 16 : i32
      %add3A_343 = arith.addi %add3A_339, %add3A_342 : i32
      %swap3A_344 = arith.index_cast %add3A_343 : i32 to index
      %swap3A_345 = tpu.vector_load %arg5[%swap3A_344] {strides = array<i32>} : memref<65536xf32, #tpu.memory_space<vmem>>, vector<16xf32>,
      tpu.vector_store %arg5[%swap3A_344], %broadcast_in_dim3A_5 {strides = array<i32>} : memref<65536xf32, #tpu.memory_space<vmem>>, vector<16xf32>,
      %add3A_346 = vector.broadcast %add3A_339 : i32 to vector<16xi32>
      %add3A_347 = arith.addi %add3A_346, %add3A_11 : vector<16xi32>
      tpu.vector_store_idx %arg5[%add3A_347], %get3A_335 : memref<65536xf32, #tpu.memory_space<vmem>>[vector<16xi32>], vector<16xf32>,
      %add3A_348 = arith.constant 64 : i32
      %add3A_349 = arith.addi %add3A_285, %add3A_348 : i32
      %get3A_350 = arith.index_cast %add3A_349 : i32 to index
      %get3A_351 = tpu.vector_load %arg4[%get3A_350] {strides = array<i32>} : memref<32768xf32, #tpu.memory_space<vmem>>, vector<16xf32>,
      %mul3A_352 = arith.constant 2 : i32
      %mul3A_353 = arith.muli %mul3A_352, %add3A_285 : i32
      %add3A_354 = arith.constant 128 : i32
      %add3A_355 = arith.addi %mul3A_353, %add3A_354 : i32
      %swap3A_356 = arith.index_cast %add3A_355 : i32 to index
      %swap3A_357 = tpu.vector_load %arg5[%swap3A_356] {strides = array<i32>} : memref<65536xf32, #tpu.memory_space<vmem>>, vector<16xf32>,
      tpu.vector_store %arg5[%swap3A_356], %broadcast_in_dim3A_5 {strides = array<i32>} : memref<65536xf32, #tpu.memory_space<vmem>>, vector<16xf32>,
      %add3A_358 = arith.constant 16 : i32
      %add3A_359 = arith.addi %add3A_355, %add3A_358 : i32
      %swap3A_360 = arith.index_cast %add3A_359 : i32 to index
      %swap3A_361 = tpu.vector_load %arg5[%swap3A_360] {strides = array<i32>} : memref<65536xf32, #tpu.memory_space<vmem>>, vector<16xf32>,
      tpu.vector_store %arg5[%swap3A_360], %broadcast_in_dim3A_5 {strides = array<i32>} : memref<65536xf32, #tpu.memory_space<vmem>>, vector<16xf32>,
      %add3A_362 = vector.broadcast %add3A_355 : i32 to vector<16xi32>
      %add3A_363 = arith.addi %add3A_362, %add3A_11 : vector<16xi32>
      tpu.vector_store_idx %arg5[%add3A_363], %get3A_351 : memref<65536xf32, #tpu.memory_space<vmem>>[vector<16xi32>], vector<16xf32>,
      %add3A_364 = arith.constant 80 : i32
      %add3A_365 = arith.addi %add3A_285, %add3A_364 : i32
      %get3A_366 = arith.index_cast %add3A_365 : i32 to index
      %get3A_367 = tpu.vector_load %arg4[%get3A_366] {strides = array<i32>} : memref<32768xf32, #tpu.memory_space<vmem>>, vector<16xf32>,
      %mul3A_368 = arith.constant 2 : i32
      %mul3A_369 = arith.muli %mul3A_368, %add3A_285 : i32
      %add3A_370 = arith.constant 160 : i32
      %add3A_371 = arith.addi %mul3A_369, %add3A_370 : i32
      %swap3A_372 = arith.index_cast %add3A_371 : i32 to index
      %swap3A_373 = tpu.vector_load %arg5[%swap3A_372] {strides = array<i32>} : memref<65536xf32, #tpu.memory_space<vmem>>, vector<16xf32>,
      tpu.vector_store %arg5[%swap3A_372], %broadcast_in_dim3A_5 {strides = array<i32>} : memref<65536xf32, #tpu.memory_space<vmem>>, vector<16xf32>,
      %add3A_374 = arith.constant 16 : i32
      %add3A_375 = arith.addi %add3A_371, %add3A_374 : i32
      %swap3A_376 = arith.index_cast %add3A_375 : i32 to index
      %swap3A_377 = tpu.vector_load %arg5[%swap3A_376] {strides = array<i32>} : memref<65536xf32, #tpu.memory_space<vmem>>, vector<16xf32>,
      tpu.vector_store %arg5[%swap3A_376], %broadcast_in_dim3A_5 {strides = array<i32>} : memref<65536xf32, #tpu.memory_space<vmem>>, vector<16xf32>,
      %add3A_378 = vector.broadcast %add3A_371 : i32 to vector<16xi32>
      %add3A_379 = arith.addi %add3A_378, %add3A_11 : vector<16xi32>
      tpu.vector_store_idx %arg5[%add3A_379], %get3A_367 : memref<65536xf32, #tpu.memory_space<vmem>>[vector<16xi32>], vector<16xf32>,
      %add3A_380 = arith.constant 96 : i32
      %add3A_381 = arith.addi %add3A_285, %add3A_380 : i32
      %get3A_382 = arith.index_cast %add3A_381 : i32 to index
      %get3A_383 = tpu.vector_load %arg4[%get3A_382] {strides = array<i32>} : memref<32768xf32, #tpu.memory_space<vmem>>, vector<16xf32>,
      %mul3A_384 = arith.constant 2 : i32
      %mul3A_385 = arith.muli %mul3A_384, %add3A_285 : i32
      %add3A_386 = arith.constant 192 : i32
      %add3A_387 = arith.addi %mul3A_385, %add3A_386 : i32
      %swap3A_388 = arith.index_cast %add3A_387 : i32 to index
      %swap3A_389 = tpu.vector_load %arg5[%swap3A_388] {strides = array<i32>} : memref<65536xf32, #tpu.memory_space<vmem>>, vector<16xf32>,
      tpu.vector_store %arg5[%swap3A_388], %broadcast_in_dim3A_5 {strides = array<i32>} : memref<65536xf32, #tpu.memory_space<vmem>>, vector<16xf32>,
      %add3A_390 = arith.constant 16 : i32
      %add3A_391 = arith.addi %add3A_387, %add3A_390 : i32
      %swap3A_392 = arith.index_cast %add3A_391 : i32 to index
      %swap3A_393 = tpu.vector_load %arg5[%swap3A_392] {strides = array<i32>} : memref<65536xf32, #tpu.memory_space<vmem>>, vector<16xf32>,
      tpu.vector_store %arg5[%swap3A_392], %broadcast_in_dim3A_5 {strides = array<i32>} : memref<65536xf32, #tpu.memory_space<vmem>>, vector<16xf32>,
      %add3A_394 = vector.broadcast %add3A_387 : i32 to vector<16xi32>
      %add3A_395 = arith.addi %add3A_394, %add3A_11 : vector<16xi32>
      tpu.vector_store_idx %arg5[%add3A_395], %get3A_383 : memref<65536xf32, #tpu.memory_space<vmem>>[vector<16xi32>], vector<16xf32>,
      %add3A_396 = arith.constant 112 : i32
      %add3A_397 = arith.addi %add3A_285, %add3A_396 : i32
      %get3A_398 = arith.index_cast %add3A_397 : i32 to index
      %get3A_399 = tpu.vector_load %arg4[%get3A_398] {strides = array<i32>} : memref<32768xf32, #tpu.memory_space<vmem>>, vector<16xf32>,
      %mul3A_400 = arith.constant 2 : i32
      %mul3A_401 = arith.muli %mul3A_400, %add3A_285 : i32
      %add3A_402 = arith.constant 224 : i32
      %add3A_403 = arith.addi %mul3A_401, %add3A_402 : i32
      %swap3A_404 = arith.index_cast %add3A_403 : i32 to index
      %swap3A_405 = tpu.vector_load %arg5[%swap3A_404] {strides = array<i32>} : memref<65536xf32, #tpu.memory_space<vmem>>, vector<16xf32>,
      tpu.vector_store %arg5[%swap3A_404], %broadcast_in_dim3A_5 {strides = array<i32>} : memref<65536xf32, #tpu.memory_space<vmem>>, vector<16xf32>,
      %add3A_406 = arith.constant 16 : i32
      %add3A_407 = arith.addi %add3A_403, %add3A_406 : i32
      %swap3A_408 = arith.index_cast %add3A_407 : i32 to index
      %swap3A_409 = tpu.vector_load %arg5[%swap3A_408] {strides = array<i32>} : memref<65536xf32, #tpu.memory_space<vmem>>, vector<16xf32>,
      tpu.vector_store %arg5[%swap3A_408], %broadcast_in_dim3A_5 {strides = array<i32>} : memref<65536xf32, #tpu.memory_space<vmem>>, vector<16xf32>,
      %add3A_410 = vector.broadcast %add3A_403 : i32 to vector<16xi32>
      %add3A_411 = arith.addi %add3A_410, %add3A_11 : vector<16xi32>
      tpu.vector_store_idx %arg5[%add3A_411], %get3A_399 : memref<65536xf32, #tpu.memory_space<vmem>>[vector<16xi32>], vector<16xf32>,
    }
    %scan3A_84 = arith.constant 32 : i32
    %add3A_85 = arith.constant 0 : i32
    %add3A_86 = arith.addi %mul3A_4, %add3A_85 : i32
    %dma_start3A_87 = arith.constant 0 : i32
    %dma_start3A_88 = tpu.memref_slice %arg5[%dma_start3A_87] : memref<65536xf32, #tpu.memory_space<vmem>> -> memref<8192xf32, #tpu.memory_space<vmem>>
    %dma_start3A_89 = tpu.memref_slice %arg3[%add3A_86] : memref<2097152xf32, #tpu.memory_space<hbm>> -> memref<8192xf32, #tpu.memory_space<hbm>>
    %dma_start3A_90 = tpu.memref_slice %arg3[%add3A_86] : memref<2097152xf32, #tpu.memory_space<hbm>> -> memref<8192xf32, #tpu.memory_space<hbm>>
    %dma_start3A_91 = arith.constant 0 : i32
    %dma_start3A_92 = tpu.memref_slice %arg5[%dma_start3A_91] : memref<65536xf32, #tpu.memory_space<vmem>> -> memref<8192xf32, #tpu.memory_space<vmem>>
    tpu.enqueue_dma source(%dma_start3A_92 : memref<8192xf32, #tpu.memory_space<vmem>>) target(%dma_start3A_90 : memref<8192xf32, #tpu.memory_space<hbm>>) target_semaphore(%arg14 : memref<!tpu.dma_semaphore, #tpu.memory_space<semaphore_mem>>)
    %dma_wait3A_93 = arith.constant 4096 : i32
    %dma_wait3A_94 = tpu.memref_slice %arg4[%dma_wait3A_93] : memref<32768xf32, #tpu.memory_space<vmem>> -> memref<4096xf32, #tpu.memory_space<vmem>>
    %dma_wait3A_95 = tpu.memref_slice %arg2[%add3A_20] : memref<1048576xf32, #tpu.memory_space<hbm>> -> memref<4096xf32, #tpu.memory_space<hbm>>
    %dma_wait3A_96 = arith.constant 4096 : i32
    %dma_wait3A_97 = tpu.memref_slice %arg4[%dma_wait3A_96] : memref<32768xf32, #tpu.memory_space<vmem>> -> memref<4096xf32, #tpu.memory_space<vmem>>
    %dma_wait3A_98 = tpu.memref_slice %arg2[%add3A_20] : memref<1048576xf32, #tpu.memory_space<hbm>> -> memref<4096xf32, #tpu.memory_space<hbm>>
    tpu.wait_dma2 semaphore(%arg7 : memref<!tpu.dma_semaphore, #tpu.memory_space<semaphore_mem>>) src(%dma_wait3A_98 : memref<4096xf32, #tpu.memory_space<hbm>>) dst(%dma_wait3A_97 : memref<4096xf32, #tpu.memory_space<vmem>>)
    %scan3A_99 = arith.constant 0 : i32
    %scan3A_100 = arith.constant 0 : i32
    %scan3A_101 = arith.constant 32 : i32
    %scan3A_102 = arith.addi %scan3A_100, %scan3A_101 : i32
    %scan3A_103 = arith.constant 1 : i32
    scf.for %scan3A_281 = %scan3A_100 to %scan3A_102 step %scan3A_103  : i32 {
      %mul3A_282 = arith.constant 128 : i32
      %mul3A_283 = arith.muli %scan3A_281, %mul3A_282 : i32
      %add3A_284 = arith.constant 4096 : i32
      %add3A_285 = arith.addi %add3A_284, %mul3A_283 : i32
      %add3A_286 = arith.constant 0 : i32
      %add3A_287 = arith.addi %add3A_285, %add3A_286 : i32
      %get3A = arith.index_cast %add3A_287 : i32 to index
      %get3A_288 = tpu.vector_load %arg4[%get3A] {strides = array<i32>} : memref<32768xf32, #tpu.memory_space<vmem>>, vector<16xf32>,
      %mul3A_289 = arith.constant 2 : i32
      %mul3A_290 = arith.muli %mul3A_289, %add3A_285 : i32
      %add3A_291 = arith.constant 0 : i32
      %add3A_292 = arith.addi %mul3A_290, %add3A_291 : i32
      %swap3A = arith.index_cast %add3A_292 : i32 to index
      %swap3A_293 = tpu.vector_load %arg5[%swap3A] {strides = array<i32>} : memref<65536xf32, #tpu.memory_space<vmem>>, vector<16xf32>,
      tpu.vector_store %arg5[%swap3A], %broadcast_in_dim3A_5 {strides = array<i32>} : memref<65536xf32, #tpu.memory_space<vmem>>, vector<16xf32>,
      %add3A_294 = arith.constant 16 : i32
      %add3A_295 = arith.addi %add3A_292, %add3A_294 : i32
      %swap3A_296 = arith.index_cast %add3A_295 : i32 to index
      %swap3A_297 = tpu.vector_load %arg5[%swap3A_296] {strides = array<i32>} : memref<65536xf32, #tpu.memory_space<vmem>>, vector<16xf32>,
      tpu.vector_store %arg5[%swap3A_296], %broadcast_in_dim3A_5 {strides = array<i32>} : memref<65536xf32, #tpu.memory_space<vmem>>, vector<16xf32>,
      %add3A_298 = vector.broadcast %add3A_292 : i32 to vector<16xi32>
      %add3A_299 = arith.addi %add3A_298, %add3A_11 : vector<16xi32>
      tpu.vector_store_idx %arg5[%add3A_299], %get3A_288 : memref<65536xf32, #tpu.memory_space<vmem>>[vector<16xi32>], vector<16xf32>,
      %add3A_300 = arith.constant 16 : i32
      %add3A_301 = arith.addi %add3A_285, %add3A_300 : i32
      %get3A_302 = arith.index_cast %add3A_301 : i32 to index
      %get3A_303 = tpu.vector_load %arg4[%get3A_302] {strides = array<i32>} : memref<32768xf32, #tpu.memory_space<vmem>>, vector<16xf32>,
      %mul3A_304 = arith.constant 2 : i32
      %mul3A_305 = arith.muli %mul3A_304, %add3A_285 : i32
      %add3A_306 = arith.constant 32 : i32
      %add3A_307 = arith.addi %mul3A_305, %add3A_306 : i32
      %swap3A_308 = arith.index_cast %add3A_307 : i32 to index
      %swap3A_309 = tpu.vector_load %arg5[%swap3A_308] {strides = array<i32>} : memref<65536xf32, #tpu.memory_space<vmem>>, vector<16xf32>,
      tpu.vector_store %arg5[%swap3A_308], %broadcast_in_dim3A_5 {strides = array<i32>} : memref<65536xf32, #tpu.memory_space<vmem>>, vector<16xf32>,
      %add3A_310 = arith.constant 16 : i32
      %add3A_311 = arith.addi %add3A_307, %add3A_310 : i32
      %swap3A_312 = arith.index_cast %add3A_311 : i32 to index
      %swap3A_313 = tpu.vector_load %arg5[%swap3A_312] {strides = array<i32>} : memref<65536xf32, #tpu.memory_space<vmem>>, vector<16xf32>,
      tpu.vector_store %arg5[%swap3A_312], %broadcast_in_dim3A_5 {strides = array<i32>} : memref<65536xf32, #tpu.memory_space<vmem>>, vector<16xf32>,
      %add3A_314 = vector.broadcast %add3A_307 : i32 to vector<16xi32>
      %add3A_315 = arith.addi %add3A_314, %add3A_11 : vector<16xi32>
      tpu.vector_store_idx %arg5[%add3A_315], %get3A_303 : memref<65536xf32, #tpu.memory_space<vmem>>[vector<16xi32>], vector<16xf32>,
      %add3A_316 = arith.constant 32 : i32
      %add3A_317 = arith.addi %add3A_285, %add3A_316 : i32
      %get3A_318 = arith.index_cast %add3A_317 : i32 to index
      %get3A_319 = tpu.vector_load %arg4[%get3A_318] {strides = array<i32>} : memref<32768xf32, #tpu.memory_space<vmem>>, vector<16xf32>,
      %mul3A_320 = arith.constant 2 : i32
      %mul3A_321 = arith.muli %mul3A_320, %add3A_285 : i32
      %add3A_322 = arith.constant 64 : i32
      %add3A_323 = arith.addi %mul3A_321, %add3A_322 : i32
      %swap3A_324 = arith.index_cast %add3A_323 : i32 to index
      %swap3A_325 = tpu.vector_load %arg5[%swap3A_324] {strides = array<i32>} : memref<65536xf32, #tpu.memory_space<vmem>>, vector<16xf32>,
      tpu.vector_store %arg5[%swap3A_324], %broadcast_in_dim3A_5 {strides = array<i32>} : memref<65536xf32, #tpu.memory_space<vmem>>, vector<16xf32>,
      %add3A_326 = arith.constant 16 : i32
      %add3A_327 = arith.addi %add3A_323, %add3A_326 : i32
      %swap3A_328 = arith.index_cast %add3A_327 : i32 to index
      %swap3A_329 = tpu.vector_load %arg5[%swap3A_328] {strides = array<i32>} : memref<65536xf32, #tpu.memory_space<vmem>>, vector<16xf32>,
      tpu.vector_store %arg5[%swap3A_328], %broadcast_in_dim3A_5 {strides = array<i32>} : memref<65536xf32, #tpu.memory_space<vmem>>, vector<16xf32>,
      %add3A_330 = vector.broadcast %add3A_323 : i32 to vector<16xi32>
      %add3A_331 = arith.addi %add3A_330, %add3A_11 : vector<16xi32>
      tpu.vector_store_idx %arg5[%add3A_331], %get3A_319 : memref<65536xf32, #tpu.memory_space<vmem>>[vector<16xi32>], vector<16xf32>,
      %add3A_332 = arith.constant 48 : i32
      %add3A_333 = arith.addi %add3A_285, %add3A_332 : i32
      %get3A_334 = arith.index_cast %add3A_333 : i32 to index
      %get3A_335 = tpu.vector_load %arg4[%get3A_334] {strides = array<i32>} : memref<32768xf32, #tpu.memory_space<vmem>>, vector<16xf32>,
      %mul3A_336 = arith.constant 2 : i32
      %mul3A_337 = arith.muli %mul3A_336, %add3A_285 : i32
      %add3A_338 = arith.constant 96 : i32
      %add3A_339 = arith.addi %mul3A_337, %add3A_338 : i32
      %swap3A_340 = arith.index_cast %add3A_339 : i32 to index
      %swap3A_341 = tpu.vector_load %arg5[%swap3A_340] {strides = array<i32>} : memref<65536xf32, #tpu.memory_space<vmem>>, vector<16xf32>,
      tpu.vector_store %arg5[%swap3A_340], %broadcast_in_dim3A_5 {strides = array<i32>} : memref<65536xf32, #tpu.memory_space<vmem>>, vector<16xf32>,
      %add3A_342 = arith.constant 16 : i32
      %add3A_343 = arith.addi %add3A_339, %add3A_342 : i32
      %swap3A_344 = arith.index_cast %add3A_343 : i32 to index
      %swap3A_345 = tpu.vector_load %arg5[%swap3A_344] {strides = array<i32>} : memref<65536xf32, #tpu.memory_space<vmem>>, vector<16xf32>,
      tpu.vector_store %arg5[%swap3A_344], %broadcast_in_dim3A_5 {strides = array<i32>} : memref<65536xf32, #tpu.memory_space<vmem>>, vector<16xf32>,
      %add3A_346 = vector.broadcast %add3A_339 : i32 to vector<16xi32>
      %add3A_347 = arith.addi %add3A_346, %add3A_11 : vector<16xi32>
      tpu.vector_store_idx %arg5[%add3A_347], %get3A_335 : memref<65536xf32, #tpu.memory_space<vmem>>[vector<16xi32>], vector<16xf32>,
      %add3A_348 = arith.constant 64 : i32
      %add3A_349 = arith.addi %add3A_285, %add3A_348 : i32
      %get3A_350 = arith.index_cast %add3A_349 : i32 to index
      %get3A_351 = tpu.vector_load %arg4[%get3A_350] {strides = array<i32>} : memref<32768xf32, #tpu.memory_space<vmem>>, vector<16xf32>,
      %mul3A_352 = arith.constant 2 : i32
      %mul3A_353 = arith.muli %mul3A_352, %add3A_285 : i32
      %add3A_354 = arith.constant 128 : i32
      %add3A_355 = arith.addi %mul3A_353, %add3A_354 : i32
      %swap3A_356 = arith.index_cast %add3A_355 : i32 to index
      %swap3A_357 = tpu.vector_load %arg5[%swap3A_356] {strides = array<i32>} : memref<65536xf32, #tpu.memory_space<vmem>>, vector<16xf32>,
      tpu.vector_store %arg5[%swap3A_356], %broadcast_in_dim3A_5 {strides = array<i32>} : memref<65536xf32, #tpu.memory_space<vmem>>, vector<16xf32>,
      %add3A_358 = arith.constant 16 : i32
      %add3A_359 = arith.addi %add3A_355, %add3A_358 : i32
      %swap3A_360 = arith.index_cast %add3A_359 : i32 to index
      %swap3A_361 = tpu.vector_load %arg5[%swap3A_360] {strides = array<i32>} : memref<65536xf32, #tpu.memory_space<vmem>>, vector<16xf32>,
      tpu.vector_store %arg5[%swap3A_360], %broadcast_in_dim3A_5 {strides = array<i32>} : memref<65536xf32, #tpu.memory_space<vmem>>, vector<16xf32>,
      %add3A_362 = vector.broadcast %add3A_355 : i32 to vector<16xi32>
      %add3A_363 = arith.addi %add3A_362, %add3A_11 : vector<16xi32>
      tpu.vector_store_idx %arg5[%add3A_363], %get3A_351 : memref<65536xf32, #tpu.memory_space<vmem>>[vector<16xi32>], vector<16xf32>,
      %add3A_364 = arith.constant 80 : i32
      %add3A_365 = arith.addi %add3A_285, %add3A_364 : i32
      %get3A_366 = arith.index_cast %add3A_365 : i32 to index
      %get3A_367 = tpu.vector_load %arg4[%get3A_366] {strides = array<i32>} : memref<32768xf32, #tpu.memory_space<vmem>>, vector<16xf32>,
      %mul3A_368 = arith.constant 2 : i32
      %mul3A_369 = arith.muli %mul3A_368, %add3A_285 : i32
      %add3A_370 = arith.constant 160 : i32
      %add3A_371 = arith.addi %mul3A_369, %add3A_370 : i32
      %swap3A_372 = arith.index_cast %add3A_371 : i32 to index
      %swap3A_373 = tpu.vector_load %arg5[%swap3A_372] {strides = array<i32>} : memref<65536xf32, #tpu.memory_space<vmem>>, vector<16xf32>,
      tpu.vector_store %arg5[%swap3A_372], %broadcast_in_dim3A_5 {strides = array<i32>} : memref<65536xf32, #tpu.memory_space<vmem>>, vector<16xf32>,
      %add3A_374 = arith.constant 16 : i32
      %add3A_375 = arith.addi %add3A_371, %add3A_374 : i32
      %swap3A_376 = arith.index_cast %add3A_375 : i32 to index
      %swap3A_377 = tpu.vector_load %arg5[%swap3A_376] {strides = array<i32>} : memref<65536xf32, #tpu.memory_space<vmem>>, vector<16xf32>,
      tpu.vector_store %arg5[%swap3A_376], %broadcast_in_dim3A_5 {strides = array<i32>} : memref<65536xf32, #tpu.memory_space<vmem>>, vector<16xf32>,
      %add3A_378 = vector.broadcast %add3A_371 : i32 to vector<16xi32>
      %add3A_379 = arith.addi %add3A_378, %add3A_11 : vector<16xi32>
      tpu.vector_store_idx %arg5[%add3A_379], %get3A_367 : memref<65536xf32, #tpu.memory_space<vmem>>[vector<16xi32>], vector<16xf32>,
      %add3A_380 = arith.constant 96 : i32
      %add3A_381 = arith.addi %add3A_285, %add3A_380 : i32
      %get3A_382 = arith.index_cast %add3A_381 : i32 to index
      %get3A_383 = tpu.vector_load %arg4[%get3A_382] {strides = array<i32>} : memref<32768xf32, #tpu.memory_space<vmem>>, vector<16xf32>,
      %mul3A_384 = arith.constant 2 : i32
      %mul3A_385 = arith.muli %mul3A_384, %add3A_285 : i32
      %add3A_386 = arith.constant 192 : i32
      %add3A_387 = arith.addi %mul3A_385, %add3A_386 : i32
      %swap3A_388 = arith.index_cast %add3A_387 : i32 to index
      %swap3A_389 = tpu.vector_load %arg5[%swap3A_388] {strides = array<i32>} : memref<65536xf32, #tpu.memory_space<vmem>>, vector<16xf32>,
      tpu.vector_store %arg5[%swap3A_388], %broadcast_in_dim3A_5 {strides = array<i32>} : memref<65536xf32, #tpu.memory_space<vmem>>, vector<16xf32>,
      %add3A_390 = arith.constant 16 : i32
      %add3A_391 = arith.addi %add3A_387, %add3A_390 : i32
      %swap3A_392 = arith.index_cast %add3A_391 : i32 to index
      %swap3A_393 = tpu.vector_load %arg5[%swap3A_392] {strides = array<i32>} : memref<65536xf32, #tpu.memory_space<vmem>>, vector<16xf32>,
      tpu.vector_store %arg5[%swap3A_392], %broadcast_in_dim3A_5 {strides = array<i32>} : memref<65536xf32, #tpu.memory_space<vmem>>, vector<16xf32>,
      %add3A_394 = vector.broadcast %add3A_387 : i32 to vector<16xi32>
      %add3A_395 = arith.addi %add3A_394, %add3A_11 : vector<16xi32>
      tpu.vector_store_idx %arg5[%add3A_395], %get3A_383 : memref<65536xf32, #tpu.memory_space<vmem>>[vector<16xi32>], vector<16xf32>,
      %add3A_396 = arith.constant 112 : i32
      %add3A_397 = arith.addi %add3A_285, %add3A_396 : i32
      %get3A_398 = arith.index_cast %add3A_397 : i32 to index
      %get3A_399 = tpu.vector_load %arg4[%get3A_398] {strides = array<i32>} : memref<32768xf32, #tpu.memory_space<vmem>>, vector<16xf32>,
      %mul3A_400 = arith.constant 2 : i32
      %mul3A_401 = arith.muli %mul3A_400, %add3A_285 : i32
      %add3A_402 = arith.constant 224 : i32
      %add3A_403 = arith.addi %mul3A_401, %add3A_402 : i32
      %swap3A_404 = arith.index_cast %add3A_403 : i32 to index
      %swap3A_405 = tpu.vector_load %arg5[%swap3A_404] {strides = array<i32>} : memref<65536xf32, #tpu.memory_space<vmem>>, vector<16xf32>,
      tpu.vector_store %arg5[%swap3A_404], %broadcast_in_dim3A_5 {strides = array<i32>} : memref<65536xf32, #tpu.memory_space<vmem>>, vector<16xf32>,
      %add3A_406 = arith.constant 16 : i32
      %add3A_407 = arith.addi %add3A_403, %add3A_406 : i32
      %swap3A_408 = arith.index_cast %add3A_407 : i32 to index
      %swap3A_409 = tpu.vector_load %arg5[%swap3A_408] {strides = array<i32>} : memref<65536xf32, #tpu.memory_space<vmem>>, vector<16xf32>,
      tpu.vector_store %arg5[%swap3A_408], %broadcast_in_dim3A_5 {strides = array<i32>} : memref<65536xf32, #tpu.memory_space<vmem>>, vector<16xf32>,
      %add3A_410 = vector.broadcast %add3A_403 : i32 to vector<16xi32>
      %add3A_411 = arith.addi %add3A_410, %add3A_11 : vector<16xi32>
      tpu.vector_store_idx %arg5[%add3A_411], %get3A_399 : memref<65536xf32, #tpu.memory_space<vmem>>[vector<16xi32>], vector<16xf32>,
    }
    %scan3A_104 = arith.constant 32 : i32
    %add3A_105 = arith.constant 8192 : i32
    %add3A_106 = arith.addi %mul3A_4, %add3A_105 : i32
    %dma_start3A_107 = arith.constant 8192 : i32
    %dma_start3A_108 = tpu.memref_slice %arg5[%dma_start3A_107] : memref<65536xf32, #tpu.memory_space<vmem>> -> memref<8192xf32, #tpu.memory_space<vmem>>
    %dma_start3A_109 = tpu.memref_slice %arg3[%add3A_106] : memref<2097152xf32, #tpu.memory_space<hbm>> -> memref<8192xf32, #tpu.memory_space<hbm>>
    %dma_start3A_110 = tpu.memref_slice %arg3[%add3A_106] : memref<2097152xf32, #tpu.memory_space<hbm>> -> memref<8192xf32, #tpu.memory_space<hbm>>
    %dma_start3A_111 = arith.constant 8192 : i32
    %dma_start3A_112 = tpu.memref_slice %arg5[%dma_start3A_111] : memref<65536xf32, #tpu.memory_space<vmem>> -> memref<8192xf32, #tpu.memory_space<vmem>>
    tpu.enqueue_dma source(%dma_start3A_112 : memref<8192xf32, #tpu.memory_space<vmem>>) target(%dma_start3A_110 : memref<8192xf32, #tpu.memory_space<hbm>>) target_semaphore(%arg15 : memref<!tpu.dma_semaphore, #tpu.memory_space<semaphore_mem>>)
    %dma_wait3A_113 = arith.constant 8192 : i32
    %dma_wait3A_114 = tpu.memref_slice %arg4[%dma_wait3A_113] : memref<32768xf32, #tpu.memory_space<vmem>> -> memref<4096xf32, #tpu.memory_space<vmem>>
    %dma_wait3A_115 = tpu.memref_slice %arg2[%add3A_28] : memref<1048576xf32, #tpu.memory_space<hbm>> -> memref<4096xf32, #tpu.memory_space<hbm>>
    %dma_wait3A_116 = arith.constant 8192 : i32
    %dma_wait3A_117 = tpu.memref_slice %arg4[%dma_wait3A_116] : memref<32768xf32, #tpu.memory_space<vmem>> -> memref<4096xf32, #tpu.memory_space<vmem>>
    %dma_wait3A_118 = tpu.memref_slice %arg2[%add3A_28] : memref<1048576xf32, #tpu.memory_space<hbm>> -> memref<4096xf32, #tpu.memory_space<hbm>>
    tpu.wait_dma2 semaphore(%arg8 : memref<!tpu.dma_semaphore, #tpu.memory_space<semaphore_mem>>) src(%dma_wait3A_118 : memref<4096xf32, #tpu.memory_space<hbm>>) dst(%dma_wait3A_117 : memref<4096xf32, #tpu.memory_space<vmem>>)
    %scan3A_119 = arith.constant 0 : i32
    %scan3A_120 = arith.constant 0 : i32
    %scan3A_121 = arith.constant 32 : i32
    %scan3A_122 = arith.addi %scan3A_120, %scan3A_121 : i32
    %scan3A_123 = arith.constant 1 : i32
    scf.for %scan3A_281 = %scan3A_120 to %scan3A_122 step %scan3A_123  : i32 {
      %mul3A_282 = arith.constant 128 : i32
      %mul3A_283 = arith.muli %scan3A_281, %mul3A_282 : i32
      %add3A_284 = arith.constant 8192 : i32
      %add3A_285 = arith.addi %add3A_284, %mul3A_283 : i32
      %add3A_286 = arith.constant 0 : i32
      %add3A_287 = arith.addi %add3A_285, %add3A_286 : i32
      %get3A = arith.index_cast %add3A_287 : i32 to index
      %get3A_288 = tpu.vector_load %arg4[%get3A] {strides = array<i32>} : memref<32768xf32, #tpu.memory_space<vmem>>, vector<16xf32>,
      %mul3A_289 = arith.constant 2 : i32
      %mul3A_290 = arith.muli %mul3A_289, %add3A_285 : i32
      %add3A_291 = arith.constant 0 : i32
      %add3A_292 = arith.addi %mul3A_290, %add3A_291 : i32
      %swap3A = arith.index_cast %add3A_292 : i32 to index
      %swap3A_293 = tpu.vector_load %arg5[%swap3A] {strides = array<i32>} : memref<65536xf32, #tpu.memory_space<vmem>>, vector<16xf32>,
      tpu.vector_store %arg5[%swap3A], %broadcast_in_dim3A_5 {strides = array<i32>} : memref<65536xf32, #tpu.memory_space<vmem>>, vector<16xf32>,
      %add3A_294 = arith.constant 16 : i32
      %add3A_295 = arith.addi %add3A_292, %add3A_294 : i32
      %swap3A_296 = arith.index_cast %add3A_295 : i32 to index
      %swap3A_297 = tpu.vector_load %arg5[%swap3A_296] {strides = array<i32>} : memref<65536xf32, #tpu.memory_space<vmem>>, vector<16xf32>,
      tpu.vector_store %arg5[%swap3A_296], %broadcast_in_dim3A_5 {strides = array<i32>} : memref<65536xf32, #tpu.memory_space<vmem>>, vector<16xf32>,
      %add3A_298 = vector.broadcast %add3A_292 : i32 to vector<16xi32>
      %add3A_299 = arith.addi %add3A_298, %add3A_11 : vector<16xi32>
      tpu.vector_store_idx %arg5[%add3A_299], %get3A_288 : memref<65536xf32, #tpu.memory_space<vmem>>[vector<16xi32>], vector<16xf32>,
      %add3A_300 = arith.constant 16 : i32
      %add3A_301 = arith.addi %add3A_285, %add3A_300 : i32
      %get3A_302 = arith.index_cast %add3A_301 : i32 to index
      %get3A_303 = tpu.vector_load %arg4[%get3A_302] {strides = array<i32>} : memref<32768xf32, #tpu.memory_space<vmem>>, vector<16xf32>,
      %mul3A_304 = arith.constant 2 : i32
      %mul3A_305 = arith.muli %mul3A_304, %add3A_285 : i32
      %add3A_306 = arith.constant 32 : i32
      %add3A_307 = arith.addi %mul3A_305, %add3A_306 : i32
      %swap3A_308 = arith.index_cast %add3A_307 : i32 to index
      %swap3A_309 = tpu.vector_load %arg5[%swap3A_308] {strides = array<i32>} : memref<65536xf32, #tpu.memory_space<vmem>>, vector<16xf32>,
      tpu.vector_store %arg5[%swap3A_308], %broadcast_in_dim3A_5 {strides = array<i32>} : memref<65536xf32, #tpu.memory_space<vmem>>, vector<16xf32>,
      %add3A_310 = arith.constant 16 : i32
      %add3A_311 = arith.addi %add3A_307, %add3A_310 : i32
      %swap3A_312 = arith.index_cast %add3A_311 : i32 to index
      %swap3A_313 = tpu.vector_load %arg5[%swap3A_312] {strides = array<i32>} : memref<65536xf32, #tpu.memory_space<vmem>>, vector<16xf32>,
      tpu.vector_store %arg5[%swap3A_312], %broadcast_in_dim3A_5 {strides = array<i32>} : memref<65536xf32, #tpu.memory_space<vmem>>, vector<16xf32>,
      %add3A_314 = vector.broadcast %add3A_307 : i32 to vector<16xi32>
      %add3A_315 = arith.addi %add3A_314, %add3A_11 : vector<16xi32>
      tpu.vector_store_idx %arg5[%add3A_315], %get3A_303 : memref<65536xf32, #tpu.memory_space<vmem>>[vector<16xi32>], vector<16xf32>,
      %add3A_316 = arith.constant 32 : i32
      %add3A_317 = arith.addi %add3A_285, %add3A_316 : i32
      %get3A_318 = arith.index_cast %add3A_317 : i32 to index
      %get3A_319 = tpu.vector_load %arg4[%get3A_318] {strides = array<i32>} : memref<32768xf32, #tpu.memory_space<vmem>>, vector<16xf32>,
      %mul3A_320 = arith.constant 2 : i32
      %mul3A_321 = arith.muli %mul3A_320, %add3A_285 : i32
      %add3A_322 = arith.constant 64 : i32
      %add3A_323 = arith.addi %mul3A_321, %add3A_322 : i32
      %swap3A_324 = arith.index_cast %add3A_323 : i32 to index
      %swap3A_325 = tpu.vector_load %arg5[%swap3A_324] {strides = array<i32>} : memref<65536xf32, #tpu.memory_space<vmem>>, vector<16xf32>,
      tpu.vector_store %arg5[%swap3A_324], %broadcast_in_dim3A_5 {strides = array<i32>} : memref<65536xf32, #tpu.memory_space<vmem>>, vector<16xf32>,
      %add3A_326 = arith.constant 16 : i32
      %add3A_327 = arith.addi %add3A_323, %add3A_326 : i32
      %swap3A_328 = arith.index_cast %add3A_327 : i32 to index
      %swap3A_329 = tpu.vector_load %arg5[%swap3A_328] {strides = array<i32>} : memref<65536xf32, #tpu.memory_space<vmem>>, vector<16xf32>,
      tpu.vector_store %arg5[%swap3A_328], %broadcast_in_dim3A_5 {strides = array<i32>} : memref<65536xf32, #tpu.memory_space<vmem>>, vector<16xf32>,
      %add3A_330 = vector.broadcast %add3A_323 : i32 to vector<16xi32>
      %add3A_331 = arith.addi %add3A_330, %add3A_11 : vector<16xi32>
      tpu.vector_store_idx %arg5[%add3A_331], %get3A_319 : memref<65536xf32, #tpu.memory_space<vmem>>[vector<16xi32>], vector<16xf32>,
      %add3A_332 = arith.constant 48 : i32
      %add3A_333 = arith.addi %add3A_285, %add3A_332 : i32
      %get3A_334 = arith.index_cast %add3A_333 : i32 to index
      %get3A_335 = tpu.vector_load %arg4[%get3A_334] {strides = array<i32>} : memref<32768xf32, #tpu.memory_space<vmem>>, vector<16xf32>,
      %mul3A_336 = arith.constant 2 : i32
      %mul3A_337 = arith.muli %mul3A_336, %add3A_285 : i32
      %add3A_338 = arith.constant 96 : i32
      %add3A_339 = arith.addi %mul3A_337, %add3A_338 : i32
      %swap3A_340 = arith.index_cast %add3A_339 : i32 to index
      %swap3A_341 = tpu.vector_load %arg5[%swap3A_340] {strides = array<i32>} : memref<65536xf32, #tpu.memory_space<vmem>>, vector<16xf32>,
      tpu.vector_store %arg5[%swap3A_340], %broadcast_in_dim3A_5 {strides = array<i32>} : memref<65536xf32, #tpu.memory_space<vmem>>, vector<16xf32>,
      %add3A_342 = arith.constant 16 : i32
      %add3A_343 = arith.addi %add3A_339, %add3A_342 : i32
      %swap3A_344 = arith.index_cast %add3A_343 : i32 to index
      %swap3A_345 = tpu.vector_load %arg5[%swap3A_344] {strides = array<i32>} : memref<65536xf32, #tpu.memory_space<vmem>>, vector<16xf32>,
      tpu.vector_store %arg5[%swap3A_344], %broadcast_in_dim3A_5 {strides = array<i32>} : memref<65536xf32, #tpu.memory_space<vmem>>, vector<16xf32>,
      %add3A_346 = vector.broadcast %add3A_339 : i32 to vector<16xi32>
      %add3A_347 = arith.addi %add3A_346, %add3A_11 : vector<16xi32>
      tpu.vector_store_idx %arg5[%add3A_347], %get3A_335 : memref<65536xf32, #tpu.memory_space<vmem>>[vector<16xi32>], vector<16xf32>,
      %add3A_348 = arith.constant 64 : i32
      %add3A_349 = arith.addi %add3A_285, %add3A_348 : i32
      %get3A_350 = arith.index_cast %add3A_349 : i32 to index
      %get3A_351 = tpu.vector_load %arg4[%get3A_350] {strides = array<i32>} : memref<32768xf32, #tpu.memory_space<vmem>>, vector<16xf32>,
      %mul3A_352 = arith.constant 2 : i32
      %mul3A_353 = arith.muli %mul3A_352, %add3A_285 : i32
      %add3A_354 = arith.constant 128 : i32
      %add3A_355 = arith.addi %mul3A_353, %add3A_354 : i32
      %swap3A_356 = arith.index_cast %add3A_355 : i32 to index
      %swap3A_357 = tpu.vector_load %arg5[%swap3A_356] {strides = array<i32>} : memref<65536xf32, #tpu.memory_space<vmem>>, vector<16xf32>,
      tpu.vector_store %arg5[%swap3A_356], %broadcast_in_dim3A_5 {strides = array<i32>} : memref<65536xf32, #tpu.memory_space<vmem>>, vector<16xf32>,
      %add3A_358 = arith.constant 16 : i32
      %add3A_359 = arith.addi %add3A_355, %add3A_358 : i32
      %swap3A_360 = arith.index_cast %add3A_359 : i32 to index
      %swap3A_361 = tpu.vector_load %arg5[%swap3A_360] {strides = array<i32>} : memref<65536xf32, #tpu.memory_space<vmem>>, vector<16xf32>,
      tpu.vector_store %arg5[%swap3A_360], %broadcast_in_dim3A_5 {strides = array<i32>} : memref<65536xf32, #tpu.memory_space<vmem>>, vector<16xf32>,
      %add3A_362 = vector.broadcast %add3A_355 : i32 to vector<16xi32>
      %add3A_363 = arith.addi %add3A_362, %add3A_11 : vector<16xi32>
      tpu.vector_store_idx %arg5[%add3A_363], %get3A_351 : memref<65536xf32, #tpu.memory_space<vmem>>[vector<16xi32>], vector<16xf32>,
      %add3A_364 = arith.constant 80 : i32
      %add3A_365 = arith.addi %add3A_285, %add3A_364 : i32
      %get3A_366 = arith.index_cast %add3A_365 : i32 to index
      %get3A_367 = tpu.vector_load %arg4[%get3A_366] {strides = array<i32>} : memref<32768xf32, #tpu.memory_space<vmem>>, vector<16xf32>,
      %mul3A_368 = arith.constant 2 : i32
      %mul3A_369 = arith.muli %mul3A_368, %add3A_285 : i32
      %add3A_370 = arith.constant 160 : i32
      %add3A_371 = arith.addi %mul3A_369, %add3A_370 : i32
      %swap3A_372 = arith.index_cast %add3A_371 : i32 to index
      %swap3A_373 = tpu.vector_load %arg5[%swap3A_372] {strides = array<i32>} : memref<65536xf32, #tpu.memory_space<vmem>>, vector<16xf32>,
      tpu.vector_store %arg5[%swap3A_372], %broadcast_in_dim3A_5 {strides = array<i32>} : memref<65536xf32, #tpu.memory_space<vmem>>, vector<16xf32>,
      %add3A_374 = arith.constant 16 : i32
      %add3A_375 = arith.addi %add3A_371, %add3A_374 : i32
      %swap3A_376 = arith.index_cast %add3A_375 : i32 to index
      %swap3A_377 = tpu.vector_load %arg5[%swap3A_376] {strides = array<i32>} : memref<65536xf32, #tpu.memory_space<vmem>>, vector<16xf32>,
      tpu.vector_store %arg5[%swap3A_376], %broadcast_in_dim3A_5 {strides = array<i32>} : memref<65536xf32, #tpu.memory_space<vmem>>, vector<16xf32>,
      %add3A_378 = vector.broadcast %add3A_371 : i32 to vector<16xi32>
      %add3A_379 = arith.addi %add3A_378, %add3A_11 : vector<16xi32>
      tpu.vector_store_idx %arg5[%add3A_379], %get3A_367 : memref<65536xf32, #tpu.memory_space<vmem>>[vector<16xi32>], vector<16xf32>,
      %add3A_380 = arith.constant 96 : i32
      %add3A_381 = arith.addi %add3A_285, %add3A_380 : i32
      %get3A_382 = arith.index_cast %add3A_381 : i32 to index
      %get3A_383 = tpu.vector_load %arg4[%get3A_382] {strides = array<i32>} : memref<32768xf32, #tpu.memory_space<vmem>>, vector<16xf32>,
      %mul3A_384 = arith.constant 2 : i32
      %mul3A_385 = arith.muli %mul3A_384, %add3A_285 : i32
      %add3A_386 = arith.constant 192 : i32
      %add3A_387 = arith.addi %mul3A_385, %add3A_386 : i32
      %swap3A_388 = arith.index_cast %add3A_387 : i32 to index
      %swap3A_389 = tpu.vector_load %arg5[%swap3A_388] {strides = array<i32>} : memref<65536xf32, #tpu.memory_space<vmem>>, vector<16xf32>,
      tpu.vector_store %arg5[%swap3A_388], %broadcast_in_dim3A_5 {strides = array<i32>} : memref<65536xf32, #tpu.memory_space<vmem>>, vector<16xf32>,
      %add3A_390 = arith.constant 16 : i32
      %add3A_391 = arith.addi %add3A_387, %add3A_390 : i32
      %swap3A_392 = arith.index_cast %add3A_391 : i32 to index
      %swap3A_393 = tpu.vector_load %arg5[%swap3A_392] {strides = array<i32>} : memref<65536xf32, #tpu.memory_space<vmem>>, vector<16xf32>,
      tpu.vector_store %arg5[%swap3A_392], %broadcast_in_dim3A_5 {strides = array<i32>} : memref<65536xf32, #tpu.memory_space<vmem>>, vector<16xf32>,
      %add3A_394 = vector.broadcast %add3A_387 : i32 to vector<16xi32>
      %add3A_395 = arith.addi %add3A_394, %add3A_11 : vector<16xi32>
      tpu.vector_store_idx %arg5[%add3A_395], %get3A_383 : memref<65536xf32, #tpu.memory_space<vmem>>[vector<16xi32>], vector<16xf32>,
      %add3A_396 = arith.constant 112 : i32
      %add3A_397 = arith.addi %add3A_285, %add3A_396 : i32
      %get3A_398 = arith.index_cast %add3A_397 : i32 to index
      %get3A_399 = tpu.vector_load %arg4[%get3A_398] {strides = array<i32>} : memref<32768xf32, #tpu.memory_space<vmem>>, vector<16xf32>,
      %mul3A_400 = arith.constant 2 : i32
      %mul3A_401 = arith.muli %mul3A_400, %add3A_285 : i32
      %add3A_402 = arith.constant 224 : i32
      %add3A_403 = arith.addi %mul3A_401, %add3A_402 : i32
      %swap3A_404 = arith.index_cast %add3A_403 : i32 to index
      %swap3A_405 = tpu.vector_load %arg5[%swap3A_404] {strides = array<i32>} : memref<65536xf32, #tpu.memory_space<vmem>>, vector<16xf32>,
      tpu.vector_store %arg5[%swap3A_404], %broadcast_in_dim3A_5 {strides = array<i32>} : memref<65536xf32, #tpu.memory_space<vmem>>, vector<16xf32>,
      %add3A_406 = arith.constant 16 : i32
      %add3A_407 = arith.addi %add3A_403, %add3A_406 : i32
      %swap3A_408 = arith.index_cast %add3A_407 : i32 to index
      %swap3A_409 = tpu.vector_load %arg5[%swap3A_408] {strides = array<i32>} : memref<65536xf32, #tpu.memory_space<vmem>>, vector<16xf32>,
      tpu.vector_store %arg5[%swap3A_408], %broadcast_in_dim3A_5 {strides = array<i32>} : memref<65536xf32, #tpu.memory_space<vmem>>, vector<16xf32>,
      %add3A_410 = vector.broadcast %add3A_403 : i32 to vector<16xi32>
      %add3A_411 = arith.addi %add3A_410, %add3A_11 : vector<16xi32>
      tpu.vector_store_idx %arg5[%add3A_411], %get3A_399 : memref<65536xf32, #tpu.memory_space<vmem>>[vector<16xi32>], vector<16xf32>,
    }
    %scan3A_124 = arith.constant 32 : i32
    %add3A_125 = arith.constant 16384 : i32
    %add3A_126 = arith.addi %mul3A_4, %add3A_125 : i32
    %dma_start3A_127 = arith.constant 16384 : i32
    %dma_start3A_128 = tpu.memref_slice %arg5[%dma_start3A_127] : memref<65536xf32, #tpu.memory_space<vmem>> -> memref<8192xf32, #tpu.memory_space<vmem>>
    %dma_start3A_129 = tpu.memref_slice %arg3[%add3A_126] : memref<2097152xf32, #tpu.memory_space<hbm>> -> memref<8192xf32, #tpu.memory_space<hbm>>
    %dma_start3A_130 = tpu.memref_slice %arg3[%add3A_126] : memref<2097152xf32, #tpu.memory_space<hbm>> -> memref<8192xf32, #tpu.memory_space<hbm>>
    %dma_start3A_131 = arith.constant 16384 : i32
    %dma_start3A_132 = tpu.memref_slice %arg5[%dma_start3A_131] : memref<65536xf32, #tpu.memory_space<vmem>> -> memref<8192xf32, #tpu.memory_space<vmem>>
    tpu.enqueue_dma source(%dma_start3A_132 : memref<8192xf32, #tpu.memory_space<vmem>>) target(%dma_start3A_130 : memref<8192xf32, #tpu.memory_space<hbm>>) target_semaphore(%arg16 : memref<!tpu.dma_semaphore, #tpu.memory_space<semaphore_mem>>)
    %dma_wait3A_133 = arith.constant 12288 : i32
    %dma_wait3A_134 = tpu.memref_slice %arg4[%dma_wait3A_133] : memref<32768xf32, #tpu.memory_space<vmem>> -> memref<4096xf32, #tpu.memory_space<vmem>>
    %dma_wait3A_135 = tpu.memref_slice %arg2[%add3A_36] : memref<1048576xf32, #tpu.memory_space<hbm>> -> memref<4096xf32, #tpu.memory_space<hbm>>
    %dma_wait3A_136 = arith.constant 12288 : i32
    %dma_wait3A_137 = tpu.memref_slice %arg4[%dma_wait3A_136] : memref<32768xf32, #tpu.memory_space<vmem>> -> memref<4096xf32, #tpu.memory_space<vmem>>
    %dma_wait3A_138 = tpu.memref_slice %arg2[%add3A_36] : memref<1048576xf32, #tpu.memory_space<hbm>> -> memref<4096xf32, #tpu.memory_space<hbm>>
    tpu.wait_dma2 semaphore(%arg9 : memref<!tpu.dma_semaphore, #tpu.memory_space<semaphore_mem>>) src(%dma_wait3A_138 : memref<4096xf32, #tpu.memory_space<hbm>>) dst(%dma_wait3A_137 : memref<4096xf32, #tpu.memory_space<vmem>>)
    %scan3A_139 = arith.constant 0 : i32
    %scan3A_140 = arith.constant 0 : i32
    %scan3A_141 = arith.constant 32 : i32
    %scan3A_142 = arith.addi %scan3A_140, %scan3A_141 : i32
    %scan3A_143 = arith.constant 1 : i32
    scf.for %scan3A_281 = %scan3A_140 to %scan3A_142 step %scan3A_143  : i32 {
      %mul3A_282 = arith.constant 128 : i32
      %mul3A_283 = arith.muli %scan3A_281, %mul3A_282 : i32
      %add3A_284 = arith.constant 12288 : i32
      %add3A_285 = arith.addi %add3A_284, %mul3A_283 : i32
      %add3A_286 = arith.constant 0 : i32
      %add3A_287 = arith.addi %add3A_285, %add3A_286 : i32
      %get3A = arith.index_cast %add3A_287 : i32 to index
      %get3A_288 = tpu.vector_load %arg4[%get3A] {strides = array<i32>} : memref<32768xf32, #tpu.memory_space<vmem>>, vector<16xf32>,
      %mul3A_289 = arith.constant 2 : i32
      %mul3A_290 = arith.muli %mul3A_289, %add3A_285 : i32
      %add3A_291 = arith.constant 0 : i32
      %add3A_292 = arith.addi %mul3A_290, %add3A_291 : i32
      %swap3A = arith.index_cast %add3A_292 : i32 to index
      %swap3A_293 = tpu.vector_load %arg5[%swap3A] {strides = array<i32>} : memref<65536xf32, #tpu.memory_space<vmem>>, vector<16xf32>,
      tpu.vector_store %arg5[%swap3A], %broadcast_in_dim3A_5 {strides = array<i32>} : memref<65536xf32, #tpu.memory_space<vmem>>, vector<16xf32>,
      %add3A_294 = arith.constant 16 : i32
      %add3A_295 = arith.addi %add3A_292, %add3A_294 : i32
      %swap3A_296 = arith.index_cast %add3A_295 : i32 to index
      %swap3A_297 = tpu.vector_load %arg5[%swap3A_296] {strides = array<i32>} : memref<65536xf32, #tpu.memory_space<vmem>>, vector<16xf32>,
      tpu.vector_store %arg5[%swap3A_296], %broadcast_in_dim3A_5 {strides = array<i32>} : memref<65536xf32, #tpu.memory_space<vmem>>, vector<16xf32>,
      %add3A_298 = vector.broadcast %add3A_292 : i32 to vector<16xi32>
      %add3A_299 = arith.addi %add3A_298, %add3A_11 : vector<16xi32>
      tpu.vector_store_idx %arg5[%add3A_299], %get3A_288 : memref<65536xf32, #tpu.memory_space<vmem>>[vector<16xi32>], vector<16xf32>,
      %add3A_300 = arith.constant 16 : i32
      %add3A_301 = arith.addi %add3A_285, %add3A_300 : i32
      %get3A_302 = arith.index_cast %add3A_301 : i32 to index
      %get3A_303 = tpu.vector_load %arg4[%get3A_302] {strides = array<i32>} : memref<32768xf32, #tpu.memory_space<vmem>>, vector<16xf32>,
      %mul3A_304 = arith.constant 2 : i32
      %mul3A_305 = arith.muli %mul3A_304, %add3A_285 : i32
      %add3A_306 = arith.constant 32 : i32
      %add3A_307 = arith.addi %mul3A_305, %add3A_306 : i32
      %swap3A_308 = arith.index_cast %add3A_307 : i32 to index
      %swap3A_309 = tpu.vector_load %arg5[%swap3A_308] {strides = array<i32>} : memref<65536xf32, #tpu.memory_space<vmem>>, vector<16xf32>,
      tpu.vector_store %arg5[%swap3A_308], %broadcast_in_dim3A_5 {strides = array<i32>} : memref<65536xf32, #tpu.memory_space<vmem>>, vector<16xf32>,
      %add3A_310 = arith.constant 16 : i32
      %add3A_311 = arith.addi %add3A_307, %add3A_310 : i32
      %swap3A_312 = arith.index_cast %add3A_311 : i32 to index
      %swap3A_313 = tpu.vector_load %arg5[%swap3A_312] {strides = array<i32>} : memref<65536xf32, #tpu.memory_space<vmem>>, vector<16xf32>,
      tpu.vector_store %arg5[%swap3A_312], %broadcast_in_dim3A_5 {strides = array<i32>} : memref<65536xf32, #tpu.memory_space<vmem>>, vector<16xf32>,
      %add3A_314 = vector.broadcast %add3A_307 : i32 to vector<16xi32>
      %add3A_315 = arith.addi %add3A_314, %add3A_11 : vector<16xi32>
      tpu.vector_store_idx %arg5[%add3A_315], %get3A_303 : memref<65536xf32, #tpu.memory_space<vmem>>[vector<16xi32>], vector<16xf32>,
      %add3A_316 = arith.constant 32 : i32
      %add3A_317 = arith.addi %add3A_285, %add3A_316 : i32
      %get3A_318 = arith.index_cast %add3A_317 : i32 to index
      %get3A_319 = tpu.vector_load %arg4[%get3A_318] {strides = array<i32>} : memref<32768xf32, #tpu.memory_space<vmem>>, vector<16xf32>,
      %mul3A_320 = arith.constant 2 : i32
      %mul3A_321 = arith.muli %mul3A_320, %add3A_285 : i32
      %add3A_322 = arith.constant 64 : i32
      %add3A_323 = arith.addi %mul3A_321, %add3A_322 : i32
      %swap3A_324 = arith.index_cast %add3A_323 : i32 to index
      %swap3A_325 = tpu.vector_load %arg5[%swap3A_324] {strides = array<i32>} : memref<65536xf32, #tpu.memory_space<vmem>>, vector<16xf32>,
      tpu.vector_store %arg5[%swap3A_324], %broadcast_in_dim3A_5 {strides = array<i32>} : memref<65536xf32, #tpu.memory_space<vmem>>, vector<16xf32>,
      %add3A_326 = arith.constant 16 : i32
      %add3A_327 = arith.addi %add3A_323, %add3A_326 : i32
      %swap3A_328 = arith.index_cast %add3A_327 : i32 to index
      %swap3A_329 = tpu.vector_load %arg5[%swap3A_328] {strides = array<i32>} : memref<65536xf32, #tpu.memory_space<vmem>>, vector<16xf32>,
      tpu.vector_store %arg5[%swap3A_328], %broadcast_in_dim3A_5 {strides = array<i32>} : memref<65536xf32, #tpu.memory_space<vmem>>, vector<16xf32>,
      %add3A_330 = vector.broadcast %add3A_323 : i32 to vector<16xi32>
      %add3A_331 = arith.addi %add3A_330, %add3A_11 : vector<16xi32>
      tpu.vector_store_idx %arg5[%add3A_331], %get3A_319 : memref<65536xf32, #tpu.memory_space<vmem>>[vector<16xi32>], vector<16xf32>,
      %add3A_332 = arith.constant 48 : i32
      %add3A_333 = arith.addi %add3A_285, %add3A_332 : i32
      %get3A_334 = arith.index_cast %add3A_333 : i32 to index
      %get3A_335 = tpu.vector_load %arg4[%get3A_334] {strides = array<i32>} : memref<32768xf32, #tpu.memory_space<vmem>>, vector<16xf32>,
      %mul3A_336 = arith.constant 2 : i32
      %mul3A_337 = arith.muli %mul3A_336, %add3A_285 : i32
      %add3A_338 = arith.constant 96 : i32
      %add3A_339 = arith.addi %mul3A_337, %add3A_338 : i32
      %swap3A_340 = arith.index_cast %add3A_339 : i32 to index
      %swap3A_341 = tpu.vector_load %arg5[%swap3A_340] {strides = array<i32>} : memref<65536xf32, #tpu.memory_space<vmem>>, vector<16xf32>,
      tpu.vector_store %arg5[%swap3A_340], %broadcast_in_dim3A_5 {strides = array<i32>} : memref<65536xf32, #tpu.memory_space<vmem>>, vector<16xf32>,
      %add3A_342 = arith.constant 16 : i32
      %add3A_343 = arith.addi %add3A_339, %add3A_342 : i32
      %swap3A_344 = arith.index_cast %add3A_343 : i32 to index
      %swap3A_345 = tpu.vector_load %arg5[%swap3A_344] {strides = array<i32>} : memref<65536xf32, #tpu.memory_space<vmem>>, vector<16xf32>,
      tpu.vector_store %arg5[%swap3A_344], %broadcast_in_dim3A_5 {strides = array<i32>} : memref<65536xf32, #tpu.memory_space<vmem>>, vector<16xf32>,
      %add3A_346 = vector.broadcast %add3A_339 : i32 to vector<16xi32>
      %add3A_347 = arith.addi %add3A_346, %add3A_11 : vector<16xi32>
      tpu.vector_store_idx %arg5[%add3A_347], %get3A_335 : memref<65536xf32, #tpu.memory_space<vmem>>[vector<16xi32>], vector<16xf32>,
      %add3A_348 = arith.constant 64 : i32
      %add3A_349 = arith.addi %add3A_285, %add3A_348 : i32
      %get3A_350 = arith.index_cast %add3A_349 : i32 to index
      %get3A_351 = tpu.vector_load %arg4[%get3A_350] {strides = array<i32>} : memref<32768xf32, #tpu.memory_space<vmem>>, vector<16xf32>,
      %mul3A_352 = arith.constant 2 : i32
      %mul3A_353 = arith.muli %mul3A_352, %add3A_285 : i32
      %add3A_354 = arith.constant 128 : i32
      %add3A_355 = arith.addi %mul3A_353, %add3A_354 : i32
      %swap3A_356 = arith.index_cast %add3A_355 : i32 to index
      %swap3A_357 = tpu.vector_load %arg5[%swap3A_356] {strides = array<i32>} : memref<65536xf32, #tpu.memory_space<vmem>>, vector<16xf32>,
      tpu.vector_store %arg5[%swap3A_356], %broadcast_in_dim3A_5 {strides = array<i32>} : memref<65536xf32, #tpu.memory_space<vmem>>, vector<16xf32>,
      %add3A_358 = arith.constant 16 : i32
      %add3A_359 = arith.addi %add3A_355, %add3A_358 : i32
      %swap3A_360 = arith.index_cast %add3A_359 : i32 to index
      %swap3A_361 = tpu.vector_load %arg5[%swap3A_360] {strides = array<i32>} : memref<65536xf32, #tpu.memory_space<vmem>>, vector<16xf32>,
      tpu.vector_store %arg5[%swap3A_360], %broadcast_in_dim3A_5 {strides = array<i32>} : memref<65536xf32, #tpu.memory_space<vmem>>, vector<16xf32>,
      %add3A_362 = vector.broadcast %add3A_355 : i32 to vector<16xi32>
      %add3A_363 = arith.addi %add3A_362, %add3A_11 : vector<16xi32>
      tpu.vector_store_idx %arg5[%add3A_363], %get3A_351 : memref<65536xf32, #tpu.memory_space<vmem>>[vector<16xi32>], vector<16xf32>,
      %add3A_364 = arith.constant 80 : i32
      %add3A_365 = arith.addi %add3A_285, %add3A_364 : i32
      %get3A_366 = arith.index_cast %add3A_365 : i32 to index
      %get3A_367 = tpu.vector_load %arg4[%get3A_366] {strides = array<i32>} : memref<32768xf32, #tpu.memory_space<vmem>>, vector<16xf32>,
      %mul3A_368 = arith.constant 2 : i32
      %mul3A_369 = arith.muli %mul3A_368, %add3A_285 : i32
      %add3A_370 = arith.constant 160 : i32
      %add3A_371 = arith.addi %mul3A_369, %add3A_370 : i32
      %swap3A_372 = arith.index_cast %add3A_371 : i32 to index
      %swap3A_373 = tpu.vector_load %arg5[%swap3A_372] {strides = array<i32>} : memref<65536xf32, #tpu.memory_space<vmem>>, vector<16xf32>,
      tpu.vector_store %arg5[%swap3A_372], %broadcast_in_dim3A_5 {strides = array<i32>} : memref<65536xf32, #tpu.memory_space<vmem>>, vector<16xf32>,
      %add3A_374 = arith.constant 16 : i32
      %add3A_375 = arith.addi %add3A_371, %add3A_374 : i32
      %swap3A_376 = arith.index_cast %add3A_375 : i32 to index
      %swap3A_377 = tpu.vector_load %arg5[%swap3A_376] {strides = array<i32>} : memref<65536xf32, #tpu.memory_space<vmem>>, vector<16xf32>,
      tpu.vector_store %arg5[%swap3A_376], %broadcast_in_dim3A_5 {strides = array<i32>} : memref<65536xf32, #tpu.memory_space<vmem>>, vector<16xf32>,
      %add3A_378 = vector.broadcast %add3A_371 : i32 to vector<16xi32>
      %add3A_379 = arith.addi %add3A_378, %add3A_11 : vector<16xi32>
      tpu.vector_store_idx %arg5[%add3A_379], %get3A_367 : memref<65536xf32, #tpu.memory_space<vmem>>[vector<16xi32>], vector<16xf32>,
      %add3A_380 = arith.constant 96 : i32
      %add3A_381 = arith.addi %add3A_285, %add3A_380 : i32
      %get3A_382 = arith.index_cast %add3A_381 : i32 to index
      %get3A_383 = tpu.vector_load %arg4[%get3A_382] {strides = array<i32>} : memref<32768xf32, #tpu.memory_space<vmem>>, vector<16xf32>,
      %mul3A_384 = arith.constant 2 : i32
      %mul3A_385 = arith.muli %mul3A_384, %add3A_285 : i32
      %add3A_386 = arith.constant 192 : i32
      %add3A_387 = arith.addi %mul3A_385, %add3A_386 : i32
      %swap3A_388 = arith.index_cast %add3A_387 : i32 to index
      %swap3A_389 = tpu.vector_load %arg5[%swap3A_388] {strides = array<i32>} : memref<65536xf32, #tpu.memory_space<vmem>>, vector<16xf32>,
      tpu.vector_store %arg5[%swap3A_388], %broadcast_in_dim3A_5 {strides = array<i32>} : memref<65536xf32, #tpu.memory_space<vmem>>, vector<16xf32>,
      %add3A_390 = arith.constant 16 : i32
      %add3A_391 = arith.addi %add3A_387, %add3A_390 : i32
      %swap3A_392 = arith.index_cast %add3A_391 : i32 to index
      %swap3A_393 = tpu.vector_load %arg5[%swap3A_392] {strides = array<i32>} : memref<65536xf32, #tpu.memory_space<vmem>>, vector<16xf32>,
      tpu.vector_store %arg5[%swap3A_392], %broadcast_in_dim3A_5 {strides = array<i32>} : memref<65536xf32, #tpu.memory_space<vmem>>, vector<16xf32>,
      %add3A_394 = vector.broadcast %add3A_387 : i32 to vector<16xi32>
      %add3A_395 = arith.addi %add3A_394, %add3A_11 : vector<16xi32>
      tpu.vector_store_idx %arg5[%add3A_395], %get3A_383 : memref<65536xf32, #tpu.memory_space<vmem>>[vector<16xi32>], vector<16xf32>,
      %add3A_396 = arith.constant 112 : i32
      %add3A_397 = arith.addi %add3A_285, %add3A_396 : i32
      %get3A_398 = arith.index_cast %add3A_397 : i32 to index
      %get3A_399 = tpu.vector_load %arg4[%get3A_398] {strides = array<i32>} : memref<32768xf32, #tpu.memory_space<vmem>>, vector<16xf32>,
      %mul3A_400 = arith.constant 2 : i32
      %mul3A_401 = arith.muli %mul3A_400, %add3A_285 : i32
      %add3A_402 = arith.constant 224 : i32
      %add3A_403 = arith.addi %mul3A_401, %add3A_402 : i32
      %swap3A_404 = arith.index_cast %add3A_403 : i32 to index
      %swap3A_405 = tpu.vector_load %arg5[%swap3A_404] {strides = array<i32>} : memref<65536xf32, #tpu.memory_space<vmem>>, vector<16xf32>,
      tpu.vector_store %arg5[%swap3A_404], %broadcast_in_dim3A_5 {strides = array<i32>} : memref<65536xf32, #tpu.memory_space<vmem>>, vector<16xf32>,
      %add3A_406 = arith.constant 16 : i32
      %add3A_407 = arith.addi %add3A_403, %add3A_406 : i32
      %swap3A_408 = arith.index_cast %add3A_407 : i32 to index
      %swap3A_409 = tpu.vector_load %arg5[%swap3A_408] {strides = array<i32>} : memref<65536xf32, #tpu.memory_space<vmem>>, vector<16xf32>,
      tpu.vector_store %arg5[%swap3A_408], %broadcast_in_dim3A_5 {strides = array<i32>} : memref<65536xf32, #tpu.memory_space<vmem>>, vector<16xf32>,
      %add3A_410 = vector.broadcast %add3A_403 : i32 to vector<16xi32>
      %add3A_411 = arith.addi %add3A_410, %add3A_11 : vector<16xi32>
      tpu.vector_store_idx %arg5[%add3A_411], %get3A_399 : memref<65536xf32, #tpu.memory_space<vmem>>[vector<16xi32>], vector<16xf32>,
    }
    %scan3A_144 = arith.constant 32 : i32
    %add3A_145 = arith.constant 24576 : i32
    %add3A_146 = arith.addi %mul3A_4, %add3A_145 : i32
    %dma_start3A_147 = arith.constant 24576 : i32
    %dma_start3A_148 = tpu.memref_slice %arg5[%dma_start3A_147] : memref<65536xf32, #tpu.memory_space<vmem>> -> memref<8192xf32, #tpu.memory_space<vmem>>
    %dma_start3A_149 = tpu.memref_slice %arg3[%add3A_146] : memref<2097152xf32, #tpu.memory_space<hbm>> -> memref<8192xf32, #tpu.memory_space<hbm>>
    %dma_start3A_150 = tpu.memref_slice %arg3[%add3A_146] : memref<2097152xf32, #tpu.memory_space<hbm>> -> memref<8192xf32, #tpu.memory_space<hbm>>
    %dma_start3A_151 = arith.constant 24576 : i32
    %dma_start3A_152 = tpu.memref_slice %arg5[%dma_start3A_151] : memref<65536xf32, #tpu.memory_space<vmem>> -> memref<8192xf32, #tpu.memory_space<vmem>>
    tpu.enqueue_dma source(%dma_start3A_152 : memref<8192xf32, #tpu.memory_space<vmem>>) target(%dma_start3A_150 : memref<8192xf32, #tpu.memory_space<hbm>>) target_semaphore(%arg17 : memref<!tpu.dma_semaphore, #tpu.memory_space<semaphore_mem>>)
    %dma_wait3A_153 = arith.constant 16384 : i32
    %dma_wait3A_154 = tpu.memref_slice %arg4[%dma_wait3A_153] : memref<32768xf32, #tpu.memory_space<vmem>> -> memref<4096xf32, #tpu.memory_space<vmem>>
    %dma_wait3A_155 = tpu.memref_slice %arg2[%add3A_44] : memref<1048576xf32, #tpu.memory_space<hbm>> -> memref<4096xf32, #tpu.memory_space<hbm>>
    %dma_wait3A_156 = arith.constant 16384 : i32
    %dma_wait3A_157 = tpu.memref_slice %arg4[%dma_wait3A_156] : memref<32768xf32, #tpu.memory_space<vmem>> -> memref<4096xf32, #tpu.memory_space<vmem>>
    %dma_wait3A_158 = tpu.memref_slice %arg2[%add3A_44] : memref<1048576xf32, #tpu.memory_space<hbm>> -> memref<4096xf32, #tpu.memory_space<hbm>>
    tpu.wait_dma2 semaphore(%arg10 : memref<!tpu.dma_semaphore, #tpu.memory_space<semaphore_mem>>) src(%dma_wait3A_158 : memref<4096xf32, #tpu.memory_space<hbm>>) dst(%dma_wait3A_157 : memref<4096xf32, #tpu.memory_space<vmem>>)
    %scan3A_159 = arith.constant 0 : i32
    %scan3A_160 = arith.constant 0 : i32
    %scan3A_161 = arith.constant 32 : i32
    %scan3A_162 = arith.addi %scan3A_160, %scan3A_161 : i32
    %scan3A_163 = arith.constant 1 : i32
    scf.for %scan3A_281 = %scan3A_160 to %scan3A_162 step %scan3A_163  : i32 {
      %mul3A_282 = arith.constant 128 : i32
      %mul3A_283 = arith.muli %scan3A_281, %mul3A_282 : i32
      %add3A_284 = arith.constant 16384 : i32
      %add3A_285 = arith.addi %add3A_284, %mul3A_283 : i32
      %add3A_286 = arith.constant 0 : i32
      %add3A_287 = arith.addi %add3A_285, %add3A_286 : i32
      %get3A = arith.index_cast %add3A_287 : i32 to index
      %get3A_288 = tpu.vector_load %arg4[%get3A] {strides = array<i32>} : memref<32768xf32, #tpu.memory_space<vmem>>, vector<16xf32>,
      %mul3A_289 = arith.constant 2 : i32
      %mul3A_290 = arith.muli %mul3A_289, %add3A_285 : i32
      %add3A_291 = arith.constant 0 : i32
      %add3A_292 = arith.addi %mul3A_290, %add3A_291 : i32
      %swap3A = arith.index_cast %add3A_292 : i32 to index
      %swap3A_293 = tpu.vector_load %arg5[%swap3A] {strides = array<i32>} : memref<65536xf32, #tpu.memory_space<vmem>>, vector<16xf32>,
      tpu.vector_store %arg5[%swap3A], %broadcast_in_dim3A_5 {strides = array<i32>} : memref<65536xf32, #tpu.memory_space<vmem>>, vector<16xf32>,
      %add3A_294 = arith.constant 16 : i32
      %add3A_295 = arith.addi %add3A_292, %add3A_294 : i32
      %swap3A_296 = arith.index_cast %add3A_295 : i32 to index
      %swap3A_297 = tpu.vector_load %arg5[%swap3A_296] {strides = array<i32>} : memref<65536xf32, #tpu.memory_space<vmem>>, vector<16xf32>,
      tpu.vector_store %arg5[%swap3A_296], %broadcast_in_dim3A_5 {strides = array<i32>} : memref<65536xf32, #tpu.memory_space<vmem>>, vector<16xf32>,
      %add3A_298 = vector.broadcast %add3A_292 : i32 to vector<16xi32>
      %add3A_299 = arith.addi %add3A_298, %add3A_11 : vector<16xi32>
      tpu.vector_store_idx %arg5[%add3A_299], %get3A_288 : memref<65536xf32, #tpu.memory_space<vmem>>[vector<16xi32>], vector<16xf32>,
      %add3A_300 = arith.constant 16 : i32
      %add3A_301 = arith.addi %add3A_285, %add3A_300 : i32
      %get3A_302 = arith.index_cast %add3A_301 : i32 to index
      %get3A_303 = tpu.vector_load %arg4[%get3A_302] {strides = array<i32>} : memref<32768xf32, #tpu.memory_space<vmem>>, vector<16xf32>,
      %mul3A_304 = arith.constant 2 : i32
      %mul3A_305 = arith.muli %mul3A_304, %add3A_285 : i32
      %add3A_306 = arith.constant 32 : i32
      %add3A_307 = arith.addi %mul3A_305, %add3A_306 : i32
      %swap3A_308 = arith.index_cast %add3A_307 : i32 to index
      %swap3A_309 = tpu.vector_load %arg5[%swap3A_308] {strides = array<i32>} : memref<65536xf32, #tpu.memory_space<vmem>>, vector<16xf32>,
      tpu.vector_store %arg5[%swap3A_308], %broadcast_in_dim3A_5 {strides = array<i32>} : memref<65536xf32, #tpu.memory_space<vmem>>, vector<16xf32>,
      %add3A_310 = arith.constant 16 : i32
      %add3A_311 = arith.addi %add3A_307, %add3A_310 : i32
      %swap3A_312 = arith.index_cast %add3A_311 : i32 to index
      %swap3A_313 = tpu.vector_load %arg5[%swap3A_312] {strides = array<i32>} : memref<65536xf32, #tpu.memory_space<vmem>>, vector<16xf32>,
      tpu.vector_store %arg5[%swap3A_312], %broadcast_in_dim3A_5 {strides = array<i32>} : memref<65536xf32, #tpu.memory_space<vmem>>, vector<16xf32>,
      %add3A_314 = vector.broadcast %add3A_307 : i32 to vector<16xi32>
      %add3A_315 = arith.addi %add3A_314, %add3A_11 : vector<16xi32>
      tpu.vector_store_idx %arg5[%add3A_315], %get3A_303 : memref<65536xf32, #tpu.memory_space<vmem>>[vector<16xi32>], vector<16xf32>,
      %add3A_316 = arith.constant 32 : i32
      %add3A_317 = arith.addi %add3A_285, %add3A_316 : i32
      %get3A_318 = arith.index_cast %add3A_317 : i32 to index
      %get3A_319 = tpu.vector_load %arg4[%get3A_318] {strides = array<i32>} : memref<32768xf32, #tpu.memory_space<vmem>>, vector<16xf32>,
      %mul3A_320 = arith.constant 2 : i32
      %mul3A_321 = arith.muli %mul3A_320, %add3A_285 : i32
      %add3A_322 = arith.constant 64 : i32
      %add3A_323 = arith.addi %mul3A_321, %add3A_322 : i32
      %swap3A_324 = arith.index_cast %add3A_323 : i32 to index
      %swap3A_325 = tpu.vector_load %arg5[%swap3A_324] {strides = array<i32>} : memref<65536xf32, #tpu.memory_space<vmem>>, vector<16xf32>,
      tpu.vector_store %arg5[%swap3A_324], %broadcast_in_dim3A_5 {strides = array<i32>} : memref<65536xf32, #tpu.memory_space<vmem>>, vector<16xf32>,
      %add3A_326 = arith.constant 16 : i32
      %add3A_327 = arith.addi %add3A_323, %add3A_326 : i32
      %swap3A_328 = arith.index_cast %add3A_327 : i32 to index
      %swap3A_329 = tpu.vector_load %arg5[%swap3A_328] {strides = array<i32>} : memref<65536xf32, #tpu.memory_space<vmem>>, vector<16xf32>,
      tpu.vector_store %arg5[%swap3A_328], %broadcast_in_dim3A_5 {strides = array<i32>} : memref<65536xf32, #tpu.memory_space<vmem>>, vector<16xf32>,
      %add3A_330 = vector.broadcast %add3A_323 : i32 to vector<16xi32>
      %add3A_331 = arith.addi %add3A_330, %add3A_11 : vector<16xi32>
      tpu.vector_store_idx %arg5[%add3A_331], %get3A_319 : memref<65536xf32, #tpu.memory_space<vmem>>[vector<16xi32>], vector<16xf32>,
      %add3A_332 = arith.constant 48 : i32
      %add3A_333 = arith.addi %add3A_285, %add3A_332 : i32
      %get3A_334 = arith.index_cast %add3A_333 : i32 to index
      %get3A_335 = tpu.vector_load %arg4[%get3A_334] {strides = array<i32>} : memref<32768xf32, #tpu.memory_space<vmem>>, vector<16xf32>,
      %mul3A_336 = arith.constant 2 : i32
      %mul3A_337 = arith.muli %mul3A_336, %add3A_285 : i32
      %add3A_338 = arith.constant 96 : i32
      %add3A_339 = arith.addi %mul3A_337, %add3A_338 : i32
      %swap3A_340 = arith.index_cast %add3A_339 : i32 to index
      %swap3A_341 = tpu.vector_load %arg5[%swap3A_340] {strides = array<i32>} : memref<65536xf32, #tpu.memory_space<vmem>>, vector<16xf32>,
      tpu.vector_store %arg5[%swap3A_340], %broadcast_in_dim3A_5 {strides = array<i32>} : memref<65536xf32, #tpu.memory_space<vmem>>, vector<16xf32>,
      %add3A_342 = arith.constant 16 : i32
      %add3A_343 = arith.addi %add3A_339, %add3A_342 : i32
      %swap3A_344 = arith.index_cast %add3A_343 : i32 to index
      %swap3A_345 = tpu.vector_load %arg5[%swap3A_344] {strides = array<i32>} : memref<65536xf32, #tpu.memory_space<vmem>>, vector<16xf32>,
      tpu.vector_store %arg5[%swap3A_344], %broadcast_in_dim3A_5 {strides = array<i32>} : memref<65536xf32, #tpu.memory_space<vmem>>, vector<16xf32>,
      %add3A_346 = vector.broadcast %add3A_339 : i32 to vector<16xi32>
      %add3A_347 = arith.addi %add3A_346, %add3A_11 : vector<16xi32>
      tpu.vector_store_idx %arg5[%add3A_347], %get3A_335 : memref<65536xf32, #tpu.memory_space<vmem>>[vector<16xi32>], vector<16xf32>,
      %add3A_348 = arith.constant 64 : i32
      %add3A_349 = arith.addi %add3A_285, %add3A_348 : i32
      %get3A_350 = arith.index_cast %add3A_349 : i32 to index
      %get3A_351 = tpu.vector_load %arg4[%get3A_350] {strides = array<i32>} : memref<32768xf32, #tpu.memory_space<vmem>>, vector<16xf32>,
      %mul3A_352 = arith.constant 2 : i32
      %mul3A_353 = arith.muli %mul3A_352, %add3A_285 : i32
      %add3A_354 = arith.constant 128 : i32
      %add3A_355 = arith.addi %mul3A_353, %add3A_354 : i32
      %swap3A_356 = arith.index_cast %add3A_355 : i32 to index
      %swap3A_357 = tpu.vector_load %arg5[%swap3A_356] {strides = array<i32>} : memref<65536xf32, #tpu.memory_space<vmem>>, vector<16xf32>,
      tpu.vector_store %arg5[%swap3A_356], %broadcast_in_dim3A_5 {strides = array<i32>} : memref<65536xf32, #tpu.memory_space<vmem>>, vector<16xf32>,
      %add3A_358 = arith.constant 16 : i32
      %add3A_359 = arith.addi %add3A_355, %add3A_358 : i32
      %swap3A_360 = arith.index_cast %add3A_359 : i32 to index
      %swap3A_361 = tpu.vector_load %arg5[%swap3A_360] {strides = array<i32>} : memref<65536xf32, #tpu.memory_space<vmem>>, vector<16xf32>,
      tpu.vector_store %arg5[%swap3A_360], %broadcast_in_dim3A_5 {strides = array<i32>} : memref<65536xf32, #tpu.memory_space<vmem>>, vector<16xf32>,
      %add3A_362 = vector.broadcast %add3A_355 : i32 to vector<16xi32>
      %add3A_363 = arith.addi %add3A_362, %add3A_11 : vector<16xi32>
      tpu.vector_store_idx %arg5[%add3A_363], %get3A_351 : memref<65536xf32, #tpu.memory_space<vmem>>[vector<16xi32>], vector<16xf32>,
      %add3A_364 = arith.constant 80 : i32
      %add3A_365 = arith.addi %add3A_285, %add3A_364 : i32
      %get3A_366 = arith.index_cast %add3A_365 : i32 to index
      %get3A_367 = tpu.vector_load %arg4[%get3A_366] {strides = array<i32>} : memref<32768xf32, #tpu.memory_space<vmem>>, vector<16xf32>,
      %mul3A_368 = arith.constant 2 : i32
      %mul3A_369 = arith.muli %mul3A_368, %add3A_285 : i32
      %add3A_370 = arith.constant 160 : i32
      %add3A_371 = arith.addi %mul3A_369, %add3A_370 : i32
      %swap3A_372 = arith.index_cast %add3A_371 : i32 to index
      %swap3A_373 = tpu.vector_load %arg5[%swap3A_372] {strides = array<i32>} : memref<65536xf32, #tpu.memory_space<vmem>>, vector<16xf32>,
      tpu.vector_store %arg5[%swap3A_372], %broadcast_in_dim3A_5 {strides = array<i32>} : memref<65536xf32, #tpu.memory_space<vmem>>, vector<16xf32>,
      %add3A_374 = arith.constant 16 : i32
      %add3A_375 = arith.addi %add3A_371, %add3A_374 : i32
      %swap3A_376 = arith.index_cast %add3A_375 : i32 to index
      %swap3A_377 = tpu.vector_load %arg5[%swap3A_376] {strides = array<i32>} : memref<65536xf32, #tpu.memory_space<vmem>>, vector<16xf32>,
      tpu.vector_store %arg5[%swap3A_376], %broadcast_in_dim3A_5 {strides = array<i32>} : memref<65536xf32, #tpu.memory_space<vmem>>, vector<16xf32>,
      %add3A_378 = vector.broadcast %add3A_371 : i32 to vector<16xi32>
      %add3A_379 = arith.addi %add3A_378, %add3A_11 : vector<16xi32>
      tpu.vector_store_idx %arg5[%add3A_379], %get3A_367 : memref<65536xf32, #tpu.memory_space<vmem>>[vector<16xi32>], vector<16xf32>,
      %add3A_380 = arith.constant 96 : i32
      %add3A_381 = arith.addi %add3A_285, %add3A_380 : i32
      %get3A_382 = arith.index_cast %add3A_381 : i32 to index
      %get3A_383 = tpu.vector_load %arg4[%get3A_382] {strides = array<i32>} : memref<32768xf32, #tpu.memory_space<vmem>>, vector<16xf32>,
      %mul3A_384 = arith.constant 2 : i32
      %mul3A_385 = arith.muli %mul3A_384, %add3A_285 : i32
      %add3A_386 = arith.constant 192 : i32
      %add3A_387 = arith.addi %mul3A_385, %add3A_386 : i32
      %swap3A_388 = arith.index_cast %add3A_387 : i32 to index
      %swap3A_389 = tpu.vector_load %arg5[%swap3A_388] {strides = array<i32>} : memref<65536xf32, #tpu.memory_space<vmem>>, vector<16xf32>,
      tpu.vector_store %arg5[%swap3A_388], %broadcast_in_dim3A_5 {strides = array<i32>} : memref<65536xf32, #tpu.memory_space<vmem>>, vector<16xf32>,
      %add3A_390 = arith.constant 16 : i32
      %add3A_391 = arith.addi %add3A_387, %add3A_390 : i32
      %swap3A_392 = arith.index_cast %add3A_391 : i32 to index
      %swap3A_393 = tpu.vector_load %arg5[%swap3A_392] {strides = array<i32>} : memref<65536xf32, #tpu.memory_space<vmem>>, vector<16xf32>,
      tpu.vector_store %arg5[%swap3A_392], %broadcast_in_dim3A_5 {strides = array<i32>} : memref<65536xf32, #tpu.memory_space<vmem>>, vector<16xf32>,
      %add3A_394 = vector.broadcast %add3A_387 : i32 to vector<16xi32>
      %add3A_395 = arith.addi %add3A_394, %add3A_11 : vector<16xi32>
      tpu.vector_store_idx %arg5[%add3A_395], %get3A_383 : memref<65536xf32, #tpu.memory_space<vmem>>[vector<16xi32>], vector<16xf32>,
      %add3A_396 = arith.constant 112 : i32
      %add3A_397 = arith.addi %add3A_285, %add3A_396 : i32
      %get3A_398 = arith.index_cast %add3A_397 : i32 to index
      %get3A_399 = tpu.vector_load %arg4[%get3A_398] {strides = array<i32>} : memref<32768xf32, #tpu.memory_space<vmem>>, vector<16xf32>,
      %mul3A_400 = arith.constant 2 : i32
      %mul3A_401 = arith.muli %mul3A_400, %add3A_285 : i32
      %add3A_402 = arith.constant 224 : i32
      %add3A_403 = arith.addi %mul3A_401, %add3A_402 : i32
      %swap3A_404 = arith.index_cast %add3A_403 : i32 to index
      %swap3A_405 = tpu.vector_load %arg5[%swap3A_404] {strides = array<i32>} : memref<65536xf32, #tpu.memory_space<vmem>>, vector<16xf32>,
      tpu.vector_store %arg5[%swap3A_404], %broadcast_in_dim3A_5 {strides = array<i32>} : memref<65536xf32, #tpu.memory_space<vmem>>, vector<16xf32>,
      %add3A_406 = arith.constant 16 : i32
      %add3A_407 = arith.addi %add3A_403, %add3A_406 : i32
      %swap3A_408 = arith.index_cast %add3A_407 : i32 to index
      %swap3A_409 = tpu.vector_load %arg5[%swap3A_408] {strides = array<i32>} : memref<65536xf32, #tpu.memory_space<vmem>>, vector<16xf32>,
      tpu.vector_store %arg5[%swap3A_408], %broadcast_in_dim3A_5 {strides = array<i32>} : memref<65536xf32, #tpu.memory_space<vmem>>, vector<16xf32>,
      %add3A_410 = vector.broadcast %add3A_403 : i32 to vector<16xi32>
      %add3A_411 = arith.addi %add3A_410, %add3A_11 : vector<16xi32>
      tpu.vector_store_idx %arg5[%add3A_411], %get3A_399 : memref<65536xf32, #tpu.memory_space<vmem>>[vector<16xi32>], vector<16xf32>,
    }
    %scan3A_164 = arith.constant 32 : i32
    %add3A_165 = arith.constant 32768 : i32
    %add3A_166 = arith.addi %mul3A_4, %add3A_165 : i32
    %dma_start3A_167 = arith.constant 32768 : i32
    %dma_start3A_168 = tpu.memref_slice %arg5[%dma_start3A_167] : memref<65536xf32, #tpu.memory_space<vmem>> -> memref<8192xf32, #tpu.memory_space<vmem>>
    %dma_start3A_169 = tpu.memref_slice %arg3[%add3A_166] : memref<2097152xf32, #tpu.memory_space<hbm>> -> memref<8192xf32, #tpu.memory_space<hbm>>
    %dma_start3A_170 = tpu.memref_slice %arg3[%add3A_166] : memref<2097152xf32, #tpu.memory_space<hbm>> -> memref<8192xf32, #tpu.memory_space<hbm>>
    %dma_start3A_171 = arith.constant 32768 : i32
    %dma_start3A_172 = tpu.memref_slice %arg5[%dma_start3A_171] : memref<65536xf32, #tpu.memory_space<vmem>> -> memref<8192xf32, #tpu.memory_space<vmem>>
    tpu.enqueue_dma source(%dma_start3A_172 : memref<8192xf32, #tpu.memory_space<vmem>>) target(%dma_start3A_170 : memref<8192xf32, #tpu.memory_space<hbm>>) target_semaphore(%arg18 : memref<!tpu.dma_semaphore, #tpu.memory_space<semaphore_mem>>)
    %dma_wait3A_173 = arith.constant 20480 : i32
    %dma_wait3A_174 = tpu.memref_slice %arg4[%dma_wait3A_173] : memref<32768xf32, #tpu.memory_space<vmem>> -> memref<4096xf32, #tpu.memory_space<vmem>>
    %dma_wait3A_175 = tpu.memref_slice %arg2[%add3A_52] : memref<1048576xf32, #tpu.memory_space<hbm>> -> memref<4096xf32, #tpu.memory_space<hbm>>
    %dma_wait3A_176 = arith.constant 20480 : i32
    %dma_wait3A_177 = tpu.memref_slice %arg4[%dma_wait3A_176] : memref<32768xf32, #tpu.memory_space<vmem>> -> memref<4096xf32, #tpu.memory_space<vmem>>
    %dma_wait3A_178 = tpu.memref_slice %arg2[%add3A_52] : memref<1048576xf32, #tpu.memory_space<hbm>> -> memref<4096xf32, #tpu.memory_space<hbm>>
    tpu.wait_dma2 semaphore(%arg11 : memref<!tpu.dma_semaphore, #tpu.memory_space<semaphore_mem>>) src(%dma_wait3A_178 : memref<4096xf32, #tpu.memory_space<hbm>>) dst(%dma_wait3A_177 : memref<4096xf32, #tpu.memory_space<vmem>>)
    %scan3A_179 = arith.constant 0 : i32
    %scan3A_180 = arith.constant 0 : i32
    %scan3A_181 = arith.constant 32 : i32
    %scan3A_182 = arith.addi %scan3A_180, %scan3A_181 : i32
    %scan3A_183 = arith.constant 1 : i32
    scf.for %scan3A_281 = %scan3A_180 to %scan3A_182 step %scan3A_183  : i32 {
      %mul3A_282 = arith.constant 128 : i32
      %mul3A_283 = arith.muli %scan3A_281, %mul3A_282 : i32
      %add3A_284 = arith.constant 20480 : i32
      %add3A_285 = arith.addi %add3A_284, %mul3A_283 : i32
      %add3A_286 = arith.constant 0 : i32
      %add3A_287 = arith.addi %add3A_285, %add3A_286 : i32
      %get3A = arith.index_cast %add3A_287 : i32 to index
      %get3A_288 = tpu.vector_load %arg4[%get3A] {strides = array<i32>} : memref<32768xf32, #tpu.memory_space<vmem>>, vector<16xf32>,
      %mul3A_289 = arith.constant 2 : i32
      %mul3A_290 = arith.muli %mul3A_289, %add3A_285 : i32
      %add3A_291 = arith.constant 0 : i32
      %add3A_292 = arith.addi %mul3A_290, %add3A_291 : i32
      %swap3A = arith.index_cast %add3A_292 : i32 to index
      %swap3A_293 = tpu.vector_load %arg5[%swap3A] {strides = array<i32>} : memref<65536xf32, #tpu.memory_space<vmem>>, vector<16xf32>,
      tpu.vector_store %arg5[%swap3A], %broadcast_in_dim3A_5 {strides = array<i32>} : memref<65536xf32, #tpu.memory_space<vmem>>, vector<16xf32>,
      %add3A_294 = arith.constant 16 : i32
      %add3A_295 = arith.addi %add3A_292, %add3A_294 : i32
      %swap3A_296 = arith.index_cast %add3A_295 : i32 to index
      %swap3A_297 = tpu.vector_load %arg5[%swap3A_296] {strides = array<i32>} : memref<65536xf32, #tpu.memory_space<vmem>>, vector<16xf32>,
      tpu.vector_store %arg5[%swap3A_296], %broadcast_in_dim3A_5 {strides = array<i32>} : memref<65536xf32, #tpu.memory_space<vmem>>, vector<16xf32>,
      %add3A_298 = vector.broadcast %add3A_292 : i32 to vector<16xi32>
      %add3A_299 = arith.addi %add3A_298, %add3A_11 : vector<16xi32>
      tpu.vector_store_idx %arg5[%add3A_299], %get3A_288 : memref<65536xf32, #tpu.memory_space<vmem>>[vector<16xi32>], vector<16xf32>,
      %add3A_300 = arith.constant 16 : i32
      %add3A_301 = arith.addi %add3A_285, %add3A_300 : i32
      %get3A_302 = arith.index_cast %add3A_301 : i32 to index
      %get3A_303 = tpu.vector_load %arg4[%get3A_302] {strides = array<i32>} : memref<32768xf32, #tpu.memory_space<vmem>>, vector<16xf32>,
      %mul3A_304 = arith.constant 2 : i32
      %mul3A_305 = arith.muli %mul3A_304, %add3A_285 : i32
      %add3A_306 = arith.constant 32 : i32
      %add3A_307 = arith.addi %mul3A_305, %add3A_306 : i32
      %swap3A_308 = arith.index_cast %add3A_307 : i32 to index
      %swap3A_309 = tpu.vector_load %arg5[%swap3A_308] {strides = array<i32>} : memref<65536xf32, #tpu.memory_space<vmem>>, vector<16xf32>,
      tpu.vector_store %arg5[%swap3A_308], %broadcast_in_dim3A_5 {strides = array<i32>} : memref<65536xf32, #tpu.memory_space<vmem>>, vector<16xf32>,
      %add3A_310 = arith.constant 16 : i32
      %add3A_311 = arith.addi %add3A_307, %add3A_310 : i32
      %swap3A_312 = arith.index_cast %add3A_311 : i32 to index
      %swap3A_313 = tpu.vector_load %arg5[%swap3A_312] {strides = array<i32>} : memref<65536xf32, #tpu.memory_space<vmem>>, vector<16xf32>,
      tpu.vector_store %arg5[%swap3A_312], %broadcast_in_dim3A_5 {strides = array<i32>} : memref<65536xf32, #tpu.memory_space<vmem>>, vector<16xf32>,
      %add3A_314 = vector.broadcast %add3A_307 : i32 to vector<16xi32>
      %add3A_315 = arith.addi %add3A_314, %add3A_11 : vector<16xi32>
      tpu.vector_store_idx %arg5[%add3A_315], %get3A_303 : memref<65536xf32, #tpu.memory_space<vmem>>[vector<16xi32>], vector<16xf32>,
      %add3A_316 = arith.constant 32 : i32
      %add3A_317 = arith.addi %add3A_285, %add3A_316 : i32
      %get3A_318 = arith.index_cast %add3A_317 : i32 to index
      %get3A_319 = tpu.vector_load %arg4[%get3A_318] {strides = array<i32>} : memref<32768xf32, #tpu.memory_space<vmem>>, vector<16xf32>,
      %mul3A_320 = arith.constant 2 : i32
      %mul3A_321 = arith.muli %mul3A_320, %add3A_285 : i32
      %add3A_322 = arith.constant 64 : i32
      %add3A_323 = arith.addi %mul3A_321, %add3A_322 : i32
      %swap3A_324 = arith.index_cast %add3A_323 : i32 to index
      %swap3A_325 = tpu.vector_load %arg5[%swap3A_324] {strides = array<i32>} : memref<65536xf32, #tpu.memory_space<vmem>>, vector<16xf32>,
      tpu.vector_store %arg5[%swap3A_324], %broadcast_in_dim3A_5 {strides = array<i32>} : memref<65536xf32, #tpu.memory_space<vmem>>, vector<16xf32>,
      %add3A_326 = arith.constant 16 : i32
      %add3A_327 = arith.addi %add3A_323, %add3A_326 : i32
      %swap3A_328 = arith.index_cast %add3A_327 : i32 to index
      %swap3A_329 = tpu.vector_load %arg5[%swap3A_328] {strides = array<i32>} : memref<65536xf32, #tpu.memory_space<vmem>>, vector<16xf32>,
      tpu.vector_store %arg5[%swap3A_328], %broadcast_in_dim3A_5 {strides = array<i32>} : memref<65536xf32, #tpu.memory_space<vmem>>, vector<16xf32>,
      %add3A_330 = vector.broadcast %add3A_323 : i32 to vector<16xi32>
      %add3A_331 = arith.addi %add3A_330, %add3A_11 : vector<16xi32>
      tpu.vector_store_idx %arg5[%add3A_331], %get3A_319 : memref<65536xf32, #tpu.memory_space<vmem>>[vector<16xi32>], vector<16xf32>,
      %add3A_332 = arith.constant 48 : i32
      %add3A_333 = arith.addi %add3A_285, %add3A_332 : i32
      %get3A_334 = arith.index_cast %add3A_333 : i32 to index
      %get3A_335 = tpu.vector_load %arg4[%get3A_334] {strides = array<i32>} : memref<32768xf32, #tpu.memory_space<vmem>>, vector<16xf32>,
      %mul3A_336 = arith.constant 2 : i32
      %mul3A_337 = arith.muli %mul3A_336, %add3A_285 : i32
      %add3A_338 = arith.constant 96 : i32
      %add3A_339 = arith.addi %mul3A_337, %add3A_338 : i32
      %swap3A_340 = arith.index_cast %add3A_339 : i32 to index
      %swap3A_341 = tpu.vector_load %arg5[%swap3A_340] {strides = array<i32>} : memref<65536xf32, #tpu.memory_space<vmem>>, vector<16xf32>,
      tpu.vector_store %arg5[%swap3A_340], %broadcast_in_dim3A_5 {strides = array<i32>} : memref<65536xf32, #tpu.memory_space<vmem>>, vector<16xf32>,
      %add3A_342 = arith.constant 16 : i32
      %add3A_343 = arith.addi %add3A_339, %add3A_342 : i32
      %swap3A_344 = arith.index_cast %add3A_343 : i32 to index
      %swap3A_345 = tpu.vector_load %arg5[%swap3A_344] {strides = array<i32>} : memref<65536xf32, #tpu.memory_space<vmem>>, vector<16xf32>,
      tpu.vector_store %arg5[%swap3A_344], %broadcast_in_dim3A_5 {strides = array<i32>} : memref<65536xf32, #tpu.memory_space<vmem>>, vector<16xf32>,
      %add3A_346 = vector.broadcast %add3A_339 : i32 to vector<16xi32>
      %add3A_347 = arith.addi %add3A_346, %add3A_11 : vector<16xi32>
      tpu.vector_store_idx %arg5[%add3A_347], %get3A_335 : memref<65536xf32, #tpu.memory_space<vmem>>[vector<16xi32>], vector<16xf32>,
      %add3A_348 = arith.constant 64 : i32
      %add3A_349 = arith.addi %add3A_285, %add3A_348 : i32
      %get3A_350 = arith.index_cast %add3A_349 : i32 to index
      %get3A_351 = tpu.vector_load %arg4[%get3A_350] {strides = array<i32>} : memref<32768xf32, #tpu.memory_space<vmem>>, vector<16xf32>,
      %mul3A_352 = arith.constant 2 : i32
      %mul3A_353 = arith.muli %mul3A_352, %add3A_285 : i32
      %add3A_354 = arith.constant 128 : i32
      %add3A_355 = arith.addi %mul3A_353, %add3A_354 : i32
      %swap3A_356 = arith.index_cast %add3A_355 : i32 to index
      %swap3A_357 = tpu.vector_load %arg5[%swap3A_356] {strides = array<i32>} : memref<65536xf32, #tpu.memory_space<vmem>>, vector<16xf32>,
      tpu.vector_store %arg5[%swap3A_356], %broadcast_in_dim3A_5 {strides = array<i32>} : memref<65536xf32, #tpu.memory_space<vmem>>, vector<16xf32>,
      %add3A_358 = arith.constant 16 : i32
      %add3A_359 = arith.addi %add3A_355, %add3A_358 : i32
      %swap3A_360 = arith.index_cast %add3A_359 : i32 to index
      %swap3A_361 = tpu.vector_load %arg5[%swap3A_360] {strides = array<i32>} : memref<65536xf32, #tpu.memory_space<vmem>>, vector<16xf32>,
      tpu.vector_store %arg5[%swap3A_360], %broadcast_in_dim3A_5 {strides = array<i32>} : memref<65536xf32, #tpu.memory_space<vmem>>, vector<16xf32>,
      %add3A_362 = vector.broadcast %add3A_355 : i32 to vector<16xi32>
      %add3A_363 = arith.addi %add3A_362, %add3A_11 : vector<16xi32>
      tpu.vector_store_idx %arg5[%add3A_363], %get3A_351 : memref<65536xf32, #tpu.memory_space<vmem>>[vector<16xi32>], vector<16xf32>,
      %add3A_364 = arith.constant 80 : i32
      %add3A_365 = arith.addi %add3A_285, %add3A_364 : i32
      %get3A_366 = arith.index_cast %add3A_365 : i32 to index
      %get3A_367 = tpu.vector_load %arg4[%get3A_366] {strides = array<i32>} : memref<32768xf32, #tpu.memory_space<vmem>>, vector<16xf32>,
      %mul3A_368 = arith.constant 2 : i32
      %mul3A_369 = arith.muli %mul3A_368, %add3A_285 : i32
      %add3A_370 = arith.constant 160 : i32
      %add3A_371 = arith.addi %mul3A_369, %add3A_370 : i32
      %swap3A_372 = arith.index_cast %add3A_371 : i32 to index
      %swap3A_373 = tpu.vector_load %arg5[%swap3A_372] {strides = array<i32>} : memref<65536xf32, #tpu.memory_space<vmem>>, vector<16xf32>,
      tpu.vector_store %arg5[%swap3A_372], %broadcast_in_dim3A_5 {strides = array<i32>} : memref<65536xf32, #tpu.memory_space<vmem>>, vector<16xf32>,
      %add3A_374 = arith.constant 16 : i32
      %add3A_375 = arith.addi %add3A_371, %add3A_374 : i32
      %swap3A_376 = arith.index_cast %add3A_375 : i32 to index
      %swap3A_377 = tpu.vector_load %arg5[%swap3A_376] {strides = array<i32>} : memref<65536xf32, #tpu.memory_space<vmem>>, vector<16xf32>,
      tpu.vector_store %arg5[%swap3A_376], %broadcast_in_dim3A_5 {strides = array<i32>} : memref<65536xf32, #tpu.memory_space<vmem>>, vector<16xf32>,
      %add3A_378 = vector.broadcast %add3A_371 : i32 to vector<16xi32>
      %add3A_379 = arith.addi %add3A_378, %add3A_11 : vector<16xi32>
      tpu.vector_store_idx %arg5[%add3A_379], %get3A_367 : memref<65536xf32, #tpu.memory_space<vmem>>[vector<16xi32>], vector<16xf32>,
      %add3A_380 = arith.constant 96 : i32
      %add3A_381 = arith.addi %add3A_285, %add3A_380 : i32
      %get3A_382 = arith.index_cast %add3A_381 : i32 to index
      %get3A_383 = tpu.vector_load %arg4[%get3A_382] {strides = array<i32>} : memref<32768xf32, #tpu.memory_space<vmem>>, vector<16xf32>,
      %mul3A_384 = arith.constant 2 : i32
      %mul3A_385 = arith.muli %mul3A_384, %add3A_285 : i32
      %add3A_386 = arith.constant 192 : i32
      %add3A_387 = arith.addi %mul3A_385, %add3A_386 : i32
      %swap3A_388 = arith.index_cast %add3A_387 : i32 to index
      %swap3A_389 = tpu.vector_load %arg5[%swap3A_388] {strides = array<i32>} : memref<65536xf32, #tpu.memory_space<vmem>>, vector<16xf32>,
      tpu.vector_store %arg5[%swap3A_388], %broadcast_in_dim3A_5 {strides = array<i32>} : memref<65536xf32, #tpu.memory_space<vmem>>, vector<16xf32>,
      %add3A_390 = arith.constant 16 : i32
      %add3A_391 = arith.addi %add3A_387, %add3A_390 : i32
      %swap3A_392 = arith.index_cast %add3A_391 : i32 to index
      %swap3A_393 = tpu.vector_load %arg5[%swap3A_392] {strides = array<i32>} : memref<65536xf32, #tpu.memory_space<vmem>>, vector<16xf32>,
      tpu.vector_store %arg5[%swap3A_392], %broadcast_in_dim3A_5 {strides = array<i32>} : memref<65536xf32, #tpu.memory_space<vmem>>, vector<16xf32>,
      %add3A_394 = vector.broadcast %add3A_387 : i32 to vector<16xi32>
      %add3A_395 = arith.addi %add3A_394, %add3A_11 : vector<16xi32>
      tpu.vector_store_idx %arg5[%add3A_395], %get3A_383 : memref<65536xf32, #tpu.memory_space<vmem>>[vector<16xi32>], vector<16xf32>,
      %add3A_396 = arith.constant 112 : i32
      %add3A_397 = arith.addi %add3A_285, %add3A_396 : i32
      %get3A_398 = arith.index_cast %add3A_397 : i32 to index
      %get3A_399 = tpu.vector_load %arg4[%get3A_398] {strides = array<i32>} : memref<32768xf32, #tpu.memory_space<vmem>>, vector<16xf32>,
      %mul3A_400 = arith.constant 2 : i32
      %mul3A_401 = arith.muli %mul3A_400, %add3A_285 : i32
      %add3A_402 = arith.constant 224 : i32
      %add3A_403 = arith.addi %mul3A_401, %add3A_402 : i32
      %swap3A_404 = arith.index_cast %add3A_403 : i32 to index
      %swap3A_405 = tpu.vector_load %arg5[%swap3A_404] {strides = array<i32>} : memref<65536xf32, #tpu.memory_space<vmem>>, vector<16xf32>,
      tpu.vector_store %arg5[%swap3A_404], %broadcast_in_dim3A_5 {strides = array<i32>} : memref<65536xf32, #tpu.memory_space<vmem>>, vector<16xf32>,
      %add3A_406 = arith.constant 16 : i32
      %add3A_407 = arith.addi %add3A_403, %add3A_406 : i32
      %swap3A_408 = arith.index_cast %add3A_407 : i32 to index
      %swap3A_409 = tpu.vector_load %arg5[%swap3A_408] {strides = array<i32>} : memref<65536xf32, #tpu.memory_space<vmem>>, vector<16xf32>,
      tpu.vector_store %arg5[%swap3A_408], %broadcast_in_dim3A_5 {strides = array<i32>} : memref<65536xf32, #tpu.memory_space<vmem>>, vector<16xf32>,
      %add3A_410 = vector.broadcast %add3A_403 : i32 to vector<16xi32>
      %add3A_411 = arith.addi %add3A_410, %add3A_11 : vector<16xi32>
      tpu.vector_store_idx %arg5[%add3A_411], %get3A_399 : memref<65536xf32, #tpu.memory_space<vmem>>[vector<16xi32>], vector<16xf32>,
    }
    %scan3A_184 = arith.constant 32 : i32
    %add3A_185 = arith.constant 40960 : i32
    %add3A_186 = arith.addi %mul3A_4, %add3A_185 : i32
    %dma_start3A_187 = arith.constant 40960 : i32
    %dma_start3A_188 = tpu.memref_slice %arg5[%dma_start3A_187] : memref<65536xf32, #tpu.memory_space<vmem>> -> memref<8192xf32, #tpu.memory_space<vmem>>
    %dma_start3A_189 = tpu.memref_slice %arg3[%add3A_186] : memref<2097152xf32, #tpu.memory_space<hbm>> -> memref<8192xf32, #tpu.memory_space<hbm>>
    %dma_start3A_190 = tpu.memref_slice %arg3[%add3A_186] : memref<2097152xf32, #tpu.memory_space<hbm>> -> memref<8192xf32, #tpu.memory_space<hbm>>
    %dma_start3A_191 = arith.constant 40960 : i32
    %dma_start3A_192 = tpu.memref_slice %arg5[%dma_start3A_191] : memref<65536xf32, #tpu.memory_space<vmem>> -> memref<8192xf32, #tpu.memory_space<vmem>>
    tpu.enqueue_dma source(%dma_start3A_192 : memref<8192xf32, #tpu.memory_space<vmem>>) target(%dma_start3A_190 : memref<8192xf32, #tpu.memory_space<hbm>>) target_semaphore(%arg19 : memref<!tpu.dma_semaphore, #tpu.memory_space<semaphore_mem>>)
    %dma_wait3A_193 = arith.constant 24576 : i32
    %dma_wait3A_194 = tpu.memref_slice %arg4[%dma_wait3A_193] : memref<32768xf32, #tpu.memory_space<vmem>> -> memref<4096xf32, #tpu.memory_space<vmem>>
    %dma_wait3A_195 = tpu.memref_slice %arg2[%add3A_60] : memref<1048576xf32, #tpu.memory_space<hbm>> -> memref<4096xf32, #tpu.memory_space<hbm>>
    %dma_wait3A_196 = arith.constant 24576 : i32
    %dma_wait3A_197 = tpu.memref_slice %arg4[%dma_wait3A_196] : memref<32768xf32, #tpu.memory_space<vmem>> -> memref<4096xf32, #tpu.memory_space<vmem>>
    %dma_wait3A_198 = tpu.memref_slice %arg2[%add3A_60] : memref<1048576xf32, #tpu.memory_space<hbm>> -> memref<4096xf32, #tpu.memory_space<hbm>>
    tpu.wait_dma2 semaphore(%arg12 : memref<!tpu.dma_semaphore, #tpu.memory_space<semaphore_mem>>) src(%dma_wait3A_198 : memref<4096xf32, #tpu.memory_space<hbm>>) dst(%dma_wait3A_197 : memref<4096xf32, #tpu.memory_space<vmem>>)
    %scan3A_199 = arith.constant 0 : i32
    %scan3A_200 = arith.constant 0 : i32
    %scan3A_201 = arith.constant 32 : i32
    %scan3A_202 = arith.addi %scan3A_200, %scan3A_201 : i32
    %scan3A_203 = arith.constant 1 : i32
    scf.for %scan3A_281 = %scan3A_200 to %scan3A_202 step %scan3A_203  : i32 {
      %mul3A_282 = arith.constant 128 : i32
      %mul3A_283 = arith.muli %scan3A_281, %mul3A_282 : i32
      %add3A_284 = arith.constant 24576 : i32
      %add3A_285 = arith.addi %add3A_284, %mul3A_283 : i32
      %add3A_286 = arith.constant 0 : i32
      %add3A_287 = arith.addi %add3A_285, %add3A_286 : i32
      %get3A = arith.index_cast %add3A_287 : i32 to index
      %get3A_288 = tpu.vector_load %arg4[%get3A] {strides = array<i32>} : memref<32768xf32, #tpu.memory_space<vmem>>, vector<16xf32>,
      %mul3A_289 = arith.constant 2 : i32
      %mul3A_290 = arith.muli %mul3A_289, %add3A_285 : i32
      %add3A_291 = arith.constant 0 : i32
      %add3A_292 = arith.addi %mul3A_290, %add3A_291 : i32
      %swap3A = arith.index_cast %add3A_292 : i32 to index
      %swap3A_293 = tpu.vector_load %arg5[%swap3A] {strides = array<i32>} : memref<65536xf32, #tpu.memory_space<vmem>>, vector<16xf32>,
      tpu.vector_store %arg5[%swap3A], %broadcast_in_dim3A_5 {strides = array<i32>} : memref<65536xf32, #tpu.memory_space<vmem>>, vector<16xf32>,
      %add3A_294 = arith.constant 16 : i32
      %add3A_295 = arith.addi %add3A_292, %add3A_294 : i32
      %swap3A_296 = arith.index_cast %add3A_295 : i32 to index
      %swap3A_297 = tpu.vector_load %arg5[%swap3A_296] {strides = array<i32>} : memref<65536xf32, #tpu.memory_space<vmem>>, vector<16xf32>,
      tpu.vector_store %arg5[%swap3A_296], %broadcast_in_dim3A_5 {strides = array<i32>} : memref<65536xf32, #tpu.memory_space<vmem>>, vector<16xf32>,
      %add3A_298 = vector.broadcast %add3A_292 : i32 to vector<16xi32>
      %add3A_299 = arith.addi %add3A_298, %add3A_11 : vector<16xi32>
      tpu.vector_store_idx %arg5[%add3A_299], %get3A_288 : memref<65536xf32, #tpu.memory_space<vmem>>[vector<16xi32>], vector<16xf32>,
      %add3A_300 = arith.constant 16 : i32
      %add3A_301 = arith.addi %add3A_285, %add3A_300 : i32
      %get3A_302 = arith.index_cast %add3A_301 : i32 to index
      %get3A_303 = tpu.vector_load %arg4[%get3A_302] {strides = array<i32>} : memref<32768xf32, #tpu.memory_space<vmem>>, vector<16xf32>,
      %mul3A_304 = arith.constant 2 : i32
      %mul3A_305 = arith.muli %mul3A_304, %add3A_285 : i32
      %add3A_306 = arith.constant 32 : i32
      %add3A_307 = arith.addi %mul3A_305, %add3A_306 : i32
      %swap3A_308 = arith.index_cast %add3A_307 : i32 to index
      %swap3A_309 = tpu.vector_load %arg5[%swap3A_308] {strides = array<i32>} : memref<65536xf32, #tpu.memory_space<vmem>>, vector<16xf32>,
      tpu.vector_store %arg5[%swap3A_308], %broadcast_in_dim3A_5 {strides = array<i32>} : memref<65536xf32, #tpu.memory_space<vmem>>, vector<16xf32>,
      %add3A_310 = arith.constant 16 : i32
      %add3A_311 = arith.addi %add3A_307, %add3A_310 : i32
      %swap3A_312 = arith.index_cast %add3A_311 : i32 to index
      %swap3A_313 = tpu.vector_load %arg5[%swap3A_312] {strides = array<i32>} : memref<65536xf32, #tpu.memory_space<vmem>>, vector<16xf32>,
      tpu.vector_store %arg5[%swap3A_312], %broadcast_in_dim3A_5 {strides = array<i32>} : memref<65536xf32, #tpu.memory_space<vmem>>, vector<16xf32>,
      %add3A_314 = vector.broadcast %add3A_307 : i32 to vector<16xi32>
      %add3A_315 = arith.addi %add3A_314, %add3A_11 : vector<16xi32>
      tpu.vector_store_idx %arg5[%add3A_315], %get3A_303 : memref<65536xf32, #tpu.memory_space<vmem>>[vector<16xi32>], vector<16xf32>,
      %add3A_316 = arith.constant 32 : i32
      %add3A_317 = arith.addi %add3A_285, %add3A_316 : i32
      %get3A_318 = arith.index_cast %add3A_317 : i32 to index
      %get3A_319 = tpu.vector_load %arg4[%get3A_318] {strides = array<i32>} : memref<32768xf32, #tpu.memory_space<vmem>>, vector<16xf32>,
      %mul3A_320 = arith.constant 2 : i32
      %mul3A_321 = arith.muli %mul3A_320, %add3A_285 : i32
      %add3A_322 = arith.constant 64 : i32
      %add3A_323 = arith.addi %mul3A_321, %add3A_322 : i32
      %swap3A_324 = arith.index_cast %add3A_323 : i32 to index
      %swap3A_325 = tpu.vector_load %arg5[%swap3A_324] {strides = array<i32>} : memref<65536xf32, #tpu.memory_space<vmem>>, vector<16xf32>,
      tpu.vector_store %arg5[%swap3A_324], %broadcast_in_dim3A_5 {strides = array<i32>} : memref<65536xf32, #tpu.memory_space<vmem>>, vector<16xf32>,
      %add3A_326 = arith.constant 16 : i32
      %add3A_327 = arith.addi %add3A_323, %add3A_326 : i32
      %swap3A_328 = arith.index_cast %add3A_327 : i32 to index
      %swap3A_329 = tpu.vector_load %arg5[%swap3A_328] {strides = array<i32>} : memref<65536xf32, #tpu.memory_space<vmem>>, vector<16xf32>,
      tpu.vector_store %arg5[%swap3A_328], %broadcast_in_dim3A_5 {strides = array<i32>} : memref<65536xf32, #tpu.memory_space<vmem>>, vector<16xf32>,
      %add3A_330 = vector.broadcast %add3A_323 : i32 to vector<16xi32>
      %add3A_331 = arith.addi %add3A_330, %add3A_11 : vector<16xi32>
      tpu.vector_store_idx %arg5[%add3A_331], %get3A_319 : memref<65536xf32, #tpu.memory_space<vmem>>[vector<16xi32>], vector<16xf32>,
      %add3A_332 = arith.constant 48 : i32
      %add3A_333 = arith.addi %add3A_285, %add3A_332 : i32
      %get3A_334 = arith.index_cast %add3A_333 : i32 to index
      %get3A_335 = tpu.vector_load %arg4[%get3A_334] {strides = array<i32>} : memref<32768xf32, #tpu.memory_space<vmem>>, vector<16xf32>,
      %mul3A_336 = arith.constant 2 : i32
      %mul3A_337 = arith.muli %mul3A_336, %add3A_285 : i32
      %add3A_338 = arith.constant 96 : i32
      %add3A_339 = arith.addi %mul3A_337, %add3A_338 : i32
      %swap3A_340 = arith.index_cast %add3A_339 : i32 to index
      %swap3A_341 = tpu.vector_load %arg5[%swap3A_340] {strides = array<i32>} : memref<65536xf32, #tpu.memory_space<vmem>>, vector<16xf32>,
      tpu.vector_store %arg5[%swap3A_340], %broadcast_in_dim3A_5 {strides = array<i32>} : memref<65536xf32, #tpu.memory_space<vmem>>, vector<16xf32>,
      %add3A_342 = arith.constant 16 : i32
      %add3A_343 = arith.addi %add3A_339, %add3A_342 : i32
      %swap3A_344 = arith.index_cast %add3A_343 : i32 to index
      %swap3A_345 = tpu.vector_load %arg5[%swap3A_344] {strides = array<i32>} : memref<65536xf32, #tpu.memory_space<vmem>>, vector<16xf32>,
      tpu.vector_store %arg5[%swap3A_344], %broadcast_in_dim3A_5 {strides = array<i32>} : memref<65536xf32, #tpu.memory_space<vmem>>, vector<16xf32>,
      %add3A_346 = vector.broadcast %add3A_339 : i32 to vector<16xi32>
      %add3A_347 = arith.addi %add3A_346, %add3A_11 : vector<16xi32>
      tpu.vector_store_idx %arg5[%add3A_347], %get3A_335 : memref<65536xf32, #tpu.memory_space<vmem>>[vector<16xi32>], vector<16xf32>,
      %add3A_348 = arith.constant 64 : i32
      %add3A_349 = arith.addi %add3A_285, %add3A_348 : i32
      %get3A_350 = arith.index_cast %add3A_349 : i32 to index
      %get3A_351 = tpu.vector_load %arg4[%get3A_350] {strides = array<i32>} : memref<32768xf32, #tpu.memory_space<vmem>>, vector<16xf32>,
      %mul3A_352 = arith.constant 2 : i32
      %mul3A_353 = arith.muli %mul3A_352, %add3A_285 : i32
      %add3A_354 = arith.constant 128 : i32
      %add3A_355 = arith.addi %mul3A_353, %add3A_354 : i32
      %swap3A_356 = arith.index_cast %add3A_355 : i32 to index
      %swap3A_357 = tpu.vector_load %arg5[%swap3A_356] {strides = array<i32>} : memref<65536xf32, #tpu.memory_space<vmem>>, vector<16xf32>,
      tpu.vector_store %arg5[%swap3A_356], %broadcast_in_dim3A_5 {strides = array<i32>} : memref<65536xf32, #tpu.memory_space<vmem>>, vector<16xf32>,
      %add3A_358 = arith.constant 16 : i32
      %add3A_359 = arith.addi %add3A_355, %add3A_358 : i32
      %swap3A_360 = arith.index_cast %add3A_359 : i32 to index
      %swap3A_361 = tpu.vector_load %arg5[%swap3A_360] {strides = array<i32>} : memref<65536xf32, #tpu.memory_space<vmem>>, vector<16xf32>,
      tpu.vector_store %arg5[%swap3A_360], %broadcast_in_dim3A_5 {strides = array<i32>} : memref<65536xf32, #tpu.memory_space<vmem>>, vector<16xf32>,
      %add3A_362 = vector.broadcast %add3A_355 : i32 to vector<16xi32>
      %add3A_363 = arith.addi %add3A_362, %add3A_11 : vector<16xi32>
      tpu.vector_store_idx %arg5[%add3A_363], %get3A_351 : memref<65536xf32, #tpu.memory_space<vmem>>[vector<16xi32>], vector<16xf32>,
      %add3A_364 = arith.constant 80 : i32
      %add3A_365 = arith.addi %add3A_285, %add3A_364 : i32
      %get3A_366 = arith.index_cast %add3A_365 : i32 to index
      %get3A_367 = tpu.vector_load %arg4[%get3A_366] {strides = array<i32>} : memref<32768xf32, #tpu.memory_space<vmem>>, vector<16xf32>,
      %mul3A_368 = arith.constant 2 : i32
      %mul3A_369 = arith.muli %mul3A_368, %add3A_285 : i32
      %add3A_370 = arith.constant 160 : i32
      %add3A_371 = arith.addi %mul3A_369, %add3A_370 : i32
      %swap3A_372 = arith.index_cast %add3A_371 : i32 to index
      %swap3A_373 = tpu.vector_load %arg5[%swap3A_372] {strides = array<i32>} : memref<65536xf32, #tpu.memory_space<vmem>>, vector<16xf32>,
      tpu.vector_store %arg5[%swap3A_372], %broadcast_in_dim3A_5 {strides = array<i32>} : memref<65536xf32, #tpu.memory_space<vmem>>, vector<16xf32>,
      %add3A_374 = arith.constant 16 : i32
      %add3A_375 = arith.addi %add3A_371, %add3A_374 : i32
      %swap3A_376 = arith.index_cast %add3A_375 : i32 to index
      %swap3A_377 = tpu.vector_load %arg5[%swap3A_376] {strides = array<i32>} : memref<65536xf32, #tpu.memory_space<vmem>>, vector<16xf32>,
      tpu.vector_store %arg5[%swap3A_376], %broadcast_in_dim3A_5 {strides = array<i32>} : memref<65536xf32, #tpu.memory_space<vmem>>, vector<16xf32>,
      %add3A_378 = vector.broadcast %add3A_371 : i32 to vector<16xi32>
      %add3A_379 = arith.addi %add3A_378, %add3A_11 : vector<16xi32>
      tpu.vector_store_idx %arg5[%add3A_379], %get3A_367 : memref<65536xf32, #tpu.memory_space<vmem>>[vector<16xi32>], vector<16xf32>,
      %add3A_380 = arith.constant 96 : i32
      %add3A_381 = arith.addi %add3A_285, %add3A_380 : i32
      %get3A_382 = arith.index_cast %add3A_381 : i32 to index
      %get3A_383 = tpu.vector_load %arg4[%get3A_382] {strides = array<i32>} : memref<32768xf32, #tpu.memory_space<vmem>>, vector<16xf32>,
      %mul3A_384 = arith.constant 2 : i32
      %mul3A_385 = arith.muli %mul3A_384, %add3A_285 : i32
      %add3A_386 = arith.constant 192 : i32
      %add3A_387 = arith.addi %mul3A_385, %add3A_386 : i32
      %swap3A_388 = arith.index_cast %add3A_387 : i32 to index
      %swap3A_389 = tpu.vector_load %arg5[%swap3A_388] {strides = array<i32>} : memref<65536xf32, #tpu.memory_space<vmem>>, vector<16xf32>,
      tpu.vector_store %arg5[%swap3A_388], %broadcast_in_dim3A_5 {strides = array<i32>} : memref<65536xf32, #tpu.memory_space<vmem>>, vector<16xf32>,
      %add3A_390 = arith.constant 16 : i32
      %add3A_391 = arith.addi %add3A_387, %add3A_390 : i32
      %swap3A_392 = arith.index_cast %add3A_391 : i32 to index
      %swap3A_393 = tpu.vector_load %arg5[%swap3A_392] {strides = array<i32>} : memref<65536xf32, #tpu.memory_space<vmem>>, vector<16xf32>,
      tpu.vector_store %arg5[%swap3A_392], %broadcast_in_dim3A_5 {strides = array<i32>} : memref<65536xf32, #tpu.memory_space<vmem>>, vector<16xf32>,
      %add3A_394 = vector.broadcast %add3A_387 : i32 to vector<16xi32>
      %add3A_395 = arith.addi %add3A_394, %add3A_11 : vector<16xi32>
      tpu.vector_store_idx %arg5[%add3A_395], %get3A_383 : memref<65536xf32, #tpu.memory_space<vmem>>[vector<16xi32>], vector<16xf32>,
      %add3A_396 = arith.constant 112 : i32
      %add3A_397 = arith.addi %add3A_285, %add3A_396 : i32
      %get3A_398 = arith.index_cast %add3A_397 : i32 to index
      %get3A_399 = tpu.vector_load %arg4[%get3A_398] {strides = array<i32>} : memref<32768xf32, #tpu.memory_space<vmem>>, vector<16xf32>,
      %mul3A_400 = arith.constant 2 : i32
      %mul3A_401 = arith.muli %mul3A_400, %add3A_285 : i32
      %add3A_402 = arith.constant 224 : i32
      %add3A_403 = arith.addi %mul3A_401, %add3A_402 : i32
      %swap3A_404 = arith.index_cast %add3A_403 : i32 to index
      %swap3A_405 = tpu.vector_load %arg5[%swap3A_404] {strides = array<i32>} : memref<65536xf32, #tpu.memory_space<vmem>>, vector<16xf32>,
      tpu.vector_store %arg5[%swap3A_404], %broadcast_in_dim3A_5 {strides = array<i32>} : memref<65536xf32, #tpu.memory_space<vmem>>, vector<16xf32>,
      %add3A_406 = arith.constant 16 : i32
      %add3A_407 = arith.addi %add3A_403, %add3A_406 : i32
      %swap3A_408 = arith.index_cast %add3A_407 : i32 to index
      %swap3A_409 = tpu.vector_load %arg5[%swap3A_408] {strides = array<i32>} : memref<65536xf32, #tpu.memory_space<vmem>>, vector<16xf32>,
      tpu.vector_store %arg5[%swap3A_408], %broadcast_in_dim3A_5 {strides = array<i32>} : memref<65536xf32, #tpu.memory_space<vmem>>, vector<16xf32>,
      %add3A_410 = vector.broadcast %add3A_403 : i32 to vector<16xi32>
      %add3A_411 = arith.addi %add3A_410, %add3A_11 : vector<16xi32>
      tpu.vector_store_idx %arg5[%add3A_411], %get3A_399 : memref<65536xf32, #tpu.memory_space<vmem>>[vector<16xi32>], vector<16xf32>,
    }
    %scan3A_204 = arith.constant 32 : i32
    %add3A_205 = arith.constant 49152 : i32
    %add3A_206 = arith.addi %mul3A_4, %add3A_205 : i32
    %dma_start3A_207 = arith.constant 49152 : i32
    %dma_start3A_208 = tpu.memref_slice %arg5[%dma_start3A_207] : memref<65536xf32, #tpu.memory_space<vmem>> -> memref<8192xf32, #tpu.memory_space<vmem>>
    %dma_start3A_209 = tpu.memref_slice %arg3[%add3A_206] : memref<2097152xf32, #tpu.memory_space<hbm>> -> memref<8192xf32, #tpu.memory_space<hbm>>
    %dma_start3A_210 = tpu.memref_slice %arg3[%add3A_206] : memref<2097152xf32, #tpu.memory_space<hbm>> -> memref<8192xf32, #tpu.memory_space<hbm>>
    %dma_start3A_211 = arith.constant 49152 : i32
    %dma_start3A_212 = tpu.memref_slice %arg5[%dma_start3A_211] : memref<65536xf32, #tpu.memory_space<vmem>> -> memref<8192xf32, #tpu.memory_space<vmem>>
    tpu.enqueue_dma source(%dma_start3A_212 : memref<8192xf32, #tpu.memory_space<vmem>>) target(%dma_start3A_210 : memref<8192xf32, #tpu.memory_space<hbm>>) target_semaphore(%arg20 : memref<!tpu.dma_semaphore, #tpu.memory_space<semaphore_mem>>)
    %dma_wait3A_213 = arith.constant 28672 : i32
    %dma_wait3A_214 = tpu.memref_slice %arg4[%dma_wait3A_213] : memref<32768xf32, #tpu.memory_space<vmem>> -> memref<4096xf32, #tpu.memory_space<vmem>>
    %dma_wait3A_215 = tpu.memref_slice %arg2[%add3A_68] : memref<1048576xf32, #tpu.memory_space<hbm>> -> memref<4096xf32, #tpu.memory_space<hbm>>
    %dma_wait3A_216 = arith.constant 28672 : i32
    %dma_wait3A_217 = tpu.memref_slice %arg4[%dma_wait3A_216] : memref<32768xf32, #tpu.memory_space<vmem>> -> memref<4096xf32, #tpu.memory_space<vmem>>
    %dma_wait3A_218 = tpu.memref_slice %arg2[%add3A_68] : memref<1048576xf32, #tpu.memory_space<hbm>> -> memref<4096xf32, #tpu.memory_space<hbm>>
    tpu.wait_dma2 semaphore(%arg13 : memref<!tpu.dma_semaphore, #tpu.memory_space<semaphore_mem>>) src(%dma_wait3A_218 : memref<4096xf32, #tpu.memory_space<hbm>>) dst(%dma_wait3A_217 : memref<4096xf32, #tpu.memory_space<vmem>>)
    %scan3A_219 = arith.constant 0 : i32
    %scan3A_220 = arith.constant 0 : i32
    %scan3A_221 = arith.constant 32 : i32
    %scan3A_222 = arith.addi %scan3A_220, %scan3A_221 : i32
    %scan3A_223 = arith.constant 1 : i32
    scf.for %scan3A_281 = %scan3A_220 to %scan3A_222 step %scan3A_223  : i32 {
      %mul3A_282 = arith.constant 128 : i32
      %mul3A_283 = arith.muli %scan3A_281, %mul3A_282 : i32
      %add3A_284 = arith.constant 28672 : i32
      %add3A_285 = arith.addi %add3A_284, %mul3A_283 : i32
      %add3A_286 = arith.constant 0 : i32
      %add3A_287 = arith.addi %add3A_285, %add3A_286 : i32
      %get3A = arith.index_cast %add3A_287 : i32 to index
      %get3A_288 = tpu.vector_load %arg4[%get3A] {strides = array<i32>} : memref<32768xf32, #tpu.memory_space<vmem>>, vector<16xf32>,
      %mul3A_289 = arith.constant 2 : i32
      %mul3A_290 = arith.muli %mul3A_289, %add3A_285 : i32
      %add3A_291 = arith.constant 0 : i32
      %add3A_292 = arith.addi %mul3A_290, %add3A_291 : i32
      %swap3A = arith.index_cast %add3A_292 : i32 to index
      %swap3A_293 = tpu.vector_load %arg5[%swap3A] {strides = array<i32>} : memref<65536xf32, #tpu.memory_space<vmem>>, vector<16xf32>,
      tpu.vector_store %arg5[%swap3A], %broadcast_in_dim3A_5 {strides = array<i32>} : memref<65536xf32, #tpu.memory_space<vmem>>, vector<16xf32>,
      %add3A_294 = arith.constant 16 : i32
      %add3A_295 = arith.addi %add3A_292, %add3A_294 : i32
      %swap3A_296 = arith.index_cast %add3A_295 : i32 to index
      %swap3A_297 = tpu.vector_load %arg5[%swap3A_296] {strides = array<i32>} : memref<65536xf32, #tpu.memory_space<vmem>>, vector<16xf32>,
      tpu.vector_store %arg5[%swap3A_296], %broadcast_in_dim3A_5 {strides = array<i32>} : memref<65536xf32, #tpu.memory_space<vmem>>, vector<16xf32>,
      %add3A_298 = vector.broadcast %add3A_292 : i32 to vector<16xi32>
      %add3A_299 = arith.addi %add3A_298, %add3A_11 : vector<16xi32>
      tpu.vector_store_idx %arg5[%add3A_299], %get3A_288 : memref<65536xf32, #tpu.memory_space<vmem>>[vector<16xi32>], vector<16xf32>,
      %add3A_300 = arith.constant 16 : i32
      %add3A_301 = arith.addi %add3A_285, %add3A_300 : i32
      %get3A_302 = arith.index_cast %add3A_301 : i32 to index
      %get3A_303 = tpu.vector_load %arg4[%get3A_302] {strides = array<i32>} : memref<32768xf32, #tpu.memory_space<vmem>>, vector<16xf32>,
      %mul3A_304 = arith.constant 2 : i32
      %mul3A_305 = arith.muli %mul3A_304, %add3A_285 : i32
      %add3A_306 = arith.constant 32 : i32
      %add3A_307 = arith.addi %mul3A_305, %add3A_306 : i32
      %swap3A_308 = arith.index_cast %add3A_307 : i32 to index
      %swap3A_309 = tpu.vector_load %arg5[%swap3A_308] {strides = array<i32>} : memref<65536xf32, #tpu.memory_space<vmem>>, vector<16xf32>,
      tpu.vector_store %arg5[%swap3A_308], %broadcast_in_dim3A_5 {strides = array<i32>} : memref<65536xf32, #tpu.memory_space<vmem>>, vector<16xf32>,
      %add3A_310 = arith.constant 16 : i32
      %add3A_311 = arith.addi %add3A_307, %add3A_310 : i32
      %swap3A_312 = arith.index_cast %add3A_311 : i32 to index
      %swap3A_313 = tpu.vector_load %arg5[%swap3A_312] {strides = array<i32>} : memref<65536xf32, #tpu.memory_space<vmem>>, vector<16xf32>,
      tpu.vector_store %arg5[%swap3A_312], %broadcast_in_dim3A_5 {strides = array<i32>} : memref<65536xf32, #tpu.memory_space<vmem>>, vector<16xf32>,
      %add3A_314 = vector.broadcast %add3A_307 : i32 to vector<16xi32>
      %add3A_315 = arith.addi %add3A_314, %add3A_11 : vector<16xi32>
      tpu.vector_store_idx %arg5[%add3A_315], %get3A_303 : memref<65536xf32, #tpu.memory_space<vmem>>[vector<16xi32>], vector<16xf32>,
      %add3A_316 = arith.constant 32 : i32
      %add3A_317 = arith.addi %add3A_285, %add3A_316 : i32
      %get3A_318 = arith.index_cast %add3A_317 : i32 to index
      %get3A_319 = tpu.vector_load %arg4[%get3A_318] {strides = array<i32>} : memref<32768xf32, #tpu.memory_space<vmem>>, vector<16xf32>,
      %mul3A_320 = arith.constant 2 : i32
      %mul3A_321 = arith.muli %mul3A_320, %add3A_285 : i32
      %add3A_322 = arith.constant 64 : i32
      %add3A_323 = arith.addi %mul3A_321, %add3A_322 : i32
      %swap3A_324 = arith.index_cast %add3A_323 : i32 to index
      %swap3A_325 = tpu.vector_load %arg5[%swap3A_324] {strides = array<i32>} : memref<65536xf32, #tpu.memory_space<vmem>>, vector<16xf32>,
      tpu.vector_store %arg5[%swap3A_324], %broadcast_in_dim3A_5 {strides = array<i32>} : memref<65536xf32, #tpu.memory_space<vmem>>, vector<16xf32>,
      %add3A_326 = arith.constant 16 : i32
      %add3A_327 = arith.addi %add3A_323, %add3A_326 : i32
      %swap3A_328 = arith.index_cast %add3A_327 : i32 to index
      %swap3A_329 = tpu.vector_load %arg5[%swap3A_328] {strides = array<i32>} : memref<65536xf32, #tpu.memory_space<vmem>>, vector<16xf32>,
      tpu.vector_store %arg5[%swap3A_328], %broadcast_in_dim3A_5 {strides = array<i32>} : memref<65536xf32, #tpu.memory_space<vmem>>, vector<16xf32>,
      %add3A_330 = vector.broadcast %add3A_323 : i32 to vector<16xi32>
      %add3A_331 = arith.addi %add3A_330, %add3A_11 : vector<16xi32>
      tpu.vector_store_idx %arg5[%add3A_331], %get3A_319 : memref<65536xf32, #tpu.memory_space<vmem>>[vector<16xi32>], vector<16xf32>,
      %add3A_332 = arith.constant 48 : i32
      %add3A_333 = arith.addi %add3A_285, %add3A_332 : i32
      %get3A_334 = arith.index_cast %add3A_333 : i32 to index
      %get3A_335 = tpu.vector_load %arg4[%get3A_334] {strides = array<i32>} : memref<32768xf32, #tpu.memory_space<vmem>>, vector<16xf32>,
      %mul3A_336 = arith.constant 2 : i32
      %mul3A_337 = arith.muli %mul3A_336, %add3A_285 : i32
      %add3A_338 = arith.constant 96 : i32
      %add3A_339 = arith.addi %mul3A_337, %add3A_338 : i32
      %swap3A_340 = arith.index_cast %add3A_339 : i32 to index
      %swap3A_341 = tpu.vector_load %arg5[%swap3A_340] {strides = array<i32>} : memref<65536xf32, #tpu.memory_space<vmem>>, vector<16xf32>,
      tpu.vector_store %arg5[%swap3A_340], %broadcast_in_dim3A_5 {strides = array<i32>} : memref<65536xf32, #tpu.memory_space<vmem>>, vector<16xf32>,
      %add3A_342 = arith.constant 16 : i32
      %add3A_343 = arith.addi %add3A_339, %add3A_342 : i32
      %swap3A_344 = arith.index_cast %add3A_343 : i32 to index
      %swap3A_345 = tpu.vector_load %arg5[%swap3A_344] {strides = array<i32>} : memref<65536xf32, #tpu.memory_space<vmem>>, vector<16xf32>,
      tpu.vector_store %arg5[%swap3A_344], %broadcast_in_dim3A_5 {strides = array<i32>} : memref<65536xf32, #tpu.memory_space<vmem>>, vector<16xf32>,
      %add3A_346 = vector.broadcast %add3A_339 : i32 to vector<16xi32>
      %add3A_347 = arith.addi %add3A_346, %add3A_11 : vector<16xi32>
      tpu.vector_store_idx %arg5[%add3A_347], %get3A_335 : memref<65536xf32, #tpu.memory_space<vmem>>[vector<16xi32>], vector<16xf32>,
      %add3A_348 = arith.constant 64 : i32
      %add3A_349 = arith.addi %add3A_285, %add3A_348 : i32
      %get3A_350 = arith.index_cast %add3A_349 : i32 to index
      %get3A_351 = tpu.vector_load %arg4[%get3A_350] {strides = array<i32>} : memref<32768xf32, #tpu.memory_space<vmem>>, vector<16xf32>,
      %mul3A_352 = arith.constant 2 : i32
      %mul3A_353 = arith.muli %mul3A_352, %add3A_285 : i32
      %add3A_354 = arith.constant 128 : i32
      %add3A_355 = arith.addi %mul3A_353, %add3A_354 : i32
      %swap3A_356 = arith.index_cast %add3A_355 : i32 to index
      %swap3A_357 = tpu.vector_load %arg5[%swap3A_356] {strides = array<i32>} : memref<65536xf32, #tpu.memory_space<vmem>>, vector<16xf32>,
      tpu.vector_store %arg5[%swap3A_356], %broadcast_in_dim3A_5 {strides = array<i32>} : memref<65536xf32, #tpu.memory_space<vmem>>, vector<16xf32>,
      %add3A_358 = arith.constant 16 : i32
      %add3A_359 = arith.addi %add3A_355, %add3A_358 : i32
      %swap3A_360 = arith.index_cast %add3A_359 : i32 to index
      %swap3A_361 = tpu.vector_load %arg5[%swap3A_360] {strides = array<i32>} : memref<65536xf32, #tpu.memory_space<vmem>>, vector<16xf32>,
      tpu.vector_store %arg5[%swap3A_360], %broadcast_in_dim3A_5 {strides = array<i32>} : memref<65536xf32, #tpu.memory_space<vmem>>, vector<16xf32>,
      %add3A_362 = vector.broadcast %add3A_355 : i32 to vector<16xi32>
      %add3A_363 = arith.addi %add3A_362, %add3A_11 : vector<16xi32>
      tpu.vector_store_idx %arg5[%add3A_363], %get3A_351 : memref<65536xf32, #tpu.memory_space<vmem>>[vector<16xi32>], vector<16xf32>,
      %add3A_364 = arith.constant 80 : i32
      %add3A_365 = arith.addi %add3A_285, %add3A_364 : i32
      %get3A_366 = arith.index_cast %add3A_365 : i32 to index
      %get3A_367 = tpu.vector_load %arg4[%get3A_366] {strides = array<i32>} : memref<32768xf32, #tpu.memory_space<vmem>>, vector<16xf32>,
      %mul3A_368 = arith.constant 2 : i32
      %mul3A_369 = arith.muli %mul3A_368, %add3A_285 : i32
      %add3A_370 = arith.constant 160 : i32
      %add3A_371 = arith.addi %mul3A_369, %add3A_370 : i32
      %swap3A_372 = arith.index_cast %add3A_371 : i32 to index
      %swap3A_373 = tpu.vector_load %arg5[%swap3A_372] {strides = array<i32>} : memref<65536xf32, #tpu.memory_space<vmem>>, vector<16xf32>,
      tpu.vector_store %arg5[%swap3A_372], %broadcast_in_dim3A_5 {strides = array<i32>} : memref<65536xf32, #tpu.memory_space<vmem>>, vector<16xf32>,
      %add3A_374 = arith.constant 16 : i32
      %add3A_375 = arith.addi %add3A_371, %add3A_374 : i32
      %swap3A_376 = arith.index_cast %add3A_375 : i32 to index
      %swap3A_377 = tpu.vector_load %arg5[%swap3A_376] {strides = array<i32>} : memref<65536xf32, #tpu.memory_space<vmem>>, vector<16xf32>,
      tpu.vector_store %arg5[%swap3A_376], %broadcast_in_dim3A_5 {strides = array<i32>} : memref<65536xf32, #tpu.memory_space<vmem>>, vector<16xf32>,
      %add3A_378 = vector.broadcast %add3A_371 : i32 to vector<16xi32>
      %add3A_379 = arith.addi %add3A_378, %add3A_11 : vector<16xi32>
      tpu.vector_store_idx %arg5[%add3A_379], %get3A_367 : memref<65536xf32, #tpu.memory_space<vmem>>[vector<16xi32>], vector<16xf32>,
      %add3A_380 = arith.constant 96 : i32
      %add3A_381 = arith.addi %add3A_285, %add3A_380 : i32
      %get3A_382 = arith.index_cast %add3A_381 : i32 to index
      %get3A_383 = tpu.vector_load %arg4[%get3A_382] {strides = array<i32>} : memref<32768xf32, #tpu.memory_space<vmem>>, vector<16xf32>,
      %mul3A_384 = arith.constant 2 : i32
      %mul3A_385 = arith.muli %mul3A_384, %add3A_285 : i32
      %add3A_386 = arith.constant 192 : i32
      %add3A_387 = arith.addi %mul3A_385, %add3A_386 : i32
      %swap3A_388 = arith.index_cast %add3A_387 : i32 to index
      %swap3A_389 = tpu.vector_load %arg5[%swap3A_388] {strides = array<i32>} : memref<65536xf32, #tpu.memory_space<vmem>>, vector<16xf32>,
      tpu.vector_store %arg5[%swap3A_388], %broadcast_in_dim3A_5 {strides = array<i32>} : memref<65536xf32, #tpu.memory_space<vmem>>, vector<16xf32>,
      %add3A_390 = arith.constant 16 : i32
      %add3A_391 = arith.addi %add3A_387, %add3A_390 : i32
      %swap3A_392 = arith.index_cast %add3A_391 : i32 to index
      %swap3A_393 = tpu.vector_load %arg5[%swap3A_392] {strides = array<i32>} : memref<65536xf32, #tpu.memory_space<vmem>>, vector<16xf32>,
      tpu.vector_store %arg5[%swap3A_392], %broadcast_in_dim3A_5 {strides = array<i32>} : memref<65536xf32, #tpu.memory_space<vmem>>, vector<16xf32>,
      %add3A_394 = vector.broadcast %add3A_387 : i32 to vector<16xi32>
      %add3A_395 = arith.addi %add3A_394, %add3A_11 : vector<16xi32>
      tpu.vector_store_idx %arg5[%add3A_395], %get3A_383 : memref<65536xf32, #tpu.memory_space<vmem>>[vector<16xi32>], vector<16xf32>,
      %add3A_396 = arith.constant 112 : i32
      %add3A_397 = arith.addi %add3A_285, %add3A_396 : i32
      %get3A_398 = arith.index_cast %add3A_397 : i32 to index
      %get3A_399 = tpu.vector_load %arg4[%get3A_398] {strides = array<i32>} : memref<32768xf32, #tpu.memory_space<vmem>>, vector<16xf32>,
      %mul3A_400 = arith.constant 2 : i32
      %mul3A_401 = arith.muli %mul3A_400, %add3A_285 : i32
      %add3A_402 = arith.constant 224 : i32
      %add3A_403 = arith.addi %mul3A_401, %add3A_402 : i32
      %swap3A_404 = arith.index_cast %add3A_403 : i32 to index
      %swap3A_405 = tpu.vector_load %arg5[%swap3A_404] {strides = array<i32>} : memref<65536xf32, #tpu.memory_space<vmem>>, vector<16xf32>,
      tpu.vector_store %arg5[%swap3A_404], %broadcast_in_dim3A_5 {strides = array<i32>} : memref<65536xf32, #tpu.memory_space<vmem>>, vector<16xf32>,
      %add3A_406 = arith.constant 16 : i32
      %add3A_407 = arith.addi %add3A_403, %add3A_406 : i32
      %swap3A_408 = arith.index_cast %add3A_407 : i32 to index
      %swap3A_409 = tpu.vector_load %arg5[%swap3A_408] {strides = array<i32>} : memref<65536xf32, #tpu.memory_space<vmem>>, vector<16xf32>,
      tpu.vector_store %arg5[%swap3A_408], %broadcast_in_dim3A_5 {strides = array<i32>} : memref<65536xf32, #tpu.memory_space<vmem>>, vector<16xf32>,
      %add3A_410 = vector.broadcast %add3A_403 : i32 to vector<16xi32>
      %add3A_411 = arith.addi %add3A_410, %add3A_11 : vector<16xi32>
      tpu.vector_store_idx %arg5[%add3A_411], %get3A_399 : memref<65536xf32, #tpu.memory_space<vmem>>[vector<16xi32>], vector<16xf32>,
    }
    %scan3A_224 = arith.constant 32 : i32
    %add3A_225 = arith.constant 57344 : i32
    %add3A_226 = arith.addi %mul3A_4, %add3A_225 : i32
    %dma_start3A_227 = arith.constant 57344 : i32
    %dma_start3A_228 = tpu.memref_slice %arg5[%dma_start3A_227] : memref<65536xf32, #tpu.memory_space<vmem>> -> memref<8192xf32, #tpu.memory_space<vmem>>
    %dma_start3A_229 = tpu.memref_slice %arg3[%add3A_226] : memref<2097152xf32, #tpu.memory_space<hbm>> -> memref<8192xf32, #tpu.memory_space<hbm>>
    %dma_start3A_230 = tpu.memref_slice %arg3[%add3A_226] : memref<2097152xf32, #tpu.memory_space<hbm>> -> memref<8192xf32, #tpu.memory_space<hbm>>
    %dma_start3A_231 = arith.constant 57344 : i32
    %dma_start3A_232 = tpu.memref_slice %arg5[%dma_start3A_231] : memref<65536xf32, #tpu.memory_space<vmem>> -> memref<8192xf32, #tpu.memory_space<vmem>>
    tpu.enqueue_dma source(%dma_start3A_232 : memref<8192xf32, #tpu.memory_space<vmem>>) target(%dma_start3A_230 : memref<8192xf32, #tpu.memory_space<hbm>>) target_semaphore(%arg21 : memref<!tpu.dma_semaphore, #tpu.memory_space<semaphore_mem>>)
    %dma_wait3A_233 = arith.constant 0 : i32
    %dma_wait3A_234 = tpu.memref_slice %arg5[%dma_wait3A_233] : memref<65536xf32, #tpu.memory_space<vmem>> -> memref<8192xf32, #tpu.memory_space<vmem>>
    %dma_wait3A_235 = tpu.memref_slice %arg3[%add3A_86] : memref<2097152xf32, #tpu.memory_space<hbm>> -> memref<8192xf32, #tpu.memory_space<hbm>>
    %dma_wait3A_236 = tpu.memref_slice %arg3[%add3A_86] : memref<2097152xf32, #tpu.memory_space<hbm>> -> memref<8192xf32, #tpu.memory_space<hbm>>
    %dma_wait3A_237 = arith.constant 0 : i32
    %dma_wait3A_238 = tpu.memref_slice %arg5[%dma_wait3A_237] : memref<65536xf32, #tpu.memory_space<vmem>> -> memref<8192xf32, #tpu.memory_space<vmem>>
    tpu.wait_dma2 semaphore(%arg14 : memref<!tpu.dma_semaphore, #tpu.memory_space<semaphore_mem>>) src(%dma_wait3A_238 : memref<8192xf32, #tpu.memory_space<vmem>>) dst(%dma_wait3A_236 : memref<8192xf32, #tpu.memory_space<hbm>>)
    %dma_wait3A_239 = arith.constant 8192 : i32
    %dma_wait3A_240 = tpu.memref_slice %arg5[%dma_wait3A_239] : memref<65536xf32, #tpu.memory_space<vmem>> -> memref<8192xf32, #tpu.memory_space<vmem>>
    %dma_wait3A_241 = tpu.memref_slice %arg3[%add3A_106] : memref<2097152xf32, #tpu.memory_space<hbm>> -> memref<8192xf32, #tpu.memory_space<hbm>>
    %dma_wait3A_242 = tpu.memref_slice %arg3[%add3A_106] : memref<2097152xf32, #tpu.memory_space<hbm>> -> memref<8192xf32, #tpu.memory_space<hbm>>
    %dma_wait3A_243 = arith.constant 8192 : i32
    %dma_wait3A_244 = tpu.memref_slice %arg5[%dma_wait3A_243] : memref<65536xf32, #tpu.memory_space<vmem>> -> memref<8192xf32, #tpu.memory_space<vmem>>
    tpu.wait_dma2 semaphore(%arg15 : memref<!tpu.dma_semaphore, #tpu.memory_space<semaphore_mem>>) src(%dma_wait3A_244 : memref<8192xf32, #tpu.memory_space<vmem>>) dst(%dma_wait3A_242 : memref<8192xf32, #tpu.memory_space<hbm>>)
    %dma_wait3A_245 = arith.constant 16384 : i32
    %dma_wait3A_246 = tpu.memref_slice %arg5[%dma_wait3A_245] : memref<65536xf32, #tpu.memory_space<vmem>> -> memref<8192xf32, #tpu.memory_space<vmem>>
    %dma_wait3A_247 = tpu.memref_slice %arg3[%add3A_126] : memref<2097152xf32, #tpu.memory_space<hbm>> -> memref<8192xf32, #tpu.memory_space<hbm>>
    %dma_wait3A_248 = tpu.memref_slice %arg3[%add3A_126] : memref<2097152xf32, #tpu.memory_space<hbm>> -> memref<8192xf32, #tpu.memory_space<hbm>>
    %dma_wait3A_249 = arith.constant 16384 : i32
    %dma_wait3A_250 = tpu.memref_slice %arg5[%dma_wait3A_249] : memref<65536xf32, #tpu.memory_space<vmem>> -> memref<8192xf32, #tpu.memory_space<vmem>>
    tpu.wait_dma2 semaphore(%arg16 : memref<!tpu.dma_semaphore, #tpu.memory_space<semaphore_mem>>) src(%dma_wait3A_250 : memref<8192xf32, #tpu.memory_space<vmem>>) dst(%dma_wait3A_248 : memref<8192xf32, #tpu.memory_space<hbm>>)
    %dma_wait3A_251 = arith.constant 24576 : i32
    %dma_wait3A_252 = tpu.memref_slice %arg5[%dma_wait3A_251] : memref<65536xf32, #tpu.memory_space<vmem>> -> memref<8192xf32, #tpu.memory_space<vmem>>
    %dma_wait3A_253 = tpu.memref_slice %arg3[%add3A_146] : memref<2097152xf32, #tpu.memory_space<hbm>> -> memref<8192xf32, #tpu.memory_space<hbm>>
    %dma_wait3A_254 = tpu.memref_slice %arg3[%add3A_146] : memref<2097152xf32, #tpu.memory_space<hbm>> -> memref<8192xf32, #tpu.memory_space<hbm>>
    %dma_wait3A_255 = arith.constant 24576 : i32
    %dma_wait3A_256 = tpu.memref_slice %arg5[%dma_wait3A_255] : memref<65536xf32, #tpu.memory_space<vmem>> -> memref<8192xf32, #tpu.memory_space<vmem>>
    tpu.wait_dma2 semaphore(%arg17 : memref<!tpu.dma_semaphore, #tpu.memory_space<semaphore_mem>>) src(%dma_wait3A_256 : memref<8192xf32, #tpu.memory_space<vmem>>) dst(%dma_wait3A_254 : memref<8192xf32, #tpu.memory_space<hbm>>)
    %dma_wait3A_257 = arith.constant 32768 : i32
    %dma_wait3A_258 = tpu.memref_slice %arg5[%dma_wait3A_257] : memref<65536xf32, #tpu.memory_space<vmem>> -> memref<8192xf32, #tpu.memory_space<vmem>>
    %dma_wait3A_259 = tpu.memref_slice %arg3[%add3A_166] : memref<2097152xf32, #tpu.memory_space<hbm>> -> memref<8192xf32, #tpu.memory_space<hbm>>
    %dma_wait3A_260 = tpu.memref_slice %arg3[%add3A_166] : memref<2097152xf32, #tpu.memory_space<hbm>> -> memref<8192xf32, #tpu.memory_space<hbm>>
    %dma_wait3A_261 = arith.constant 32768 : i32
    %dma_wait3A_262 = tpu.memref_slice %arg5[%dma_wait3A_261] : memref<65536xf32, #tpu.memory_space<vmem>> -> memref<8192xf32, #tpu.memory_space<vmem>>
    tpu.wait_dma2 semaphore(%arg18 : memref<!tpu.dma_semaphore, #tpu.memory_space<semaphore_mem>>) src(%dma_wait3A_262 : memref<8192xf32, #tpu.memory_space<vmem>>) dst(%dma_wait3A_260 : memref<8192xf32, #tpu.memory_space<hbm>>)
    %dma_wait3A_263 = arith.constant 40960 : i32
    %dma_wait3A_264 = tpu.memref_slice %arg5[%dma_wait3A_263] : memref<65536xf32, #tpu.memory_space<vmem>> -> memref<8192xf32, #tpu.memory_space<vmem>>
    %dma_wait3A_265 = tpu.memref_slice %arg3[%add3A_186] : memref<2097152xf32, #tpu.memory_space<hbm>> -> memref<8192xf32, #tpu.memory_space<hbm>>
    %dma_wait3A_266 = tpu.memref_slice %arg3[%add3A_186] : memref<2097152xf32, #tpu.memory_space<hbm>> -> memref<8192xf32, #tpu.memory_space<hbm>>
    %dma_wait3A_267 = arith.constant 40960 : i32
    %dma_wait3A_268 = tpu.memref_slice %arg5[%dma_wait3A_267] : memref<65536xf32, #tpu.memory_space<vmem>> -> memref<8192xf32, #tpu.memory_space<vmem>>
    tpu.wait_dma2 semaphore(%arg19 : memref<!tpu.dma_semaphore, #tpu.memory_space<semaphore_mem>>) src(%dma_wait3A_268 : memref<8192xf32, #tpu.memory_space<vmem>>) dst(%dma_wait3A_266 : memref<8192xf32, #tpu.memory_space<hbm>>)
    %dma_wait3A_269 = arith.constant 49152 : i32
    %dma_wait3A_270 = tpu.memref_slice %arg5[%dma_wait3A_269] : memref<65536xf32, #tpu.memory_space<vmem>> -> memref<8192xf32, #tpu.memory_space<vmem>>
    %dma_wait3A_271 = tpu.memref_slice %arg3[%add3A_206] : memref<2097152xf32, #tpu.memory_space<hbm>> -> memref<8192xf32, #tpu.memory_space<hbm>>
    %dma_wait3A_272 = tpu.memref_slice %arg3[%add3A_206] : memref<2097152xf32, #tpu.memory_space<hbm>> -> memref<8192xf32, #tpu.memory_space<hbm>>
    %dma_wait3A_273 = arith.constant 49152 : i32
    %dma_wait3A_274 = tpu.memref_slice %arg5[%dma_wait3A_273] : memref<65536xf32, #tpu.memory_space<vmem>> -> memref<8192xf32, #tpu.memory_space<vmem>>
    tpu.wait_dma2 semaphore(%arg20 : memref<!tpu.dma_semaphore, #tpu.memory_space<semaphore_mem>>) src(%dma_wait3A_274 : memref<8192xf32, #tpu.memory_space<vmem>>) dst(%dma_wait3A_272 : memref<8192xf32, #tpu.memory_space<hbm>>)
    %dma_wait3A_275 = arith.constant 57344 : i32
    %dma_wait3A_276 = tpu.memref_slice %arg5[%dma_wait3A_275] : memref<65536xf32, #tpu.memory_space<vmem>> -> memref<8192xf32, #tpu.memory_space<vmem>>
    %dma_wait3A_277 = tpu.memref_slice %arg3[%add3A_226] : memref<2097152xf32, #tpu.memory_space<hbm>> -> memref<8192xf32, #tpu.memory_space<hbm>>
    %dma_wait3A_278 = tpu.memref_slice %arg3[%add3A_226] : memref<2097152xf32, #tpu.memory_space<hbm>> -> memref<8192xf32, #tpu.memory_space<hbm>>
    %dma_wait3A_279 = arith.constant 57344 : i32
    %dma_wait3A_280 = tpu.memref_slice %arg5[%dma_wait3A_279] : memref<65536xf32, #tpu.memory_space<vmem>> -> memref<8192xf32, #tpu.memory_space<vmem>>
    tpu.wait_dma2 semaphore(%arg21 : memref<!tpu.dma_semaphore, #tpu.memory_space<semaphore_mem>>) src(%dma_wait3A_280 : memref<8192xf32, #tpu.memory_space<vmem>>) dst(%dma_wait3A_278 : memref<8192xf32, #tpu.memory_space<hbm>>)
    return
  }
}

</mosaic_0001>

<sc_bundles>
// kernel: kernel.3.cloned.1.call-start
scs
__scs_entry_jumppad:
0x0: {  	(pc) =	sbr.rel $0x88, $3  }
0x1: {  	(tag) =	ssettag $0x0;
	lr =	simm.s32 $0x1  }
0x2: {  	[smem:$0x3FA0] =	sst lr;
	_ =	strace $0xD0000000  }
0x3: {  	_ = 	snop  }
0x4: {  	_ = 	snop  }
0x5: {  	_ = 	snop  }
0x6: {  	_ = 	snop  }
0x7: {  	_ = 	snop  }
__scs_overlays_trampoline_lowered:
0x8: {  	[smem:$0x3FAF] =	sst s0  }
0x9: {  	[smem:$0x3FB0] =	sst s1  }
0xa: {  	[smem:$0x3FB1] =	sst s2  }
0xb: {  	[smem:$0x3FB2] =	sst s3  }
0xc: {  	[smem:$0x3FB3] =	sst s4  }
0xd: {  	[smem:$0x3FB4] =	sst s5  }
0xe: {  	[smem:$0x3FB5] =	sst s6  }
0xf: {  	[smem:$0x3FB6] =	sst s7  }
0x10: {  	[smem:$0x3FB7] =	sst s8  }
0x11: {  	[smem:$0x3FB8] =	sst s9;
	s0 =	simm.s32 @!p0 $0x0  }
0x12: {  	s1 =	sld [smem:$0x3F9E];
	s0 =	simm.s32 @p0 $0x1  }
0x13: {  	[smem:$0x3FB9] =	sst s0;
	s0 =	simm.s32 @!p1 $0x0  }
0x14: {  	s2 =	sld [smem:$0x3F9D];
	s0 =	simm.s32 @p1 $0x1  }
0x15: {  	[smem:$0x3FBA] =	sst s0;
	s0 =	simm.s32 @!p2 $0x0  }
0x16: {  	s3 =	sld [smem:$0x3FDB];
	s0 =	simm.s32 @p2 $0x1  }
0x17: {  	s4 =	simm.s32 $0x1BF5;
	[smem:$0x3FBC] =	sst s0  }
0x18: {  	s0 =	sld [smem:$0x3F9F];
	_ =	swait.ge [sflag:s4], $0x0  }
0x19: {  	s7 =	sld [smem:$0x3FA0]  }
0x1a: {  	s8 =	sadd.s32 $0xFFFFE003, lr  }
0x1b: {  	s9 =	sadd.s32 $0xFFFFFEF7, lr;
	s5 =	simm.s32 $0xFFFFFFFF;
	p2 =	slt.u32 s8, $0xFFFFF086  }
0x1c: {  	p1 =	slt.u32 s9, $0xF7A;
	s5 =	simm.s32 @!p2 $0x0  }
0x1d: {  	s5 =	simm.s32 @p1 $0x1;
	p0 =	seq.s32 s7, s2  }
0x1e: {  	s7 =	smul.u32 @!p0 $0xF7A, s2;
	p2 =	seq.s32 @!p0 s5, $0x0  }
0x1f: {  	s9 =	smul.u32 $0xF7A, s1;
	s8 =	simm.s32 @!p0 $0x1BF5;
	p2 =	por !p2, p0  }
0x20: {  	[sflag:s8] =	ssyncset.s32 @!p0 $0xFFFFF086;
	s6 =	sadd.s32 @!p0 s3, s7;
	s7 =	simm.s32 @!p0 $0x108  }
0x21: {  	s3 =	sadd.s32 s3, s9;
	s6 =	sadd.s32 @!p0 $0x88, s6;
	s7 =	simm.s32 @p2 $0x1082  }
0x22: {  	[simem:s7], [sflag:s8] =	dma.local @!p0 [hbm:s6], $0xF7A  }
0x23: {  	s9 =	sor.u32 $0xD0000000, s2;
	s6 =	simm.s32 $0x108;
	_ =	swait.ge @!p0 [sflag:s8], $0x0  }
0x24: {  	s3 =	sadd.s32 $0x88, s3;
	s6 =	simm.s32 @!p1 $0x1082;
	[sflag:s4] =	ssyncset.s32 $0xFFFFF086  }
0x25: {  	[simem:s6], [sflag:s4] =	dma.local [hbm:s3], $0xF7A  }
0x26: {  	[smem:$0x3FA0] =	sst s1;
	(tag) =	ssettag s2;
	_ =	strace s9  }
0x27: {  	s1 =	sld [smem:$0x3FB0]  }
0x28: {  	s2 =	sld [smem:$0x3FB1]  }
0x29: {  	s4 =	sld [smem:$0x3FB3]  }
0x2a: {  	p0 =	seq.s32 s5, $0x0;
	s5 =	sld [smem:$0x3FB4]  }
0x2b: {  	s6 =	sld [smem:$0x3FB5]  }
0x2c: {  	s7 =	sld [smem:$0x3FB6]  }
0x2d: {  	s3 =	simm.s32 $0x108;
	s8 =	sld [smem:$0x3FB7]  }
0x2e: {  	s3 =	simm.s32 @!p0 $0x1082;
	s9 =	sld [smem:$0x3FB8]  }
0x2f: {  	lr =	sadd.s32 s0, s3;
	s0 =	sld [smem:$0x3FAF]  }
0x30: {  	s3 =	sld [smem:$0x3FB2]  }
0x31: {  	[smem:$0x3FBB] =	sst s10  }
0x32: {  	s10 =	sld [smem:$0x3FB9];
	_ =	sdelay $0x3  }
0x33: {  	p0 =	seq.s32 s10, $0x1;
	s10 =	sld [smem:$0x3FBB];
	_ =	sdelay $0x3  }
0x34: {  	[smem:$0x3FBB] =	sst s10  }
0x35: {  	s10 =	sld [smem:$0x3FBA];
	_ =	sdelay $0x3  }
0x36: {  	p1 =	seq.s32 s10, $0x1;
	s10 =	sld [smem:$0x3FBB];
	_ =	sdelay $0x3  }
0x37: {  	[smem:$0x3FBB] =	sst s10  }
0x38: {  	s10 =	sld [smem:$0x3FBC]  }
0x39: {  	_ = 	snop;
	(pc) =	sbr.ind lr, $3  }
0x3a: {  	_ = 	snop  }
0x3b: {  	_ = 	snop  }
0x3c: {  	p2 =	seq.s32 s10, $0x1;
	s10 =	sld [smem:$0x3FBB]  }
0x3d: {  	_ =	shalt  }
0x3e: {  	_ =	shalt  }
0x3f: {  	_ =	shalt  }
0x40: {  	_ =	shalt  }
0x41: {  	_ =	shalt  }
0x42: {  	_ =	shalt  }
0x43: {  	_ =	shalt  }
0x44: {  	_ =	shalt  }
0x45: {  	_ =	shalt  }
0x46: {  	_ =	shalt  }
0x47: {  	_ =	shalt  }
0x48: {  	_ =	shalt  }
0x49: {  	_ =	shalt  }
0x4a: {  	_ =	shalt  }
0x4b: {  	_ =	shalt  }
0x4c: {  	_ =	shalt  }
0x4d: {  	_ =	shalt  }
0x4e: {  	_ =	shalt  }
0x4f: {  	_ =	shalt  }
0x50: {  	_ =	shalt  }
0x51: {  	_ =	shalt  }
0x52: {  	_ =	shalt  }
0x53: {  	_ =	shalt  }
0x54: {  	_ =	shalt  }
0x55: {  	_ =	shalt  }
0x56: {  	_ =	shalt  }
0x57: {  	_ =	shalt  }
0x58: {  	_ =	shalt  }
0x59: {  	_ =	shalt  }
0x5a: {  	_ =	shalt  }
0x5b: {  	_ =	shalt  }
0x5c: {  	_ =	shalt  }
0x5d: {  	_ =	shalt  }
0x5e: {  	_ =	shalt  }
0x5f: {  	_ =	shalt  }
0x60: {  	_ =	shalt  }
0x61: {  	_ =	shalt  }
0x62: {  	_ =	shalt  }
0x63: {  	_ =	shalt  }
0x64: {  	_ =	shalt  }
0x65: {  	_ =	shalt  }
0x66: {  	_ =	shalt  }
0x67: {  	_ =	shalt  }
0x68: {  	_ =	shalt  }
0x69: {  	_ =	shalt  }
0x6a: {  	_ =	shalt  }
0x6b: {  	_ =	shalt  }
0x6c: {  	_ =	shalt  }
0x6d: {  	_ =	shalt  }
0x6e: {  	_ =	shalt  }
0x6f: {  	_ =	shalt  }
0x70: {  	_ =	shalt  }
0x71: {  	_ =	shalt  }
0x72: {  	_ =	shalt  }
0x73: {  	_ =	shalt  }
0x74: {  	_ =	shalt  }
0x75: {  	_ =	shalt  }
0x76: {  	_ =	shalt  }
0x77: {  	_ =	shalt  }
0x78: {  	_ =	shalt  }
0x79: {  	_ =	shalt  }
0x7a: {  	_ =	shalt  }
0x7b: {  	_ =	shalt  }
0x7c: {  	_ =	shalt  }
0x7d: {  	_ =	shalt  }
0x7e: {  	_ =	shalt  }
0x7f: {  	_ =	shalt  }
0x80: {  	_ =	shalt  }
0x81: {  	_ =	shalt  }
0x82: {  	_ =	shalt  }
0x83: {  	_ =	shalt  }
0x84: {  	_ =	shalt  }
0x85: {  	_ =	shalt  }
0x86: {  	_ =	shalt  }
0x87: {  	_ =	shalt  }
.Lfunc_end0:
.L_simem_size_0:
called_computation_lowered:
.L_overlay_start_0:
0x88: {  	s2 =	sld [smem:$0x3FD9]  }
0x89: {  	s3 =	sld [smem:$0x3FFE];
	_ =	sdelay $0x1  }
0x8a: {  	s1 =	srdreg.scid  }
0x8b: {  	s0 =	sand.u32 $0x1, s1  }
0x8c: {  	s18 =	sshll.u32 s0, $0xA;
	s2 =	sadd.s32 s3, s2  }
0x8d: {  	s2 =	sadd.s32 s2, s18  }
0x8e: {  	[smem:$0x3FC7] =	sst s2  }
0x8f: {  	_ = 	snop  }
0x90: {  	s2 =	sld [smem:$0x3FC9]  }
0x91: {  	s19 =	sld [smem:$0x3FD0];
	(tm) =	ssettm $0x1  }
0x92: {  	s4 =	sld [smem:$0x3FFB];
	_ =	sdelay $0x3  }
0x93: {  	_ =	strace s4  }
0x94: {  	s4 =	sld [smem:$0x3FFC];
	_ =	sdelay $0x3  }
0x95: {  	_ =	strace s4  }
0x96: {  	s4 =	sld [smem:$0x3FFD];
	_ =	sdelay $0x3  }
0x97: {  	_ =	strace s4  }
0x98: {  	_ =	strace $0x8FFFFFFF  }
0x99: {  	s20 =	sld [smem:$0x3FDB];
	_ =	sdelay $0x1  }
0x9a: {  	s5 =	simm.s32 $_scs_section_size  }
0x9b: {  	s6 =	simm.s32 $_size__tile_overlayer_lowered;
	s7 =	simm.s32 $_tile_overlayer_lowered  }
0x9c: {  	s23 =	simm.s32 $0x1BFF;
	s22 =	sshll.u32 s7, $0x1;
	s4 =	sadd.s32 s5, s20  }
0x9d: {  	s8 =	simm.s32 $0x0;
	s21 =	sshll.u32 s6, $0x1;
	s6 =	sadd.s32 s22, s4  }
0x9e: {  	[timem:s8], [sflag:s23] =	dma.local [hbm:s6], s21  }
0x9f: {  	_ =	swait.ge [sflag:s23], s21  }
0xa0: {  	s5 =	ssub.s32 $0x0, s21;
	[sflag:s23] =	ssyncset.done $0x0  }
0xa1: {  	[sflag:s23] =	ssyncadd.s32 s5;
	_ =	sdelay $0x1  }
0xa2: {  	s24 =	simm.s32 $0x1B8B  }
0xa3: {  	_ =	swait.ge [sflag:s24], $0x1  }
0xa4: {  	[sflag:s24] =	ssyncset.done $0x0  }
0xa5: {  	s25 =	simm.s32 $0x1B8E;
	[sflag:s24] =	ssyncadd.s32 $0xFFFFFFFF  }
0xa6: {  	s26 =	simm.s32 $execute0_lowered;
	[smem:$0x3FD2] =	sst s25  }
0xa7: {  	s5 =	sshll.u32 s26, $0x1;
	_ =	strace $0x80000046;
	[dreg:$0x1] =	wrdreg $0xFFFFFFFF  }
0xa8: {  	s28 =	simm.s32 $_size_execute0_lowered;
	s4 =	sadd.s32 s4, s5;
	[dreg:$0x0] =	wrdreg $0x0  }
0xa9: {  	s5 =	sshll.u32 s28, $0x1;
	[dreg:$0x2] =	wrdreg s4  }
0xaa: {  	[dreg:$0x3] =	wrdreg s5  }
0xab: {  	[dreg:$0x4] =	wrdreg $0xC0  }
0xac: {  	_ =	task [dreg:s8], $0x5FFFF  }
0xad: {  	[dreg:$0x1] =	wrdreg $0xFFFFFFFF  }
0xae: {  	[dreg:$0x0] =	wrdreg $0x60  }
0xaf: {  	[dreg:$0x2] =	wrdreg s2  }
0xb0: {  	[dreg:$0x3] =	wrdreg s19  }
0xb1: {  	[dreg:$0x4] =	wrdreg $0x9  }
0xb2: {  	_ =	task.clear_ibuf [dreg:s8], $0x5FFFF;
	_ =	strace $0x90000046  }
0xb3: {  	s29 =	simm.s32 $0x9;
	_ =	strace $0x80000048  }
0xb4: {  	_ =	swait.ge [sflag:s29], $0x1  }
0xb5: {  	[sflag:s29] =	ssyncadd.s32 $0xFFFFFFFF  }
0xb6: {  	_ =	strace $0x90000048  }
0xb7: {  	_ =	sfence  }
0xb8: {  	s30 =	sld [smem:$0x0];
	_ =	sdelay $0x2  }
0xb9: {  	s31 =	sshll.u32 s1, $0xD;
	s1 =	sshrl.u32 s1, $0x2  }
0xba: {  	s3 =	sand.u32 $0x4000, s31;
	s1 =	sadd.s32 s1, s30  }
0xbb: {  	s0 =	sor.u32 s3, s0;
	s1 =	sshll.u32 s1, $0x11  }
0xbc: {  	s0 =	sor.u32 s1, s0  }
0xbd: {  	s0 =	sadd.s32 $0x8F2B, s0  }
0xbe: {  	[sflag:s0] =	ssyncadd.remote.s32 $0x1  }
0xbf: {  	_ =	sfence.sel $0xFFFF  }
0xc0: {  	[dreg:$0x0] =	wrdreg $0xFFFFFFFF;
	(pc) =	sbr.abs _section_cstart, $3  }
0xc1: {  	[dreg:$0x1] =	wrdreg $0xFFFFFFFF  }
0xc2: {  	_ =	task.clear_ibuf [dreg:s8], $0x2FFFF;
	_ =	strace $0x9FFFFFFF  }
0xc3: {  	(tm) =	ssettm $0x7FFFFFFF  }
tec
execute0_lowered:
.L_overlay_start_1:
0x0: {  	(tag) =	ssettag $0x1  }
0x1: {  	s1 =	srdreg.scid;
	s2 =	stileid.u32  }
0x2: {  	s0 =	rddreg [dreg:$0x0];
	s1 =	sand.u32 $0x1, s1;
	s2 =	sshll.u32 s2, $0x1  }
0x3: {  	s4 =	rddreg [dreg:$0x1];
	s28 =	simm.s32 $0x1;
	s5 =	sor.u32 s1, s2  }
0x4: {  	s29 =	simm.s32 $0x8000;
	s30 =	simm.s32 $0x2;
	s3 =	sshll.u32 s5, $0xC  }
0x5: {  	s31 =	simm.s32 $0xB;
	s2 =	simm.s32 $0x0;
	s3 =	sadd.s32 s0, s3  }
0x6: {  	s7 =	simm.s32 $0x10;
	[smem:$0x7FF] =	sst s2;
	s14 =	sadd.s32 $0x200, s3  }
0x7: {  	_ =	strace $0x80000047;
	s15 =	sadd.s32 $0x400, s3;
	[dreg:$0x3] =	wrdreg s14  }
0x8: {  	s8 =	simm.s32 $0x0;
	s16 =	sadd.s32 $0x600, s3;
	[dreg:$0x4] =	wrdreg s15  }
0x9: {  	s1 =	ssub.s32 $0x2, s1;
	s18 =	sadd.s32 $0x800, s3;
	[dreg:$0x5] =	wrdreg s16  }
0xa: {  	s6 =	sshrl.u32 s1, $0x1;
	s19 =	sadd.s32 $0xA00, s3;
	[dreg:$0x6] =	wrdreg s18  }
0xb: {  	s17 =	sshll.u32 s5, $0xD;
	s20 =	sadd.s32 $0xC00, s3;
	[dreg:$0x7] =	wrdreg s19  }
0xc: {  	s9 =	sadd.s32 s4, s17;
	s21 =	sadd.s32 $0xE00, s3;
	[dreg:$0x8] =	wrdreg s20  }
0xd: {  	s5 =	simm.s32 $0xE;
	s22 =	sadd.s32 $0x400, s9;
	[dreg:$0x9] =	wrdreg s21  }
0xe: {  	s13 =	ssub.s32 s1, s6;
	s23 =	sadd.s32 $0x800, s9;
	[dreg:$0xa] =	wrdreg s22  }
0xf: {  	s1 =	simm.s32 $0x3;
	s24 =	sadd.s32 $0xC00, s9;
	[dreg:$0xb] =	wrdreg s23  }
0x10: {  	s0 =	simm.s32 $0x8;
	s25 =	sadd.s32 $0x1000, s9;
	[dreg:$0xc] =	wrdreg s24  }
0x11: {  	v0 =	vlaneseq.u32;
	s4 =	simm.s32 $0xD;
	s26 =	sadd.s32 $0x1400, s9;
	[dreg:$0xd] =	wrdreg s25  }
0x12: {  	v5 =	vmul.u32 $0x2, v0;
	s6 =	simm.s32 $0xF;
	s17 =	sadd.s32 $0x1800, s9;
	[dreg:$0xe] =	wrdreg s26  }
0x13: {  	v1 =	vimm.s32 $0x0;
	vm0 =	vcmask $0x300;
	s18 =	sadd.s32 $0x1C00, s9;
	s19 =	smax.u32 s13, $0x1;
	s20 =	simm.s32 $0x4  }
0x14: {  	v0 =	vimm.f32 $NaN;
	v1 =	vsel vm0, $0x7, v1;
	v2 =	vor.u32 $0x1, v5;
	s22 =	simm.s32 $0x5;
	s24 =	simm.s32 $0x6;
	s26 =	simm.s32 $0x7  }
0x15: {  	v3 =	vor.u32 $0x21, v5;
	v4 =	vor.u32 $0x41, v5;
	v5 =	vor.u32 $0x61, v5;
	s23 =	simm.s32 $0x9;
	s25 =	simm.s32 $0xA;
	s21 =	simm.s32 $0xC  }
.LBB2_1:
0x16: {  	[tilespmem:s2], [sflag:$0x1] =	stream.linear.gather [hbm4b:s3+s2], $0x1000, $0x38;
	[tilespmem:$0x18000] =	vst v63  }
0x17: {  	s10 =	rddreg [dreg:$0x3];
	s11 =	simm.s32 $0x1000  }
0x18: {  	[tilespmem:s11], [sflag:$0x2] =	stream.linear.gather [hbm4b:s10+s2], $0x1000, $0x38;
	[tilespmem:$0x18000] =	vst v63  }
0x19: {  	s13 =	rddreg [dreg:$0x4];
	s14 =	simm.s32 $0x2000  }
0x1a: {  	[tilespmem:s14], [sflag:$0x3] =	stream.linear.gather [hbm4b:s13+s2], $0x1000, $0x38;
	[tilespmem:$0x18000] =	vst v63  }
0x1b: {  	s15 =	rddreg [dreg:$0x5];
	s16 =	simm.s32 $0x3000  }
0x1c: {  	[tilespmem:s16], [sflag:$0x4] =	stream.linear.gather [hbm4b:s15+s2], $0x1000, $0x38;
	[tilespmem:$0x18000] =	vst v63  }
0x1d: {  	s12 =	simm.s32 $0x4000;
	s11 =	rddreg [dreg:$0x6]  }
0x1e: {  	[tilespmem:s12], [sflag:$0x5] =	stream.linear.gather [hbm4b:s11+s2], $0x1000, $0x38;
	[tilespmem:$0x18000] =	vst v63  }
0x1f: {  	s13 =	rddreg [dreg:$0x7];
	s14 =	simm.s32 $0x5000  }
0x20: {  	[tilespmem:s14], [sflag:$0x6] =	stream.linear.gather [hbm4b:s13+s2], $0x1000, $0x38;
	[tilespmem:$0x18000] =	vst v63  }
0x21: {  	s15 =	rddreg [dreg:$0x8];
	s16 =	simm.s32 $0x6000  }
0x22: {  	[tilespmem:s16], [sflag:$0x7] =	stream.linear.gather [hbm4b:s15+s2], $0x1000, $0x38;
	[tilespmem:$0x18000] =	vst v63  }
0x23: {  	v6 =	vmov s2;
	s12 =	rddreg [dreg:$0x9];
	s13 =	simm.s32 $0x7000  }
0x24: {  	v6 =	vshrl.u32 v6, $0x7;
	[tilespmem:s13], [sflag:$0x8] =	stream.linear.gather [hbm4b:s12+s2], $0x1000, $0x38;
	[tilespmem:$0x18000] =	vst v63  }
0x25: {  	v6 =	vshll.u32 v6, v1;
	_ =	swait.ge [sflag:s28], $0x1000  }
0x26: {  	v6 =	vbroadcast v6, $0x0;
	[sflag:s28] =	ssyncset.done $0x0  }
0x27: {  	s10 =	simm.s32 $0x40;
	[sflag:s28] =	ssyncadd.s32 $0xFFFFF000  }
0x28: {  	v8 =	vor.u32 v2, v6;
	v7 =	vld [tilespmem:s10+$0xFFFFFFC0];
	_ =	sdelay $0x1  }
0x29: {  	s11 =	simm.s32 $0x8080  }
0x2a: {  	[tilespmem:s11+$0xFFFFFF90] =	vst v0  }
0x2b: {  	[tilespmem:s11+$0xFFFFFF80] =	vst v0  }
0x2c: {  	[tilespmem:v8+s29+$0x0] =	vst.idx.msk $0xffff, v7  }
0x2d: {  	v8 =	vor.u32 v3, v6;
	v7 =	vld [tilespmem:s10+$0xFFFFFFD0];
	_ =	sdelay $0x2  }
0x2e: {  	[tilespmem:s11+$0xFFFFFFB0] =	vst v0  }
0x2f: {  	[tilespmem:s11+$0xFFFFFFA0] =	vst v0  }
0x30: {  	[tilespmem:v8+s29+$0x0] =	vst.idx.msk $0xffff, v7  }
0x31: {  	v8 =	vor.u32 v4, v6;
	v7 =	vld [tilespmem:s10+$0xFFFFFFE0];
	_ =	sdelay $0x2  }
0x32: {  	[tilespmem:s11+$0xFFFFFFD0] =	vst v0  }
0x33: {  	[tilespmem:s11+$0xFFFFFFC0] =	vst v0  }
0x34: {  	[tilespmem:v8+s29+$0x0] =	vst.idx.msk $0xffff, v7  }
0x35: {  	s12 =	simm.s32 $0x80;
	v6 =	vor.u32 v5, v6;
	v7 =	vld [tilespmem:s10+$0xFFFFFFF0]  }
0x36: {  	v8 =	vmov s12  }
0x37: {  	v8 =	vshrl.u32 v8, $0x7  }
0x38: {  	[tilespmem:s11+$0xFFFFFFF0] =	vst v0;
	v8 =	vshll.u32 v8, v1  }
0x39: {  	[tilespmem:s11+$0xFFFFFFE0] =	vst v0;
	v8 =	vbroadcast v8, $0x0  }
0x3a: {  	[tilespmem:v6+s29+$0x0] =	vst.idx.msk $0xffff, v7  }
0x3b: {  	s14 =	simm.s32 $0xA0;
	v7 =	vor.u32 v2, v8;
	v6 =	vld [tilespmem:s10+$0x0]  }
0x3c: {  	v8 =	vmov s14  }
0x3d: {  	v8 =	vshrl.u32 v8, $0x7  }
0x3e: {  	[tilespmem:s11+$0x0] =	vst v0;
	v8 =	vshll.u32 v8, v1  }
0x3f: {  	[tilespmem:s11+$0x10] =	vst v0;
	v8 =	vbroadcast v8, $0x0  }
0x40: {  	[tilespmem:v7+s29+$0x0] =	vst.idx.msk $0xffff, v6  }
0x41: {  	s15 =	simm.s32 $0xC0;
	v7 =	vor.u32 v3, v8;
	v6 =	vld [tilespmem:s10+$0x10]  }
0x42: {  	v8 =	vmov s15  }
0x43: {  	v8 =	vshrl.u32 v8, $0x7  }
0x44: {  	[tilespmem:s11+$0x20] =	vst v0;
	v8 =	vshll.u32 v8, v1  }
0x45: {  	[tilespmem:s11+$0x30] =	vst v0;
	v8 =	vbroadcast v8, $0x0  }
0x46: {  	[tilespmem:v7+s29+$0x0] =	vst.idx.msk $0xffff, v6  }
0x47: {  	s16 =	simm.s32 $0xE0;
	v7 =	vor.u32 v4, v8;
	v6 =	vld [tilespmem:s10+$0x20]  }
0x48: {  	v8 =	vmov s16  }
0x49: {  	v8 =	vshrl.u32 v8, $0x7  }
0x4a: {  	[tilespmem:s11+$0x40] =	vst v0;
	v8 =	vshll.u32 v8, v1  }
0x4b: {  	[tilespmem:s11+$0x50] =	vst v0;
	v8 =	vbroadcast v8, $0x0  }
0x4c: {  	s12 =	simm.s32 $0x100;
	[tilespmem:v7+s29+$0x0] =	vst.idx.msk $0xffff, v6  }
0x4d: {  	v8 =	vor.u32 v5, v8;
	v6 =	vmov s12;
	v7 =	vld [tilespmem:s10+$0x30]  }
0x4e: {  	v6 =	vshrl.u32 v6, $0x7  }
0x4f: {  	[tilespmem:s11+$0x60] =	vst v0;
	v6 =	vshll.u32 v6, v1  }
0x50: {  	s15 =	simm.s32 $0x200;
	[tilespmem:s11+$0x70] =	vst v0;
	v6 =	vbroadcast v6, $0x0  }
.LBB2_2:
0x51: {  	s10 =	sadd.s32 $0x80, s10  }
0x52: {  	[tilespmem:v8+s29+$0x0] =	vst.idx.msk $0xffff, v7;
	s11 =	sadd.s32 $0x100, s11;
	s14 =	smov.u32 s15;
	s13 =	sadd.s32 $0x100, s15  }
0x53: {  	p0 =	sne.s32 s15, $0x1F00;
	v7 =	vld [tilespmem:s10+$0xFFFFFFC0];
	v8 =	vor.u32 v2, v6;
	_ =	sdelay $0x2  }
0x54: {  	[tilespmem:s11+$0xFFFFFF90] =	vst v0  }
0x55: {  	[tilespmem:s11+$0xFFFFFF80] =	vst v0  }
0x56: {  	[tilespmem:v8+s29+$0x0] =	vst.idx.msk $0xffff, v7  }
0x57: {  	v8 =	vor.u32 v3, v6;
	v7 =	vld [tilespmem:s10+$0xFFFFFFD0];
	_ =	sdelay $0x2  }
0x58: {  	[tilespmem:s11+$0xFFFFFFB0] =	vst v0  }
0x59: {  	[tilespmem:s11+$0xFFFFFFA0] =	vst v0  }
0x5a: {  	[tilespmem:v8+s29+$0x0] =	vst.idx.msk $0xffff, v7  }
0x5b: {  	v8 =	vor.u32 v4, v6;
	v7 =	vld [tilespmem:s10+$0xFFFFFFE0];
	_ =	sdelay $0x2  }
0x5c: {  	[tilespmem:s11+$0xFFFFFFD0] =	vst v0  }
0x5d: {  	[tilespmem:s11+$0xFFFFFFC0] =	vst v0  }
0x5e: {  	[tilespmem:v8+s29+$0x0] =	vst.idx.msk $0xffff, v7  }
0x5f: {  	s15 =	sadd.s32 $0x80, s12;
	v6 =	vor.u32 v5, v6;
	v7 =	vld [tilespmem:s10+$0xFFFFFFF0]  }
0x60: {  	v8 =	vmov s15  }
0x61: {  	v8 =	vshrl.u32 v8, $0x7  }
0x62: {  	v8 =	vshll.u32 v8, v1;
	[tilespmem:s11+$0xFFFFFFF0] =	vst v0  }
0x63: {  	v8 =	vbroadcast v8, $0x0;
	[tilespmem:s11+$0xFFFFFFE0] =	vst v0  }
0x64: {  	[tilespmem:v6+s29+$0x0] =	vst.idx.msk $0xffff, v7  }
0x65: {  	s15 =	sadd.s32 $0xA0, s12;
	v7 =	vor.u32 v2, v8;
	v6 =	vld [tilespmem:s10+$0x0]  }
0x66: {  	v8 =	vmov s15;
	[tilespmem:s11+$0x0] =	vst v0  }
0x67: {  	v8 =	vshrl.u32 v8, $0x7;
	[tilespmem:s11+$0x10] =	vst v0  }
0x68: {  	v8 =	vshll.u32 v8, v1  }
0x69: {  	v8 =	vbroadcast v8, $0x0  }
0x6a: {  	[tilespmem:v7+s29+$0x0] =	vst.idx.msk $0xffff, v6  }
0x6b: {  	s15 =	sadd.s32 $0xC0, s12;
	v7 =	vor.u32 v3, v8;
	v6 =	vld [tilespmem:s10+$0x10]  }
0x6c: {  	v8 =	vmov s15;
	[tilespmem:s11+$0x20] =	vst v0  }
0x6d: {  	v8 =	vshrl.u32 v8, $0x7;
	[tilespmem:s11+$0x30] =	vst v0  }
0x6e: {  	v8 =	vshll.u32 v8, v1  }
0x6f: {  	v8 =	vbroadcast v8, $0x0  }
0x70: {  	[tilespmem:v7+s29+$0x0] =	vst.idx.msk $0xffff, v6  }
0x71: {  	s15 =	sadd.s32 $0xE0, s12;
	s12 =	smov.u32 s14;
	v7 =	vor.u32 v4, v8;
	v6 =	vld [tilespmem:s10+$0x20]  }
0x72: {  	v8 =	vmov s15;
	[tilespmem:s11+$0x40] =	vst v0  }
0x73: {  	v8 =	vshrl.u32 v8, $0x7;
	[tilespmem:s11+$0x50] =	vst v0  }
0x74: {  	v8 =	vshll.u32 v8, v1  }
0x75: {  	v8 =	vbroadcast v8, $0x0  }
0x76: {  	[tilespmem:v7+s29+$0x0] =	vst.idx.msk $0xffff, v6  }
.Ltmp0:
0x77: {  	v8 =	vor.u32 v5, v8;
	v7 =	vld [tilespmem:s10+$0x30];
	(pc) =	sbr.rel @p0 .LBB2_2-.Ltmp0, $4  }
0x78: {  	v6 =	vmov s12;
	[tilespmem:s11+$0x60] =	vst v0  }
0x79: {  	v6 =	vshrl.u32 v6, $0x7;
	[tilespmem:s11+$0x70] =	vst v0  }
0x7a: {  	v6 =	vshll.u32 v6, v1  }
0x7b: {  	s15 =	smov.u32 s13;
	v6 =	vbroadcast v6, $0x0  }
0x7c: {  	_ =	sdelay $0x3  }
0x7d: {  	[tilespmem:v8+s29+$0x0] =	vst.idx.msk $0xffff, v7;
	s10 =	sadd.s32 $0x80, s10  }
0x7e: {  	v7 =	vld [tilespmem:s10+$0xFFFFFFC0];
	v8 =	vor.u32 v2, v6;
	_ =	sdelay $0x1  }
0x7f: {  	s11 =	sadd.s32 $0x100, s11  }
0x80: {  	[tilespmem:s11+$0xFFFFFF90] =	vst v0  }
0x81: {  	[tilespmem:s11+$0xFFFFFF80] =	vst v0  }
0x82: {  	[tilespmem:v8+s29+$0x0] =	vst.idx.msk $0xffff, v7  }
0x83: {  	v8 =	vor.u32 v3, v6;
	v7 =	vld [tilespmem:s10+$0xFFFFFFD0];
	_ =	sdelay $0x2  }
0x84: {  	[tilespmem:s11+$0xFFFFFFB0] =	vst v0  }
0x85: {  	[tilespmem:s11+$0xFFFFFFA0] =	vst v0  }
0x86: {  	[tilespmem:v8+s29+$0x0] =	vst.idx.msk $0xffff, v7  }
0x87: {  	v8 =	vor.u32 v4, v6;
	v7 =	vld [tilespmem:s10+$0xFFFFFFE0];
	_ =	sdelay $0x2  }
0x88: {  	[tilespmem:s11+$0xFFFFFFD0] =	vst v0  }
0x89: {  	[tilespmem:s11+$0xFFFFFFC0] =	vst v0  }
0x8a: {  	[tilespmem:v8+s29+$0x0] =	vst.idx.msk $0xffff, v7  }
0x8b: {  	s13 =	sadd.s32 $0x80, s12;
	v6 =	vor.u32 v5, v6;
	v7 =	vld [tilespmem:s10+$0xFFFFFFF0]  }
0x8c: {  	v8 =	vmov s13  }
0x8d: {  	v8 =	vshrl.u32 v8, $0x7  }
0x8e: {  	[tilespmem:s11+$0xFFFFFFF0] =	vst v0;
	v8 =	vshll.u32 v8, v1  }
0x8f: {  	[tilespmem:s11+$0xFFFFFFE0] =	vst v0;
	v8 =	vbroadcast v8, $0x0  }
0x90: {  	[tilespmem:v6+s29+$0x0] =	vst.idx.msk $0xffff, v7  }
0x91: {  	s14 =	sadd.s32 $0xA0, s12;
	v7 =	vor.u32 v2, v8;
	v6 =	vld [tilespmem:s10+$0x0]  }
0x92: {  	v8 =	vmov s14  }
0x93: {  	v8 =	vshrl.u32 v8, $0x7  }
0x94: {  	[tilespmem:s11+$0x0] =	vst v0;
	v8 =	vshll.u32 v8, v1  }
0x95: {  	[tilespmem:s11+$0x10] =	vst v0;
	v8 =	vbroadcast v8, $0x0  }
0x96: {  	[tilespmem:v7+s29+$0x0] =	vst.idx.msk $0xffff, v6  }
0x97: {  	s15 =	sadd.s32 $0xC0, s12;
	v7 =	vor.u32 v3, v8;
	v6 =	vld [tilespmem:s10+$0x10]  }
0x98: {  	v8 =	vmov s15  }
0x99: {  	v8 =	vshrl.u32 v8, $0x7  }
0x9a: {  	[tilespmem:s11+$0x20] =	vst v0;
	v8 =	vshll.u32 v8, v1  }
0x9b: {  	[tilespmem:s11+$0x30] =	vst v0;
	v8 =	vbroadcast v8, $0x0  }
0x9c: {  	[tilespmem:v7+s29+$0x0] =	vst.idx.msk $0xffff, v6  }
0x9d: {  	s16 =	sadd.s32 $0xE0, s12;
	v7 =	vor.u32 v4, v8;
	v6 =	vld [tilespmem:s10+$0x20]  }
0x9e: {  	v8 =	vmov s16  }
0x9f: {  	v8 =	vshrl.u32 v8, $0x7  }
0xa0: {  	[tilespmem:s11+$0x40] =	vst v0;
	v8 =	vshll.u32 v8, v1  }
0xa1: {  	[tilespmem:s11+$0x50] =	vst v0;
	v8 =	vbroadcast v8, $0x0  }
0xa2: {  	[tilespmem:v7+s29+$0x0] =	vst.idx.msk $0xffff, v6  }
0xa3: {  	v7 =	vor.u32 v5, v8;
	v6 =	vld [tilespmem:s10+$0x30];
	_ =	sdelay $0x2  }
0xa4: {  	[tilespmem:s11+$0x60] =	vst v0  }
0xa5: {  	s12 =	simm.s32 $0x2000;
	[tilespmem:s11+$0x70] =	vst v0  }
0xa6: {  	[tilespmem:v7+s29+$0x0] =	vst.idx.msk $0xffff, v6;
	v6 =	vmov s12  }
0xa7: {  	[hbm4b:s9+s2] =	stream.linear.scatter [tilespmem:s29], [sflag:$0x9], $0x2000, $0x38;
	v6 =	vshrl.u32 v6, $0x7;
	[tilespmem:$0x18000] =	vst v63  }
0xa8: {  	_ =	swait.ge [sflag:s30], $0x1000;
	v6 =	vshll.u32 v6, $0x7  }
0xa9: {  	[sflag:s30] =	ssyncset.done $0x0;
	v6 =	vbroadcast v6, $0x0  }
0xaa: {  	s10 =	simm.s32 $0x1070;
	[sflag:s30] =	ssyncadd.s32 $0xFFFFF000  }
0xab: {  	v7 =	vld [tilespmem:s10+$0xFFFFFF90];
	v6 =	vor.u32 v2, v6;
	_ =	sdelay $0x1  }
0xac: {  	s11 =	simm.s32 $0xA0F0  }
0xad: {  	[tilespmem:s11+$0xFFFFFF20] =	vst v0  }
0xae: {  	[tilespmem:s11+$0xFFFFFF10] =	vst v0  }
0xaf: {  	s13 =	simm.s32 $0x2020;
	[tilespmem:v6+s29+$0x0] =	vst.idx.msk $0xffff, v7  }
0xb0: {  	v7 =	vor.u32 s13, v2;
	v6 =	vld [tilespmem:s10+$0xFFFFFFA0];
	_ =	sdelay $0x2  }
0xb1: {  	[tilespmem:s11+$0xFFFFFF40] =	vst v0  }
0xb2: {  	[tilespmem:s11+$0xFFFFFF30] =	vst v0  }
0xb3: {  	s14 =	simm.s32 $0x2040;
	[tilespmem:v7+s29+$0x0] =	vst.idx.msk $0xffff, v6  }
0xb4: {  	v7 =	vor.u32 s14, v2;
	v6 =	vld [tilespmem:s10+$0xFFFFFFB0];
	_ =	sdelay $0x2  }
0xb5: {  	[tilespmem:s11+$0xFFFFFF60] =	vst v0  }
0xb6: {  	[tilespmem:s11+$0xFFFFFF50] =	vst v0  }
0xb7: {  	s15 =	simm.s32 $0x2060;
	[tilespmem:v7+s29+$0x0] =	vst.idx.msk $0xffff, v6  }
0xb8: {  	v7 =	vor.u32 s15, v2;
	v6 =	vld [tilespmem:s10+$0xFFFFFFC0];
	_ =	sdelay $0x2  }
0xb9: {  	[tilespmem:s11+$0xFFFFFF80] =	vst v0  }
0xba: {  	[tilespmem:s11+$0xFFFFFF70] =	vst v0  }
0xbb: {  	s16 =	simm.s32 $0x2080;
	[tilespmem:v7+s29+$0x0] =	vst.idx.msk $0xffff, v6  }
0xbc: {  	v7 =	vor.u32 s16, v2;
	v6 =	vld [tilespmem:s10+$0xFFFFFFD0];
	_ =	sdelay $0x2  }
0xbd: {  	[tilespmem:s11+$0xFFFFFF90] =	vst v0  }
0xbe: {  	[tilespmem:s11+$0xFFFFFFA0] =	vst v0  }
0xbf: {  	s13 =	simm.s32 $0x20A0;
	[tilespmem:v7+s29+$0x0] =	vst.idx.msk $0xffff, v6  }
0xc0: {  	v7 =	vor.u32 s13, v2;
	v6 =	vld [tilespmem:s10+$0xFFFFFFE0];
	_ =	sdelay $0x2  }
0xc1: {  	[tilespmem:s11+$0xFFFFFFB0] =	vst v0  }
0xc2: {  	[tilespmem:s11+$0xFFFFFFC0] =	vst v0  }
0xc3: {  	s14 =	simm.s32 $0x20C0;
	[tilespmem:v7+s29+$0x0] =	vst.idx.msk $0xffff, v6  }
0xc4: {  	v7 =	vor.u32 s14, v2;
	v6 =	vld [tilespmem:s10+$0xFFFFFFF0];
	_ =	sdelay $0x2  }
0xc5: {  	[tilespmem:s11+$0xFFFFFFD0] =	vst v0  }
0xc6: {  	s15 =	simm.s32 $0x2100;
	[tilespmem:s11+$0xFFFFFFE0] =	vst v0  }
0xc7: {  	[tilespmem:v7+s29+$0x0] =	vst.idx.msk $0xffff, v6;
	v7 =	vmov s15  }
0xc8: {  	s16 =	simm.s32 $0x20E0;
	v7 =	vshrl.u32 v7, $0x7  }
0xc9: {  	v6 =	vld [tilespmem:s10+$0x0];
	v8 =	vshll.u32 v7, $0x7;
	v7 =	vor.u32 s16, v2;
	_ =	sdelay $0x1  }
0xca: {  	[tilespmem:s11+$0xFFFFFFF0] =	vst v0  }
0xcb: {  	s12 =	simm.s32 $0x21E0;
	s15 =	simm.s32 $0x22E0;
	[tilespmem:s11+$0x0] =	vst v0;
	v8 =	vbroadcast v8, $0x0  }
.LBB2_4:
0xcc: {  	s10 =	sadd.s32 $0x80, s10  }
0xcd: {  	[tilespmem:v7+s29+$0x0] =	vst.idx.msk $0xffff, v6;
	s11 =	sadd.s32 $0x100, s11;
	s14 =	smov.u32 s15;
	s13 =	sadd.s32 $0x100, s15  }
0xce: {  	p0 =	sne.s32 s15, $0x3FE0;
	v6 =	vld [tilespmem:s10+$0xFFFFFF90];
	v7 =	vor.u32 v2, v8;
	_ =	sdelay $0x2  }
0xcf: {  	[tilespmem:s11+$0xFFFFFF20] =	vst v0  }
0xd0: {  	[tilespmem:s11+$0xFFFFFF10] =	vst v0  }
0xd1: {  	s15 =	sadd.s32 $0xFFFFFF40, s12;
	[tilespmem:v7+s29+$0x0] =	vst.idx.msk $0xffff, v6  }
0xd2: {  	v7 =	vor.u32 s15, v2;
	v6 =	vld [tilespmem:s10+$0xFFFFFFA0];
	_ =	sdelay $0x2  }
0xd3: {  	[tilespmem:s11+$0xFFFFFF40] =	vst v0  }
0xd4: {  	[tilespmem:s11+$0xFFFFFF30] =	vst v0  }
0xd5: {  	s15 =	sadd.s32 $0xFFFFFF60, s12;
	[tilespmem:v7+s29+$0x0] =	vst.idx.msk $0xffff, v6  }
0xd6: {  	v7 =	vor.u32 s15, v2;
	v6 =	vld [tilespmem:s10+$0xFFFFFFB0];
	_ =	sdelay $0x2  }
0xd7: {  	[tilespmem:s11+$0xFFFFFF60] =	vst v0  }
0xd8: {  	[tilespmem:s11+$0xFFFFFF50] =	vst v0  }
0xd9: {  	s15 =	sadd.s32 $0xFFFFFF80, s12;
	[tilespmem:v7+s29+$0x0] =	vst.idx.msk $0xffff, v6  }
0xda: {  	v7 =	vor.u32 s15, v2;
	v6 =	vld [tilespmem:s10+$0xFFFFFFC0];
	_ =	sdelay $0x2  }
0xdb: {  	[tilespmem:s11+$0xFFFFFF80] =	vst v0  }
0xdc: {  	[tilespmem:s11+$0xFFFFFF70] =	vst v0  }
0xdd: {  	s15 =	sadd.s32 $0xFFFFFFA0, s12;
	[tilespmem:v7+s29+$0x0] =	vst.idx.msk $0xffff, v6  }
0xde: {  	v7 =	vor.u32 s15, v2;
	v6 =	vld [tilespmem:s10+$0xFFFFFFD0]  }
0xdf: {  	[tilespmem:s11+$0xFFFFFF90] =	vst v0  }
0xe0: {  	[tilespmem:s11+$0xFFFFFFA0] =	vst v0;
	_ =	sdelay $0x2  }
0xe1: {  	s15 =	sadd.s32 $0xFFFFFFC0, s12;
	[tilespmem:v7+s29+$0x0] =	vst.idx.msk $0xffff, v6  }
0xe2: {  	v7 =	vor.u32 s15, v2;
	v6 =	vld [tilespmem:s10+$0xFFFFFFE0]  }
0xe3: {  	[tilespmem:s11+$0xFFFFFFB0] =	vst v0  }
0xe4: {  	[tilespmem:s11+$0xFFFFFFC0] =	vst v0;
	_ =	sdelay $0x2  }
0xe5: {  	s15 =	sadd.s32 $0xFFFFFFE0, s12;
	[tilespmem:v7+s29+$0x0] =	vst.idx.msk $0xffff, v6  }
0xe6: {  	v7 =	vor.u32 s15, v2;
	v6 =	vld [tilespmem:s10+$0xFFFFFFF0]  }
0xe7: {  	[tilespmem:s11+$0xFFFFFFD0] =	vst v0  }
0xe8: {  	[tilespmem:s11+$0xFFFFFFE0] =	vst v0;
	_ =	sdelay $0x2  }
0xe9: {  	[tilespmem:v7+s29+$0x0] =	vst.idx.msk $0xffff, v6  }
.Ltmp1:
0xea: {  	s15 =	sadd.s32 $0xFFFFFF20, s14;
	v7 =	vor.u32 s12, v2;
	s12 =	smov.u32 s14;
	v6 =	vld [tilespmem:s10+$0x0];
	(pc) =	sbr.rel @p0 .LBB2_4-.Ltmp1, $4  }
0xeb: {  	v8 =	vmov s15;
	[tilespmem:s11+$0xFFFFFFF0] =	vst v0  }
0xec: {  	v8 =	vshrl.u32 v8, $0x7;
	[tilespmem:s11+$0x0] =	vst v0  }
0xed: {  	v8 =	vshll.u32 v8, $0x7  }
0xee: {  	s15 =	smov.u32 s13;
	v8 =	vbroadcast v8, $0x0  }
0xef: {  	_ =	sdelay $0x3  }
0xf0: {  	[tilespmem:v7+s29+$0x0] =	vst.idx.msk $0xffff, v6;
	s10 =	sadd.s32 $0x80, s10  }
0xf1: {  	v6 =	vld [tilespmem:s10+$0xFFFFFF90];
	v7 =	vor.u32 v2, v8;
	_ =	sdelay $0x1  }
0xf2: {  	s11 =	sadd.s32 $0x100, s11  }
0xf3: {  	[tilespmem:s11+$0xFFFFFF20] =	vst v0  }
0xf4: {  	[tilespmem:s11+$0xFFFFFF10] =	vst v0  }
0xf5: {  	s13 =	sadd.s32 $0xFFFFFF40, s12;
	[tilespmem:v7+s29+$0x0] =	vst.idx.msk $0xffff, v6  }
0xf6: {  	v7 =	vor.u32 s13, v2;
	v6 =	vld [tilespmem:s10+$0xFFFFFFA0];
	_ =	sdelay $0x2  }
0xf7: {  	[tilespmem:s11+$0xFFFFFF40] =	vst v0  }
0xf8: {  	[tilespmem:s11+$0xFFFFFF30] =	vst v0  }
0xf9: {  	s16 =	sadd.s32 $0xFFFFFF60, s12;
	[tilespmem:v7+s29+$0x0] =	vst.idx.msk $0xffff, v6  }
0xfa: {  	v7 =	vor.u32 s16, v2;
	v6 =	vld [tilespmem:s10+$0xFFFFFFB0];
	_ =	sdelay $0x2  }
0xfb: {  	[tilespmem:s11+$0xFFFFFF60] =	vst v0  }
0xfc: {  	[tilespmem:s11+$0xFFFFFF50] =	vst v0  }
0xfd: {  	s14 =	sadd.s32 $0xFFFFFF80, s12;
	[tilespmem:v7+s29+$0x0] =	vst.idx.msk $0xffff, v6  }
0xfe: {  	v7 =	vor.u32 s14, v2;
	v6 =	vld [tilespmem:s10+$0xFFFFFFC0];
	_ =	sdelay $0x2  }
0xff: {  	[tilespmem:s11+$0xFFFFFF80] =	vst v0  }
0x100: {  	[tilespmem:s11+$0xFFFFFF70] =	vst v0  }
0x101: {  	s15 =	sadd.s32 $0xFFFFFFA0, s12;
	[tilespmem:v7+s29+$0x0] =	vst.idx.msk $0xffff, v6  }
0x102: {  	v7 =	vor.u32 s15, v2;
	v6 =	vld [tilespmem:s10+$0xFFFFFFD0];
	_ =	sdelay $0x2  }
0x103: {  	[tilespmem:s11+$0xFFFFFF90] =	vst v0  }
0x104: {  	[tilespmem:s11+$0xFFFFFFA0] =	vst v0  }
0x105: {  	s16 =	sadd.s32 $0xFFFFFFC0, s12;
	[tilespmem:v7+s29+$0x0] =	vst.idx.msk $0xffff, v6  }
0x106: {  	v7 =	vor.u32 s16, v2;
	v6 =	vld [tilespmem:s10+$0xFFFFFFE0];
	_ =	sdelay $0x2  }
0x107: {  	[tilespmem:s11+$0xFFFFFFB0] =	vst v0  }
0x108: {  	[tilespmem:s11+$0xFFFFFFC0] =	vst v0  }
0x109: {  	s14 =	sadd.s32 $0xFFFFFFE0, s12;
	[tilespmem:v7+s29+$0x0] =	vst.idx.msk $0xffff, v6  }
0x10a: {  	v7 =	vor.u32 s14, v2;
	v6 =	vld [tilespmem:s10+$0xFFFFFFF0];
	_ =	sdelay $0x2  }
0x10b: {  	[tilespmem:s11+$0xFFFFFFD0] =	vst v0  }
0x10c: {  	[tilespmem:s11+$0xFFFFFFE0] =	vst v0  }
0x10d: {  	[tilespmem:v7+s29+$0x0] =	vst.idx.msk $0xffff, v6  }
0x10e: {  	v7 =	vor.u32 s12, v2;
	v6 =	vld [tilespmem:s10+$0x0];
	_ =	sdelay $0x2  }
0x10f: {  	[tilespmem:s11+$0xFFFFFFF0] =	vst v0  }
0x110: {  	s15 =	simm.s32 $0x4000;
	[tilespmem:s11+$0x0] =	vst v0  }
0x111: {  	s13 =	simm.s32 $0xA000;
	s16 =	simm.s32 $0x0;
	s12 =	rddreg [dreg:$0xa];
	[tilespmem:v7+s29+$0x0] =	vst.idx.msk $0xffff, v6;
	v6 =	vmov s15  }
0x112: {  	[hbm4b:s12+s16] =	stream.linear.scatter [tilespmem:s13], [sflag:$0xA], $0x2000, $0x38;
	v6 =	vshrl.u32 v6, $0x7;
	[tilespmem:$0x18000] =	vst v63  }
0x113: {  	_ =	swait.ge [sflag:s1], $0x1000;
	v6 =	vshll.u32 v6, $0x7  }
0x114: {  	[sflag:s1] =	ssyncset.done $0x0;
	v6 =	vbroadcast v6, $0x0  }
0x115: {  	s10 =	simm.s32 $0x2070;
	[sflag:s1] =	ssyncadd.s32 $0xFFFFF000  }
0x116: {  	v7 =	vld [tilespmem:s10+$0xFFFFFF90];
	v6 =	vor.u32 v2, v6;
	_ =	sdelay $0x1  }
0x117: {  	s11 =	simm.s32 $0x0  }
0x118: {  	[tilespmem:s11+$0xC010] =	vst v0  }
0x119: {  	[tilespmem:s11+$0xC000] =	vst v0  }
0x11a: {  	s14 =	simm.s32 $0x4020;
	[tilespmem:v6+s29+$0x0] =	vst.idx.msk $0xffff, v7  }
0x11b: {  	v7 =	vor.u32 s14, v2;
	v6 =	vld [tilespmem:s10+$0xFFFFFFA0];
	_ =	sdelay $0x2  }
0x11c: {  	[tilespmem:s11+$0xC030] =	vst v0  }
0x11d: {  	[tilespmem:s11+$0xC020] =	vst v0  }
0x11e: {  	s15 =	simm.s32 $0x4040;
	[tilespmem:v7+s29+$0x0] =	vst.idx.msk $0xffff, v6  }
0x11f: {  	v7 =	vor.u32 s15, v2;
	v6 =	vld [tilespmem:s10+$0xFFFFFFB0];
	_ =	sdelay $0x2  }
0x120: {  	[tilespmem:s11+$0xC050] =	vst v0  }
0x121: {  	[tilespmem:s11+$0xC040] =	vst v0  }
0x122: {  	s16 =	simm.s32 $0x4060;
	[tilespmem:v7+s29+$0x0] =	vst.idx.msk $0xffff, v6  }
0x123: {  	v7 =	vor.u32 s16, v2;
	v6 =	vld [tilespmem:s10+$0xFFFFFFC0];
	_ =	sdelay $0x2  }
0x124: {  	[tilespmem:s11+$0xC070] =	vst v0  }
0x125: {  	[tilespmem:s11+$0xC060] =	vst v0  }
0x126: {  	s13 =	simm.s32 $0x4080;
	[tilespmem:v7+s29+$0x0] =	vst.idx.msk $0xffff, v6  }
0x127: {  	v7 =	vor.u32 s13, v2;
	v6 =	vld [tilespmem:s10+$0xFFFFFFD0];
	_ =	sdelay $0x2  }
0x128: {  	[tilespmem:s11+$0xC080] =	vst v0  }
0x129: {  	[tilespmem:s11+$0xC090] =	vst v0  }
0x12a: {  	s14 =	simm.s32 $0x40A0;
	[tilespmem:v7+s29+$0x0] =	vst.idx.msk $0xffff, v6  }
0x12b: {  	v7 =	vor.u32 s14, v2;
	v6 =	vld [tilespmem:s10+$0xFFFFFFE0];
	_ =	sdelay $0x2  }
0x12c: {  	[tilespmem:s11+$0xC0A0] =	vst v0  }
0x12d: {  	[tilespmem:s11+$0xC0B0] =	vst v0  }
0x12e: {  	s15 =	simm.s32 $0x40C0;
	[tilespmem:v7+s29+$0x0] =	vst.idx.msk $0xffff, v6  }
0x12f: {  	v7 =	vor.u32 s15, v2;
	v6 =	vld [tilespmem:s10+$0xFFFFFFF0];
	_ =	sdelay $0x2  }
0x130: {  	[tilespmem:s11+$0xC0C0] =	vst v0  }
0x131: {  	s16 =	simm.s32 $0x4100;
	[tilespmem:s11+$0xC0D0] =	vst v0  }
0x132: {  	[tilespmem:v7+s29+$0x0] =	vst.idx.msk $0xffff, v6;
	v7 =	vmov s16  }
0x133: {  	s15 =	simm.s32 $0x40E0;
	v7 =	vshrl.u32 v7, $0x7  }
0x134: {  	v6 =	vld [tilespmem:s10+$0x0];
	v8 =	vshll.u32 v7, $0x7;
	v7 =	vor.u32 s15, v2;
	_ =	sdelay $0x1  }
0x135: {  	s12 =	simm.s32 $0x41E0;
	[tilespmem:s11+$0xC0E0] =	vst v0  }
0x136: {  	s13 =	simm.s32 $0x400;
	s14 =	simm.s32 $0x800;
	[tilespmem:s11+$0xC0F0] =	vst v0;
	s11 =	simm.s32 $0x41E0;
	v8 =	vbroadcast v8, $0x0  }
.LBB2_6:
0x137: {  	p0 =	sne.s32 s14, $0x7C00  }
0x138: {  	[tilespmem:v7+s29+$0x0] =	vst.idx.msk $0xffff, v6;
	s10 =	sadd.s32 $0x80, s10;
	s16 =	smov.u32 s14;
	s14 =	sadd.s32 $0x400, s14  }
0x139: {  	v6 =	vld [tilespmem:s10+$0xFFFFFF90];
	v7 =	vor.u32 v2, v8;
	_ =	sdelay $0x1  }
0x13a: {  	s15 =	sshra.s32 s13, $0x2;
	s13 =	smov.u32 s16  }
0x13b: {  	[tilespmem:s15+$0xC010] =	vst v0  }
0x13c: {  	[tilespmem:s15+$0xC000] =	vst v0  }
0x13d: {  	s16 =	sadd.s32 $0xFFFFFF40, s12;
	[tilespmem:v7+s29+$0x0] =	vst.idx.msk $0xffff, v6  }
0x13e: {  	v7 =	vor.u32 s16, v2;
	v6 =	vld [tilespmem:s10+$0xFFFFFFA0];
	_ =	sdelay $0x2  }
0x13f: {  	[tilespmem:s15+$0xC030] =	vst v0  }
0x140: {  	[tilespmem:s15+$0xC020] =	vst v0  }
0x141: {  	s16 =	sadd.s32 $0xFFFFFF60, s12;
	[tilespmem:v7+s29+$0x0] =	vst.idx.msk $0xffff, v6  }
0x142: {  	v7 =	vor.u32 s16, v2;
	v6 =	vld [tilespmem:s10+$0xFFFFFFB0];
	_ =	sdelay $0x2  }
0x143: {  	[tilespmem:s15+$0xC050] =	vst v0  }
0x144: {  	[tilespmem:s15+$0xC040] =	vst v0  }
0x145: {  	s16 =	sadd.s32 $0xFFFFFF80, s12;
	[tilespmem:v7+s29+$0x0] =	vst.idx.msk $0xffff, v6  }
0x146: {  	v7 =	vor.u32 s16, v2;
	v6 =	vld [tilespmem:s10+$0xFFFFFFC0];
	_ =	sdelay $0x2  }
0x147: {  	[tilespmem:s15+$0xC070] =	vst v0  }
0x148: {  	[tilespmem:s15+$0xC060] =	vst v0  }
0x149: {  	s16 =	sadd.s32 $0xFFFFFFA0, s12;
	[tilespmem:v7+s29+$0x0] =	vst.idx.msk $0xffff, v6  }
0x14a: {  	v7 =	vor.u32 s16, v2;
	v6 =	vld [tilespmem:s10+$0xFFFFFFD0]  }
0x14b: {  	[tilespmem:s15+$0xC080] =	vst v0  }
0x14c: {  	[tilespmem:s15+$0xC090] =	vst v0;
	_ =	sdelay $0x2  }
0x14d: {  	s16 =	sadd.s32 $0xFFFFFFC0, s12;
	[tilespmem:v7+s29+$0x0] =	vst.idx.msk $0xffff, v6  }
0x14e: {  	v7 =	vor.u32 s16, v2;
	v6 =	vld [tilespmem:s10+$0xFFFFFFE0]  }
0x14f: {  	[tilespmem:s15+$0xC0A0] =	vst v0  }
0x150: {  	[tilespmem:s15+$0xC0B0] =	vst v0;
	_ =	sdelay $0x2  }
0x151: {  	s16 =	sadd.s32 $0xFFFFFFE0, s12;
	[tilespmem:v7+s29+$0x0] =	vst.idx.msk $0xffff, v6  }
0x152: {  	v7 =	vor.u32 s16, v2;
	v6 =	vld [tilespmem:s10+$0xFFFFFFF0]  }
0x153: {  	[tilespmem:s15+$0xC0C0] =	vst v0  }
0x154: {  	[tilespmem:s15+$0xC0D0] =	vst v0;
	_ =	sdelay $0x2  }
0x155: {  	s12 =	sadd.s32 $0x100, s12;
	[tilespmem:v7+s29+$0x0] =	vst.idx.msk $0xffff, v6  }
.Ltmp2:
0x156: {  	s16 =	sadd.s32 $0xFFFFFF20, s12;
	v7 =	vor.u32 s11, v2;
	s11 =	smov.u32 s12;
	v6 =	vld [tilespmem:s10+$0x0];
	(pc) =	sbr.rel @p0 .LBB2_6-.Ltmp2, $4  }
0x157: {  	v8 =	vmov s16;
	[tilespmem:s15+$0xC0E0] =	vst v0  }
0x158: {  	v8 =	vshrl.u32 v8, $0x7;
	[tilespmem:s15+$0xC0F0] =	vst v0  }
0x159: {  	v8 =	vshll.u32 v8, $0x7  }
0x15a: {  	v8 =	vbroadcast v8, $0x0  }
0x15b: {  	_ =	sdelay $0x3  }
0x15c: {  	[tilespmem:v7+s29+$0x0] =	vst.idx.msk $0xffff, v6;
	s10 =	sadd.s32 $0x80, s10  }
0x15d: {  	v6 =	vld [tilespmem:s10+$0xFFFFFF90];
	v7 =	vor.u32 v2, v8;
	_ =	sdelay $0x1  }
0x15e: {  	s13 =	sshra.s32 s13, $0x2  }
0x15f: {  	[tilespmem:s13+$0xC010] =	vst v0  }
0x160: {  	[tilespmem:s13+$0xC000] =	vst v0  }
0x161: {  	s14 =	sadd.s32 $0xFFFFFF40, s12;
	[tilespmem:v7+s29+$0x0] =	vst.idx.msk $0xffff, v6  }
0x162: {  	v7 =	vor.u32 s14, v2;
	v6 =	vld [tilespmem:s10+$0xFFFFFFA0];
	_ =	sdelay $0x2  }
0x163: {  	[tilespmem:s13+$0xC030] =	vst v0  }
0x164: {  	[tilespmem:s13+$0xC020] =	vst v0  }
0x165: {  	s15 =	sadd.s32 $0xFFFFFF60, s12;
	[tilespmem:v7+s29+$0x0] =	vst.idx.msk $0xffff, v6  }
0x166: {  	v7 =	vor.u32 s15, v2;
	v6 =	vld [tilespmem:s10+$0xFFFFFFB0];
	_ =	sdelay $0x2  }
0x167: {  	[tilespmem:s13+$0xC050] =	vst v0  }
0x168: {  	[tilespmem:s13+$0xC040] =	vst v0  }
0x169: {  	s16 =	sadd.s32 $0xFFFFFF80, s12;
	[tilespmem:v7+s29+$0x0] =	vst.idx.msk $0xffff, v6  }
0x16a: {  	v7 =	vor.u32 s16, v2;
	v6 =	vld [tilespmem:s10+$0xFFFFFFC0];
	_ =	sdelay $0x2  }
0x16b: {  	[tilespmem:s13+$0xC070] =	vst v0  }
0x16c: {  	[tilespmem:s13+$0xC060] =	vst v0  }
0x16d: {  	s15 =	sadd.s32 $0xFFFFFFA0, s12;
	[tilespmem:v7+s29+$0x0] =	vst.idx.msk $0xffff, v6  }
0x16e: {  	v7 =	vor.u32 s15, v2;
	v6 =	vld [tilespmem:s10+$0xFFFFFFD0];
	_ =	sdelay $0x2  }
0x16f: {  	[tilespmem:s13+$0xC080] =	vst v0  }
0x170: {  	[tilespmem:s13+$0xC090] =	vst v0  }
0x171: {  	s16 =	sadd.s32 $0xFFFFFFC0, s12;
	[tilespmem:v7+s29+$0x0] =	vst.idx.msk $0xffff, v6  }
0x172: {  	v7 =	vor.u32 s16, v2;
	v6 =	vld [tilespmem:s10+$0xFFFFFFE0];
	_ =	sdelay $0x2  }
0x173: {  	[tilespmem:s13+$0xC0A0] =	vst v0  }
0x174: {  	[tilespmem:s13+$0xC0B0] =	vst v0  }
0x175: {  	s14 =	sadd.s32 $0xFFFFFFE0, s12;
	[tilespmem:v7+s29+$0x0] =	vst.idx.msk $0xffff, v6  }
0x176: {  	v7 =	vor.u32 s14, v2;
	v6 =	vld [tilespmem:s10+$0xFFFFFFF0];
	_ =	sdelay $0x2  }
0x177: {  	[tilespmem:s13+$0xC0C0] =	vst v0  }
0x178: {  	[tilespmem:s13+$0xC0D0] =	vst v0  }
0x179: {  	[tilespmem:v7+s29+$0x0] =	vst.idx.msk $0xffff, v6  }
0x17a: {  	v7 =	vor.u32 s11, v2;
	v6 =	vld [tilespmem:s10+$0x0];
	_ =	sdelay $0x2  }
0x17b: {  	[tilespmem:s13+$0xC0E0] =	vst v0  }
0x17c: {  	s15 =	simm.s32 $0x6000;
	[tilespmem:s13+$0xC0F0] =	vst v0  }
0x17d: {  	s12 =	rddreg [dreg:$0xb];
	s16 =	simm.s32 $0x0;
	s13 =	simm.s32 $0xC000;
	[tilespmem:v7+s29+$0x0] =	vst.idx.msk $0xffff, v6;
	v6 =	vmov s15  }
0x17e: {  	[hbm4b:s12+s16] =	stream.linear.scatter [tilespmem:s13], [sflag:$0xB], $0x2000, $0x38;
	v6 =	vshrl.u32 v6, $0x7;
	[tilespmem:$0x18000] =	vst v63  }
0x17f: {  	_ =	swait.ge [sflag:s20], $0x1000;
	v6 =	vshll.u32 v6, $0x7  }
0x180: {  	[sflag:s20] =	ssyncset.done $0x0;
	v6 =	vbroadcast v6, $0x0  }
0x181: {  	s10 =	simm.s32 $0x3070;
	[sflag:s20] =	ssyncadd.s32 $0xFFFFF000  }
0x182: {  	v7 =	vld [tilespmem:s10+$0xFFFFFF90];
	v6 =	vor.u32 v2, v6;
	_ =	sdelay $0x1  }
0x183: {  	s11 =	simm.s32 $0x0  }
0x184: {  	[tilespmem:s11+$0xE010] =	vst v0  }
0x185: {  	[tilespmem:s11+$0xE000] =	vst v0  }
0x186: {  	s14 =	simm.s32 $0x6020;
	[tilespmem:v6+s29+$0x0] =	vst.idx.msk $0xffff, v7  }
0x187: {  	v7 =	vor.u32 s14, v2;
	v6 =	vld [tilespmem:s10+$0xFFFFFFA0];
	_ =	sdelay $0x2  }
0x188: {  	[tilespmem:s11+$0xE030] =	vst v0  }
0x189: {  	[tilespmem:s11+$0xE020] =	vst v0  }
0x18a: {  	s15 =	simm.s32 $0x6040;
	[tilespmem:v7+s29+$0x0] =	vst.idx.msk $0xffff, v6  }
0x18b: {  	v7 =	vor.u32 s15, v2;
	v6 =	vld [tilespmem:s10+$0xFFFFFFB0];
	_ =	sdelay $0x2  }
0x18c: {  	[tilespmem:s11+$0xE050] =	vst v0  }
0x18d: {  	[tilespmem:s11+$0xE040] =	vst v0  }
0x18e: {  	s16 =	simm.s32 $0x6060;
	[tilespmem:v7+s29+$0x0] =	vst.idx.msk $0xffff, v6  }
0x18f: {  	v7 =	vor.u32 s16, v2;
	v6 =	vld [tilespmem:s10+$0xFFFFFFC0];
	_ =	sdelay $0x2  }
0x190: {  	[tilespmem:s11+$0xE070] =	vst v0  }
0x191: {  	[tilespmem:s11+$0xE060] =	vst v0  }
0x192: {  	s13 =	simm.s32 $0x6080;
	[tilespmem:v7+s29+$0x0] =	vst.idx.msk $0xffff, v6  }
0x193: {  	v7 =	vor.u32 s13, v2;
	v6 =	vld [tilespmem:s10+$0xFFFFFFD0];
	_ =	sdelay $0x2  }
0x194: {  	[tilespmem:s11+$0xE080] =	vst v0  }
0x195: {  	[tilespmem:s11+$0xE090] =	vst v0  }
0x196: {  	s14 =	simm.s32 $0x60A0;
	[tilespmem:v7+s29+$0x0] =	vst.idx.msk $0xffff, v6  }
0x197: {  	v7 =	vor.u32 s14, v2;
	v6 =	vld [tilespmem:s10+$0xFFFFFFE0];
	_ =	sdelay $0x2  }
0x198: {  	[tilespmem:s11+$0xE0A0] =	vst v0  }
0x199: {  	[tilespmem:s11+$0xE0B0] =	vst v0  }
0x19a: {  	s15 =	simm.s32 $0x60C0;
	[tilespmem:v7+s29+$0x0] =	vst.idx.msk $0xffff, v6  }
0x19b: {  	v7 =	vor.u32 s15, v2;
	v6 =	vld [tilespmem:s10+$0xFFFFFFF0];
	_ =	sdelay $0x2  }
0x19c: {  	[tilespmem:s11+$0xE0C0] =	vst v0  }
0x19d: {  	s16 =	simm.s32 $0x6100;
	[tilespmem:s11+$0xE0D0] =	vst v0  }
0x19e: {  	[tilespmem:v7+s29+$0x0] =	vst.idx.msk $0xffff, v6;
	v7 =	vmov s16  }
0x19f: {  	s15 =	simm.s32 $0x60E0;
	v7 =	vshrl.u32 v7, $0x7  }
0x1a0: {  	v6 =	vld [tilespmem:s10+$0x0];
	v8 =	vshll.u32 v7, $0x7;
	v7 =	vor.u32 s15, v2;
	_ =	sdelay $0x1  }
0x1a1: {  	s12 =	simm.s32 $0x61E0;
	[tilespmem:s11+$0xE0E0] =	vst v0  }
0x1a2: {  	s13 =	simm.s32 $0x400;
	s14 =	simm.s32 $0x800;
	[tilespmem:s11+$0xE0F0] =	vst v0;
	s11 =	simm.s32 $0x61E0;
	v8 =	vbroadcast v8, $0x0  }
.LBB2_8:
0x1a3: {  	p0 =	sne.s32 s14, $0x7C00  }
0x1a4: {  	[tilespmem:v7+s29+$0x0] =	vst.idx.msk $0xffff, v6;
	s10 =	sadd.s32 $0x80, s10;
	s16 =	smov.u32 s14;
	s14 =	sadd.s32 $0x400, s14  }
0x1a5: {  	v6 =	vld [tilespmem:s10+$0xFFFFFF90];
	v7 =	vor.u32 v2, v8;
	_ =	sdelay $0x1  }
0x1a6: {  	s15 =	sshra.s32 s13, $0x2;
	s13 =	smov.u32 s16  }
0x1a7: {  	[tilespmem:s15+$0xE010] =	vst v0  }
0x1a8: {  	[tilespmem:s15+$0xE000] =	vst v0  }
0x1a9: {  	s16 =	sadd.s32 $0xFFFFFF40, s12;
	[tilespmem:v7+s29+$0x0] =	vst.idx.msk $0xffff, v6  }
0x1aa: {  	v7 =	vor.u32 s16, v2;
	v6 =	vld [tilespmem:s10+$0xFFFFFFA0];
	_ =	sdelay $0x2  }
0x1ab: {  	[tilespmem:s15+$0xE030] =	vst v0  }
0x1ac: {  	[tilespmem:s15+$0xE020] =	vst v0  }
0x1ad: {  	s16 =	sadd.s32 $0xFFFFFF60, s12;
	[tilespmem:v7+s29+$0x0] =	vst.idx.msk $0xffff, v6  }
0x1ae: {  	v7 =	vor.u32 s16, v2;
	v6 =	vld [tilespmem:s10+$0xFFFFFFB0];
	_ =	sdelay $0x2  }
0x1af: {  	[tilespmem:s15+$0xE050] =	vst v0  }
0x1b0: {  	[tilespmem:s15+$0xE040] =	vst v0  }
0x1b1: {  	s16 =	sadd.s32 $0xFFFFFF80, s12;
	[tilespmem:v7+s29+$0x0] =	vst.idx.msk $0xffff, v6  }
0x1b2: {  	v7 =	vor.u32 s16, v2;
	v6 =	vld [tilespmem:s10+$0xFFFFFFC0];
	_ =	sdelay $0x2  }
0x1b3: {  	[tilespmem:s15+$0xE070] =	vst v0  }
0x1b4: {  	[tilespmem:s15+$0xE060] =	vst v0  }
0x1b5: {  	s16 =	sadd.s32 $0xFFFFFFA0, s12;
	[tilespmem:v7+s29+$0x0] =	vst.idx.msk $0xffff, v6  }
0x1b6: {  	v7 =	vor.u32 s16, v2;
	v6 =	vld [tilespmem:s10+$0xFFFFFFD0]  }
0x1b7: {  	[tilespmem:s15+$0xE080] =	vst v0  }
0x1b8: {  	[tilespmem:s15+$0xE090] =	vst v0;
	_ =	sdelay $0x2  }
0x1b9: {  	s16 =	sadd.s32 $0xFFFFFFC0, s12;
	[tilespmem:v7+s29+$0x0] =	vst.idx.msk $0xffff, v6  }
0x1ba: {  	v7 =	vor.u32 s16, v2;
	v6 =	vld [tilespmem:s10+$0xFFFFFFE0]  }
0x1bb: {  	[tilespmem:s15+$0xE0A0] =	vst v0  }
0x1bc: {  	[tilespmem:s15+$0xE0B0] =	vst v0;
	_ =	sdelay $0x2  }
0x1bd: {  	s16 =	sadd.s32 $0xFFFFFFE0, s12;
	[tilespmem:v7+s29+$0x0] =	vst.idx.msk $0xffff, v6  }
0x1be: {  	v7 =	vor.u32 s16, v2;
	v6 =	vld [tilespmem:s10+$0xFFFFFFF0]  }
0x1bf: {  	[tilespmem:s15+$0xE0C0] =	vst v0  }
0x1c0: {  	[tilespmem:s15+$0xE0D0] =	vst v0;
	_ =	sdelay $0x2  }
0x1c1: {  	s12 =	sadd.s32 $0x100, s12;
	[tilespmem:v7+s29+$0x0] =	vst.idx.msk $0xffff, v6  }
.Ltmp3:
0x1c2: {  	s16 =	sadd.s32 $0xFFFFFF20, s12;
	v7 =	vor.u32 s11, v2;
	s11 =	smov.u32 s12;
	v6 =	vld [tilespmem:s10+$0x0];
	(pc) =	sbr.rel @p0 .LBB2_8-.Ltmp3, $4  }
0x1c3: {  	v8 =	vmov s16;
	[tilespmem:s15+$0xE0E0] =	vst v0  }
0x1c4: {  	v8 =	vshrl.u32 v8, $0x7;
	[tilespmem:s15+$0xE0F0] =	vst v0  }
0x1c5: {  	v8 =	vshll.u32 v8, $0x7  }
0x1c6: {  	v8 =	vbroadcast v8, $0x0  }
0x1c7: {  	_ =	sdelay $0x3  }
0x1c8: {  	[tilespmem:v7+s29+$0x0] =	vst.idx.msk $0xffff, v6;
	s10 =	sadd.s32 $0x80, s10  }
0x1c9: {  	v6 =	vld [tilespmem:s10+$0xFFFFFF90];
	v7 =	vor.u32 v2, v8;
	_ =	sdelay $0x1  }
0x1ca: {  	s13 =	sshra.s32 s13, $0x2  }
0x1cb: {  	[tilespmem:s13+$0xE010] =	vst v0  }
0x1cc: {  	[tilespmem:s13+$0xE000] =	vst v0  }
0x1cd: {  	s14 =	sadd.s32 $0xFFFFFF40, s12;
	[tilespmem:v7+s29+$0x0] =	vst.idx.msk $0xffff, v6  }
0x1ce: {  	v7 =	vor.u32 s14, v2;
	v6 =	vld [tilespmem:s10+$0xFFFFFFA0];
	_ =	sdelay $0x2  }
0x1cf: {  	[tilespmem:s13+$0xE030] =	vst v0  }
0x1d0: {  	[tilespmem:s13+$0xE020] =	vst v0  }
0x1d1: {  	s15 =	sadd.s32 $0xFFFFFF60, s12;
	[tilespmem:v7+s29+$0x0] =	vst.idx.msk $0xffff, v6  }
0x1d2: {  	v7 =	vor.u32 s15, v2;
	v6 =	vld [tilespmem:s10+$0xFFFFFFB0];
	_ =	sdelay $0x2  }
0x1d3: {  	[tilespmem:s13+$0xE050] =	vst v0  }
0x1d4: {  	[tilespmem:s13+$0xE040] =	vst v0  }
0x1d5: {  	s16 =	sadd.s32 $0xFFFFFF80, s12;
	[tilespmem:v7+s29+$0x0] =	vst.idx.msk $0xffff, v6  }
0x1d6: {  	v7 =	vor.u32 s16, v2;
	v6 =	vld [tilespmem:s10+$0xFFFFFFC0];
	_ =	sdelay $0x2  }
0x1d7: {  	[tilespmem:s13+$0xE070] =	vst v0  }
0x1d8: {  	[tilespmem:s13+$0xE060] =	vst v0  }
0x1d9: {  	s15 =	sadd.s32 $0xFFFFFFA0, s12;
	[tilespmem:v7+s29+$0x0] =	vst.idx.msk $0xffff, v6  }
0x1da: {  	v7 =	vor.u32 s15, v2;
	v6 =	vld [tilespmem:s10+$0xFFFFFFD0];
	_ =	sdelay $0x2  }
0x1db: {  	[tilespmem:s13+$0xE080] =	vst v0  }
0x1dc: {  	[tilespmem:s13+$0xE090] =	vst v0  }
0x1dd: {  	s16 =	sadd.s32 $0xFFFFFFC0, s12;
	[tilespmem:v7+s29+$0x0] =	vst.idx.msk $0xffff, v6  }
0x1de: {  	v7 =	vor.u32 s16, v2;
	v6 =	vld [tilespmem:s10+$0xFFFFFFE0];
	_ =	sdelay $0x2  }
0x1df: {  	[tilespmem:s13+$0xE0A0] =	vst v0  }
0x1e0: {  	[tilespmem:s13+$0xE0B0] =	vst v0  }
0x1e1: {  	s14 =	sadd.s32 $0xFFFFFFE0, s12;
	[tilespmem:v7+s29+$0x0] =	vst.idx.msk $0xffff, v6  }
0x1e2: {  	v7 =	vor.u32 s14, v2;
	v6 =	vld [tilespmem:s10+$0xFFFFFFF0];
	_ =	sdelay $0x2  }
0x1e3: {  	[tilespmem:s13+$0xE0C0] =	vst v0  }
0x1e4: {  	[tilespmem:s13+$0xE0D0] =	vst v0  }
0x1e5: {  	[tilespmem:v7+s29+$0x0] =	vst.idx.msk $0xffff, v6  }
0x1e6: {  	v7 =	vor.u32 s11, v2;
	v6 =	vld [tilespmem:s10+$0x0];
	_ =	sdelay $0x2  }
0x1e7: {  	[tilespmem:s13+$0xE0E0] =	vst v0  }
0x1e8: {  	s15 =	simm.s32 $0x8000;
	[tilespmem:s13+$0xE0F0] =	vst v0  }
0x1e9: {  	s12 =	rddreg [dreg:$0xc];
	s16 =	simm.s32 $0x0;
	s13 =	simm.s32 $0xE000;
	[tilespmem:v7+s29+$0x0] =	vst.idx.msk $0xffff, v6;
	v6 =	vmov s15  }
0x1ea: {  	[hbm4b:s12+s16] =	stream.linear.scatter [tilespmem:s13], [sflag:$0xC], $0x2000, $0x38;
	v6 =	vshrl.u32 v6, $0x7;
	[tilespmem:$0x18000] =	vst v63  }
0x1eb: {  	_ =	swait.ge [sflag:s22], $0x1000;
	v6 =	vshll.u32 v6, $0x7  }
0x1ec: {  	[sflag:s22] =	ssyncset.done $0x0;
	v6 =	vbroadcast v6, $0x0  }
0x1ed: {  	s10 =	simm.s32 $0x4000;
	[sflag:s22] =	ssyncadd.s32 $0xFFFFF000  }
0x1ee: {  	v7 =	vld [tilespmem:s10+$0x0];
	v6 =	vor.u32 v2, v6;
	_ =	sdelay $0x1  }
0x1ef: {  	s11 =	simm.s32 $0x0  }
0x1f0: {  	[tilespmem:s11+$0x10010] =	vst v0  }
0x1f1: {  	[tilespmem:s11+$0x10000] =	vst v0  }
0x1f2: {  	s14 =	simm.s32 $0x8020;
	[tilespmem:v6+s29+$0x0] =	vst.idx.msk $0xffff, v7  }
0x1f3: {  	v7 =	vor.u32 s14, v2;
	v6 =	vld [tilespmem:s10+$0x10];
	_ =	sdelay $0x2  }
0x1f4: {  	[tilespmem:s11+$0x10030] =	vst v0  }
0x1f5: {  	[tilespmem:s11+$0x10020] =	vst v0  }
0x1f6: {  	s15 =	simm.s32 $0x8040;
	[tilespmem:v7+s29+$0x0] =	vst.idx.msk $0xffff, v6  }
0x1f7: {  	v7 =	vor.u32 s15, v2;
	v6 =	vld [tilespmem:s10+$0x20];
	_ =	sdelay $0x2  }
0x1f8: {  	[tilespmem:s11+$0x10050] =	vst v0  }
0x1f9: {  	[tilespmem:s11+$0x10040] =	vst v0  }
0x1fa: {  	s16 =	simm.s32 $0x8060;
	[tilespmem:v7+s29+$0x0] =	vst.idx.msk $0xffff, v6  }
0x1fb: {  	v7 =	vor.u32 s16, v2;
	v6 =	vld [tilespmem:s10+$0x30];
	_ =	sdelay $0x2  }
0x1fc: {  	[tilespmem:s11+$0x10070] =	vst v0  }
0x1fd: {  	[tilespmem:s11+$0x10060] =	vst v0  }
0x1fe: {  	s13 =	simm.s32 $0x8080;
	[tilespmem:v7+s29+$0x0] =	vst.idx.msk $0xffff, v6  }
0x1ff: {  	v7 =	vor.u32 s13, v2;
	v6 =	vld [tilespmem:s10+$0x40];
	_ =	sdelay $0x2  }
0x200: {  	[tilespmem:s11+$0x10080] =	vst v0  }
0x201: {  	[tilespmem:s11+$0x10090] =	vst v0  }
0x202: {  	s14 =	simm.s32 $0x80A0;
	[tilespmem:v7+s29+$0x0] =	vst.idx.msk $0xffff, v6  }
0x203: {  	v7 =	vor.u32 s14, v2;
	v6 =	vld [tilespmem:s10+$0x50];
	_ =	sdelay $0x2  }
0x204: {  	[tilespmem:s11+$0x100A0] =	vst v0  }
0x205: {  	[tilespmem:s11+$0x100B0] =	vst v0  }
0x206: {  	s15 =	simm.s32 $0x80C0;
	[tilespmem:v7+s29+$0x0] =	vst.idx.msk $0xffff, v6  }
0x207: {  	v7 =	vor.u32 s15, v2;
	v6 =	vld [tilespmem:s10+$0x60];
	_ =	sdelay $0x2  }
0x208: {  	[tilespmem:s11+$0x100C0] =	vst v0  }
0x209: {  	s16 =	simm.s32 $0x8100;
	[tilespmem:s11+$0x100D0] =	vst v0  }
0x20a: {  	[tilespmem:v7+s29+$0x0] =	vst.idx.msk $0xffff, v6;
	v7 =	vmov s16  }
0x20b: {  	s15 =	simm.s32 $0x80E0;
	v7 =	vshrl.u32 v7, $0x7  }
0x20c: {  	v6 =	vld [tilespmem:s10+$0x70];
	v8 =	vshll.u32 v7, $0x7;
	v7 =	vor.u32 s15, v2;
	_ =	sdelay $0x1  }
0x20d: {  	s12 =	simm.s32 $0x81E0;
	[tilespmem:s11+$0x100E0] =	vst v0  }
0x20e: {  	s13 =	simm.s32 $0x400;
	s14 =	simm.s32 $0x800;
	[tilespmem:s11+$0x100F0] =	vst v0;
	s11 =	simm.s32 $0x81E0;
	v8 =	vbroadcast v8, $0x0  }
.LBB2_10:
0x20f: {  	p0 =	sne.s32 s14, $0x7C00  }
0x210: {  	[tilespmem:v7+s29+$0x0] =	vst.idx.msk $0xffff, v6;
	s10 =	sadd.s32 $0x80, s10;
	s16 =	smov.u32 s14;
	s14 =	sadd.s32 $0x400, s14  }
0x211: {  	v6 =	vld [tilespmem:s10+$0x0];
	v7 =	vor.u32 v2, v8;
	_ =	sdelay $0x1  }
0x212: {  	s15 =	sshra.s32 s13, $0x2;
	s13 =	smov.u32 s16  }
0x213: {  	[tilespmem:s15+$0x10010] =	vst v0  }
0x214: {  	[tilespmem:s15+$0x10000] =	vst v0  }
0x215: {  	s16 =	sadd.s32 $0xFFFFFF40, s12;
	[tilespmem:v7+s29+$0x0] =	vst.idx.msk $0xffff, v6  }
0x216: {  	v7 =	vor.u32 s16, v2;
	v6 =	vld [tilespmem:s10+$0x10];
	_ =	sdelay $0x2  }
0x217: {  	[tilespmem:s15+$0x10030] =	vst v0  }
0x218: {  	[tilespmem:s15+$0x10020] =	vst v0  }
0x219: {  	s16 =	sadd.s32 $0xFFFFFF60, s12;
	[tilespmem:v7+s29+$0x0] =	vst.idx.msk $0xffff, v6  }
0x21a: {  	v7 =	vor.u32 s16, v2;
	v6 =	vld [tilespmem:s10+$0x20];
	_ =	sdelay $0x2  }
0x21b: {  	[tilespmem:s15+$0x10050] =	vst v0  }
0x21c: {  	[tilespmem:s15+$0x10040] =	vst v0  }
0x21d: {  	s16 =	sadd.s32 $0xFFFFFF80, s12;
	[tilespmem:v7+s29+$0x0] =	vst.idx.msk $0xffff, v6  }
0x21e: {  	v7 =	vor.u32 s16, v2;
	v6 =	vld [tilespmem:s10+$0x30];
	_ =	sdelay $0x2  }
0x21f: {  	[tilespmem:s15+$0x10070] =	vst v0  }
0x220: {  	[tilespmem:s15+$0x10060] =	vst v0  }
0x221: {  	s16 =	sadd.s32 $0xFFFFFFA0, s12;
	[tilespmem:v7+s29+$0x0] =	vst.idx.msk $0xffff, v6  }
0x222: {  	v7 =	vor.u32 s16, v2;
	v6 =	vld [tilespmem:s10+$0x40]  }
0x223: {  	[tilespmem:s15+$0x10080] =	vst v0  }
0x224: {  	[tilespmem:s15+$0x10090] =	vst v0;
	_ =	sdelay $0x2  }
0x225: {  	s16 =	sadd.s32 $0xFFFFFFC0, s12;
	[tilespmem:v7+s29+$0x0] =	vst.idx.msk $0xffff, v6  }
0x226: {  	v7 =	vor.u32 s16, v2;
	v6 =	vld [tilespmem:s10+$0x50]  }
0x227: {  	[tilespmem:s15+$0x100A0] =	vst v0  }
0x228: {  	[tilespmem:s15+$0x100B0] =	vst v0;
	_ =	sdelay $0x2  }
0x229: {  	s16 =	sadd.s32 $0xFFFFFFE0, s12;
	[tilespmem:v7+s29+$0x0] =	vst.idx.msk $0xffff, v6  }
0x22a: {  	v7 =	vor.u32 s16, v2;
	v6 =	vld [tilespmem:s10+$0x60]  }
0x22b: {  	[tilespmem:s15+$0x100C0] =	vst v0  }
0x22c: {  	[tilespmem:s15+$0x100D0] =	vst v0;
	_ =	sdelay $0x2  }
0x22d: {  	s12 =	sadd.s32 $0x100, s12;
	[tilespmem:v7+s29+$0x0] =	vst.idx.msk $0xffff, v6  }
.Ltmp4:
0x22e: {  	s16 =	sadd.s32 $0xFFFFFF20, s12;
	v7 =	vor.u32 s11, v2;
	s11 =	smov.u32 s12;
	v6 =	vld [tilespmem:s10+$0x70];
	(pc) =	sbr.rel @p0 .LBB2_10-.Ltmp4, $4  }
0x22f: {  	v8 =	vmov s16;
	[tilespmem:s15+$0x100E0] =	vst v0  }
0x230: {  	v8 =	vshrl.u32 v8, $0x7;
	[tilespmem:s15+$0x100F0] =	vst v0  }
0x231: {  	v8 =	vshll.u32 v8, $0x7  }
0x232: {  	v8 =	vbroadcast v8, $0x0  }
0x233: {  	_ =	sdelay $0x3  }
0x234: {  	[tilespmem:v7+s29+$0x0] =	vst.idx.msk $0xffff, v6;
	s10 =	sadd.s32 $0x80, s10  }
0x235: {  	v6 =	vld [tilespmem:s10+$0x0];
	v7 =	vor.u32 v2, v8;
	_ =	sdelay $0x1  }
0x236: {  	s13 =	sshra.s32 s13, $0x2  }
0x237: {  	[tilespmem:s13+$0x10010] =	vst v0  }
0x238: {  	[tilespmem:s13+$0x10000] =	vst v0  }
0x239: {  	s14 =	sadd.s32 $0xFFFFFF40, s12;
	[tilespmem:v7+s29+$0x0] =	vst.idx.msk $0xffff, v6  }
0x23a: {  	v7 =	vor.u32 s14, v2;
	v6 =	vld [tilespmem:s10+$0x10];
	_ =	sdelay $0x2  }
0x23b: {  	[tilespmem:s13+$0x10030] =	vst v0  }
0x23c: {  	[tilespmem:s13+$0x10020] =	vst v0  }
0x23d: {  	s15 =	sadd.s32 $0xFFFFFF60, s12;
	[tilespmem:v7+s29+$0x0] =	vst.idx.msk $0xffff, v6  }
0x23e: {  	v7 =	vor.u32 s15, v2;
	v6 =	vld [tilespmem:s10+$0x20];
	_ =	sdelay $0x2  }
0x23f: {  	[tilespmem:s13+$0x10050] =	vst v0  }
0x240: {  	[tilespmem:s13+$0x10040] =	vst v0  }
0x241: {  	s16 =	sadd.s32 $0xFFFFFF80, s12;
	[tilespmem:v7+s29+$0x0] =	vst.idx.msk $0xffff, v6  }
0x242: {  	v7 =	vor.u32 s16, v2;
	v6 =	vld [tilespmem:s10+$0x30];
	_ =	sdelay $0x2  }
0x243: {  	[tilespmem:s13+$0x10070] =	vst v0  }
0x244: {  	[tilespmem:s13+$0x10060] =	vst v0  }
0x245: {  	s15 =	sadd.s32 $0xFFFFFFA0, s12;
	[tilespmem:v7+s29+$0x0] =	vst.idx.msk $0xffff, v6  }
0x246: {  	v7 =	vor.u32 s15, v2;
	v6 =	vld [tilespmem:s10+$0x40];
	_ =	sdelay $0x2  }
0x247: {  	[tilespmem:s13+$0x10080] =	vst v0  }
0x248: {  	[tilespmem:s13+$0x10090] =	vst v0  }
0x249: {  	s16 =	sadd.s32 $0xFFFFFFC0, s12;
	[tilespmem:v7+s29+$0x0] =	vst.idx.msk $0xffff, v6  }
0x24a: {  	v7 =	vor.u32 s16, v2;
	v6 =	vld [tilespmem:s10+$0x50];
	_ =	sdelay $0x2  }
0x24b: {  	[tilespmem:s13+$0x100A0] =	vst v0  }
0x24c: {  	[tilespmem:s13+$0x100B0] =	vst v0  }
0x24d: {  	s14 =	sadd.s32 $0xFFFFFFE0, s12;
	[tilespmem:v7+s29+$0x0] =	vst.idx.msk $0xffff, v6  }
0x24e: {  	v7 =	vor.u32 s14, v2;
	v6 =	vld [tilespmem:s10+$0x60];
	_ =	sdelay $0x2  }
0x24f: {  	[tilespmem:s13+$0x100C0] =	vst v0  }
0x250: {  	[tilespmem:s13+$0x100D0] =	vst v0  }
0x251: {  	[tilespmem:v7+s29+$0x0] =	vst.idx.msk $0xffff, v6  }
0x252: {  	v7 =	vor.u32 s11, v2;
	v6 =	vld [tilespmem:s10+$0x70];
	_ =	sdelay $0x2  }
0x253: {  	[tilespmem:s13+$0x100E0] =	vst v0  }
0x254: {  	s15 =	simm.s32 $0xA000;
	[tilespmem:s13+$0x100F0] =	vst v0  }
0x255: {  	s12 =	rddreg [dreg:$0xd];
	s16 =	simm.s32 $0x0;
	s13 =	simm.s32 $0x10000;
	[tilespmem:v7+s29+$0x0] =	vst.idx.msk $0xffff, v6;
	v6 =	vmov s15  }
0x256: {  	[hbm4b:s12+s16] =	stream.linear.scatter [tilespmem:s13], [sflag:$0xD], $0x2000, $0x38;
	v6 =	vshrl.u32 v6, $0x7;
	[tilespmem:$0x18000] =	vst v63  }
0x257: {  	_ =	swait.ge [sflag:s24], $0x1000;
	v6 =	vshll.u32 v6, $0x7  }
0x258: {  	[sflag:s24] =	ssyncset.done $0x0;
	v6 =	vbroadcast v6, $0x0  }
0x259: {  	s10 =	simm.s32 $0x5000;
	[sflag:s24] =	ssyncadd.s32 $0xFFFFF000  }
0x25a: {  	v7 =	vld [tilespmem:s10+$0x0];
	v6 =	vor.u32 v2, v6;
	_ =	sdelay $0x1  }
0x25b: {  	s11 =	simm.s32 $0x0  }
0x25c: {  	[tilespmem:s11+$0x12010] =	vst v0  }
0x25d: {  	[tilespmem:s11+$0x12000] =	vst v0  }
0x25e: {  	s14 =	simm.s32 $0xA020;
	[tilespmem:v6+s29+$0x0] =	vst.idx.msk $0xffff, v7  }
0x25f: {  	v7 =	vor.u32 s14, v2;
	v6 =	vld [tilespmem:s10+$0x10];
	_ =	sdelay $0x2  }
0x260: {  	[tilespmem:s11+$0x12030] =	vst v0  }
0x261: {  	[tilespmem:s11+$0x12020] =	vst v0  }
0x262: {  	s15 =	simm.s32 $0xA040;
	[tilespmem:v7+s29+$0x0] =	vst.idx.msk $0xffff, v6  }
0x263: {  	v7 =	vor.u32 s15, v2;
	v6 =	vld [tilespmem:s10+$0x20];
	_ =	sdelay $0x2  }
0x264: {  	[tilespmem:s11+$0x12050] =	vst v0  }
0x265: {  	[tilespmem:s11+$0x12040] =	vst v0  }
0x266: {  	s16 =	simm.s32 $0xA060;
	[tilespmem:v7+s29+$0x0] =	vst.idx.msk $0xffff, v6  }
0x267: {  	v7 =	vor.u32 s16, v2;
	v6 =	vld [tilespmem:s10+$0x30];
	_ =	sdelay $0x2  }
0x268: {  	[tilespmem:s11+$0x12070] =	vst v0  }
0x269: {  	[tilespmem:s11+$0x12060] =	vst v0  }
0x26a: {  	s13 =	simm.s32 $0xA080;
	[tilespmem:v7+s29+$0x0] =	vst.idx.msk $0xffff, v6  }
0x26b: {  	v7 =	vor.u32 s13, v2;
	v6 =	vld [tilespmem:s10+$0x40];
	_ =	sdelay $0x2  }
0x26c: {  	[tilespmem:s11+$0x12080] =	vst v0  }
0x26d: {  	[tilespmem:s11+$0x12090] =	vst v0  }
0x26e: {  	s14 =	simm.s32 $0xA0A0;
	[tilespmem:v7+s29+$0x0] =	vst.idx.msk $0xffff, v6  }
0x26f: {  	v7 =	vor.u32 s14, v2;
	v6 =	vld [tilespmem:s10+$0x50];
	_ =	sdelay $0x2  }
0x270: {  	[tilespmem:s11+$0x120A0] =	vst v0  }
0x271: {  	[tilespmem:s11+$0x120B0] =	vst v0  }
0x272: {  	s15 =	simm.s32 $0xA0C0;
	[tilespmem:v7+s29+$0x0] =	vst.idx.msk $0xffff, v6  }
0x273: {  	v7 =	vor.u32 s15, v2;
	v6 =	vld [tilespmem:s10+$0x60];
	_ =	sdelay $0x2  }
0x274: {  	[tilespmem:s11+$0x120C0] =	vst v0  }
0x275: {  	s16 =	simm.s32 $0xA100;
	[tilespmem:s11+$0x120D0] =	vst v0  }
0x276: {  	[tilespmem:v7+s29+$0x0] =	vst.idx.msk $0xffff, v6;
	v7 =	vmov s16  }
0x277: {  	s15 =	simm.s32 $0xA0E0;
	v7 =	vshrl.u32 v7, $0x7  }
0x278: {  	v6 =	vld [tilespmem:s10+$0x70];
	v8 =	vshll.u32 v7, $0x7;
	v7 =	vor.u32 s15, v2;
	_ =	sdelay $0x1  }
0x279: {  	s12 =	simm.s32 $0xA1E0;
	[tilespmem:s11+$0x120E0] =	vst v0  }
0x27a: {  	s13 =	simm.s32 $0x400;
	s14 =	simm.s32 $0x800;
	[tilespmem:s11+$0x120F0] =	vst v0;
	s11 =	simm.s32 $0xA1E0;
	v8 =	vbroadcast v8, $0x0  }
.LBB2_12:
0x27b: {  	p0 =	sne.s32 s14, $0x7C00  }
0x27c: {  	[tilespmem:v7+s29+$0x0] =	vst.idx.msk $0xffff, v6;
	s10 =	sadd.s32 $0x80, s10;
	s16 =	smov.u32 s14;
	s14 =	sadd.s32 $0x400, s14  }
0x27d: {  	v6 =	vld [tilespmem:s10+$0x0];
	v7 =	vor.u32 v2, v8;
	_ =	sdelay $0x1  }
0x27e: {  	s15 =	sshra.s32 s13, $0x2;
	s13 =	smov.u32 s16  }
0x27f: {  	[tilespmem:s15+$0x12010] =	vst v0  }
0x280: {  	[tilespmem:s15+$0x12000] =	vst v0  }
0x281: {  	s16 =	sadd.s32 $0xFFFFFF40, s12;
	[tilespmem:v7+s29+$0x0] =	vst.idx.msk $0xffff, v6  }
0x282: {  	v7 =	vor.u32 s16, v2;
	v6 =	vld [tilespmem:s10+$0x10];
	_ =	sdelay $0x2  }
0x283: {  	[tilespmem:s15+$0x12030] =	vst v0  }
0x284: {  	[tilespmem:s15+$0x12020] =	vst v0  }
0x285: {  	s16 =	sadd.s32 $0xFFFFFF60, s12;
	[tilespmem:v7+s29+$0x0] =	vst.idx.msk $0xffff, v6  }
0x286: {  	v7 =	vor.u32 s16, v2;
	v6 =	vld [tilespmem:s10+$0x20];
	_ =	sdelay $0x2  }
0x287: {  	[tilespmem:s15+$0x12050] =	vst v0  }
0x288: {  	[tilespmem:s15+$0x12040] =	vst v0  }
0x289: {  	s16 =	sadd.s32 $0xFFFFFF80, s12;
	[tilespmem:v7+s29+$0x0] =	vst.idx.msk $0xffff, v6  }
0x28a: {  	v7 =	vor.u32 s16, v2;
	v6 =	vld [tilespmem:s10+$0x30];
	_ =	sdelay $0x2  }
0x28b: {  	[tilespmem:s15+$0x12070] =	vst v0  }
0x28c: {  	[tilespmem:s15+$0x12060] =	vst v0  }
0x28d: {  	s16 =	sadd.s32 $0xFFFFFFA0, s12;
	[tilespmem:v7+s29+$0x0] =	vst.idx.msk $0xffff, v6  }
0x28e: {  	v7 =	vor.u32 s16, v2;
	v6 =	vld [tilespmem:s10+$0x40]  }
0x28f: {  	[tilespmem:s15+$0x12080] =	vst v0  }
0x290: {  	[tilespmem:s15+$0x12090] =	vst v0;
	_ =	sdelay $0x2  }
0x291: {  	s16 =	sadd.s32 $0xFFFFFFC0, s12;
	[tilespmem:v7+s29+$0x0] =	vst.idx.msk $0xffff, v6  }
0x292: {  	v7 =	vor.u32 s16, v2;
	v6 =	vld [tilespmem:s10+$0x50]  }
0x293: {  	[tilespmem:s15+$0x120A0] =	vst v0  }
0x294: {  	[tilespmem:s15+$0x120B0] =	vst v0;
	_ =	sdelay $0x2  }
0x295: {  	s16 =	sadd.s32 $0xFFFFFFE0, s12;
	[tilespmem:v7+s29+$0x0] =	vst.idx.msk $0xffff, v6  }
0x296: {  	v7 =	vor.u32 s16, v2;
	v6 =	vld [tilespmem:s10+$0x60]  }
0x297: {  	[tilespmem:s15+$0x120C0] =	vst v0  }
0x298: {  	[tilespmem:s15+$0x120D0] =	vst v0;
	_ =	sdelay $0x2  }
0x299: {  	s12 =	sadd.s32 $0x100, s12;
	[tilespmem:v7+s29+$0x0] =	vst.idx.msk $0xffff, v6  }
.Ltmp5:
0x29a: {  	s16 =	sadd.s32 $0xFFFFFF20, s12;
	v7 =	vor.u32 s11, v2;
	s11 =	smov.u32 s12;
	v6 =	vld [tilespmem:s10+$0x70];
	(pc) =	sbr.rel @p0 .LBB2_12-.Ltmp5, $4  }
0x29b: {  	v8 =	vmov s16;
	[tilespmem:s15+$0x120E0] =	vst v0  }
0x29c: {  	v8 =	vshrl.u32 v8, $0x7;
	[tilespmem:s15+$0x120F0] =	vst v0  }
0x29d: {  	v8 =	vshll.u32 v8, $0x7  }
0x29e: {  	v8 =	vbroadcast v8, $0x0  }
0x29f: {  	_ =	sdelay $0x3  }
0x2a0: {  	[tilespmem:v7+s29+$0x0] =	vst.idx.msk $0xffff, v6;
	s10 =	sadd.s32 $0x80, s10  }
0x2a1: {  	v6 =	vld [tilespmem:s10+$0x0];
	v7 =	vor.u32 v2, v8;
	_ =	sdelay $0x1  }
0x2a2: {  	s13 =	sshra.s32 s13, $0x2  }
0x2a3: {  	[tilespmem:s13+$0x12010] =	vst v0  }
0x2a4: {  	[tilespmem:s13+$0x12000] =	vst v0  }
0x2a5: {  	s14 =	sadd.s32 $0xFFFFFF40, s12;
	[tilespmem:v7+s29+$0x0] =	vst.idx.msk $0xffff, v6  }
0x2a6: {  	v7 =	vor.u32 s14, v2;
	v6 =	vld [tilespmem:s10+$0x10];
	_ =	sdelay $0x2  }
0x2a7: {  	[tilespmem:s13+$0x12030] =	vst v0  }
0x2a8: {  	[tilespmem:s13+$0x12020] =	vst v0  }
0x2a9: {  	s15 =	sadd.s32 $0xFFFFFF60, s12;
	[tilespmem:v7+s29+$0x0] =	vst.idx.msk $0xffff, v6  }
0x2aa: {  	v7 =	vor.u32 s15, v2;
	v6 =	vld [tilespmem:s10+$0x20];
	_ =	sdelay $0x2  }
0x2ab: {  	[tilespmem:s13+$0x12050] =	vst v0  }
0x2ac: {  	[tilespmem:s13+$0x12040] =	vst v0  }
0x2ad: {  	s16 =	sadd.s32 $0xFFFFFF80, s12;
	[tilespmem:v7+s29+$0x0] =	vst.idx.msk $0xffff, v6  }
0x2ae: {  	v7 =	vor.u32 s16, v2;
	v6 =	vld [tilespmem:s10+$0x30];
	_ =	sdelay $0x2  }
0x2af: {  	[tilespmem:s13+$0x12070] =	vst v0  }
0x2b0: {  	[tilespmem:s13+$0x12060] =	vst v0  }
0x2b1: {  	s15 =	sadd.s32 $0xFFFFFFA0, s12;
	[tilespmem:v7+s29+$0x0] =	vst.idx.msk $0xffff, v6  }
0x2b2: {  	v7 =	vor.u32 s15, v2;
	v6 =	vld [tilespmem:s10+$0x40];
	_ =	sdelay $0x2  }
0x2b3: {  	[tilespmem:s13+$0x12080] =	vst v0  }
0x2b4: {  	[tilespmem:s13+$0x12090] =	vst v0  }
0x2b5: {  	s16 =	sadd.s32 $0xFFFFFFC0, s12;
	[tilespmem:v7+s29+$0x0] =	vst.idx.msk $0xffff, v6  }
0x2b6: {  	v7 =	vor.u32 s16, v2;
	v6 =	vld [tilespmem:s10+$0x50];
	_ =	sdelay $0x2  }
0x2b7: {  	[tilespmem:s13+$0x120A0] =	vst v0  }
0x2b8: {  	[tilespmem:s13+$0x120B0] =	vst v0  }
0x2b9: {  	s14 =	sadd.s32 $0xFFFFFFE0, s12;
	[tilespmem:v7+s29+$0x0] =	vst.idx.msk $0xffff, v6  }
0x2ba: {  	v7 =	vor.u32 s14, v2;
	v6 =	vld [tilespmem:s10+$0x60];
	_ =	sdelay $0x2  }
0x2bb: {  	[tilespmem:s13+$0x120C0] =	vst v0  }
0x2bc: {  	[tilespmem:s13+$0x120D0] =	vst v0  }
0x2bd: {  	[tilespmem:v7+s29+$0x0] =	vst.idx.msk $0xffff, v6  }
0x2be: {  	v7 =	vor.u32 s11, v2;
	v6 =	vld [tilespmem:s10+$0x70];
	_ =	sdelay $0x2  }
0x2bf: {  	[tilespmem:s13+$0x120E0] =	vst v0  }
0x2c0: {  	s15 =	simm.s32 $0xC000;
	[tilespmem:s13+$0x120F0] =	vst v0  }
0x2c1: {  	s12 =	rddreg [dreg:$0xe];
	s16 =	simm.s32 $0x0;
	s13 =	simm.s32 $0x12000;
	[tilespmem:v7+s29+$0x0] =	vst.idx.msk $0xffff, v6;
	v6 =	vmov s15  }
0x2c2: {  	[hbm4b:s12+s16] =	stream.linear.scatter [tilespmem:s13], [sflag:$0xE], $0x2000, $0x38;
	v6 =	vshrl.u32 v6, $0x7;
	[tilespmem:$0x18000] =	vst v63  }
0x2c3: {  	_ =	swait.ge [sflag:s26], $0x1000;
	v6 =	vshll.u32 v6, $0x7  }
0x2c4: {  	[sflag:s26] =	ssyncset.done $0x0;
	v6 =	vbroadcast v6, $0x0  }
0x2c5: {  	s10 =	simm.s32 $0x6000;
	[sflag:s26] =	ssyncadd.s32 $0xFFFFF000  }
0x2c6: {  	v7 =	vld [tilespmem:s10+$0x0];
	v6 =	vor.u32 v2, v6;
	_ =	sdelay $0x1  }
0x2c7: {  	s11 =	simm.s32 $0x0  }
0x2c8: {  	[tilespmem:s11+$0x14010] =	vst v0  }
0x2c9: {  	[tilespmem:s11+$0x14000] =	vst v0  }
0x2ca: {  	s14 =	simm.s32 $0xC020;
	[tilespmem:v6+s29+$0x0] =	vst.idx.msk $0xffff, v7  }
0x2cb: {  	v7 =	vor.u32 s14, v2;
	v6 =	vld [tilespmem:s10+$0x10];
	_ =	sdelay $0x2  }
0x2cc: {  	[tilespmem:s11+$0x14030] =	vst v0  }
0x2cd: {  	[tilespmem:s11+$0x14020] =	vst v0  }
0x2ce: {  	s15 =	simm.s32 $0xC040;
	[tilespmem:v7+s29+$0x0] =	vst.idx.msk $0xffff, v6  }
0x2cf: {  	v7 =	vor.u32 s15, v2;
	v6 =	vld [tilespmem:s10+$0x20];
	_ =	sdelay $0x2  }
0x2d0: {  	[tilespmem:s11+$0x14050] =	vst v0  }
0x2d1: {  	[tilespmem:s11+$0x14040] =	vst v0  }
0x2d2: {  	s16 =	simm.s32 $0xC060;
	[tilespmem:v7+s29+$0x0] =	vst.idx.msk $0xffff, v6  }
0x2d3: {  	v7 =	vor.u32 s16, v2;
	v6 =	vld [tilespmem:s10+$0x30];
	_ =	sdelay $0x2  }
0x2d4: {  	[tilespmem:s11+$0x14070] =	vst v0  }
0x2d5: {  	[tilespmem:s11+$0x14060] =	vst v0  }
0x2d6: {  	s13 =	simm.s32 $0xC080;
	[tilespmem:v7+s29+$0x0] =	vst.idx.msk $0xffff, v6  }
0x2d7: {  	v7 =	vor.u32 s13, v2;
	v6 =	vld [tilespmem:s10+$0x40];
	_ =	sdelay $0x2  }
0x2d8: {  	[tilespmem:s11+$0x14080] =	vst v0  }
0x2d9: {  	[tilespmem:s11+$0x14090] =	vst v0  }
0x2da: {  	s14 =	simm.s32 $0xC0A0;
	[tilespmem:v7+s29+$0x0] =	vst.idx.msk $0xffff, v6  }
0x2db: {  	v7 =	vor.u32 s14, v2;
	v6 =	vld [tilespmem:s10+$0x50];
	_ =	sdelay $0x2  }
0x2dc: {  	[tilespmem:s11+$0x140A0] =	vst v0  }
0x2dd: {  	[tilespmem:s11+$0x140B0] =	vst v0  }
0x2de: {  	s15 =	simm.s32 $0xC0C0;
	[tilespmem:v7+s29+$0x0] =	vst.idx.msk $0xffff, v6  }
0x2df: {  	v7 =	vor.u32 s15, v2;
	v6 =	vld [tilespmem:s10+$0x60];
	_ =	sdelay $0x2  }
0x2e0: {  	[tilespmem:s11+$0x140C0] =	vst v0  }
0x2e1: {  	s16 =	simm.s32 $0xC100;
	[tilespmem:s11+$0x140D0] =	vst v0  }
0x2e2: {  	[tilespmem:v7+s29+$0x0] =	vst.idx.msk $0xffff, v6;
	v7 =	vmov s16  }
0x2e3: {  	s15 =	simm.s32 $0xC0E0;
	v7 =	vshrl.u32 v7, $0x7  }
0x2e4: {  	v6 =	vld [tilespmem:s10+$0x70];
	v8 =	vshll.u32 v7, $0x7;
	v7 =	vor.u32 s15, v2;
	_ =	sdelay $0x1  }
0x2e5: {  	s12 =	simm.s32 $0xC1E0;
	[tilespmem:s11+$0x140E0] =	vst v0  }
0x2e6: {  	s13 =	simm.s32 $0x400;
	s14 =	simm.s32 $0x800;
	[tilespmem:s11+$0x140F0] =	vst v0;
	s11 =	simm.s32 $0xC1E0;
	v8 =	vbroadcast v8, $0x0  }
.LBB2_14:
0x2e7: {  	p0 =	sne.s32 s14, $0x7C00  }
0x2e8: {  	[tilespmem:v7+s29+$0x0] =	vst.idx.msk $0xffff, v6;
	s10 =	sadd.s32 $0x80, s10;
	s16 =	smov.u32 s14;
	s14 =	sadd.s32 $0x400, s14  }
0x2e9: {  	v6 =	vld [tilespmem:s10+$0x0];
	v7 =	vor.u32 v2, v8;
	_ =	sdelay $0x1  }
0x2ea: {  	s15 =	sshra.s32 s13, $0x2;
	s13 =	smov.u32 s16  }
0x2eb: {  	[tilespmem:s15+$0x14010] =	vst v0  }
0x2ec: {  	[tilespmem:s15+$0x14000] =	vst v0  }
0x2ed: {  	s16 =	sadd.s32 $0xFFFFFF40, s12;
	[tilespmem:v7+s29+$0x0] =	vst.idx.msk $0xffff, v6  }
0x2ee: {  	v7 =	vor.u32 s16, v2;
	v6 =	vld [tilespmem:s10+$0x10];
	_ =	sdelay $0x2  }
0x2ef: {  	[tilespmem:s15+$0x14030] =	vst v0  }
0x2f0: {  	[tilespmem:s15+$0x14020] =	vst v0  }
0x2f1: {  	s16 =	sadd.s32 $0xFFFFFF60, s12;
	[tilespmem:v7+s29+$0x0] =	vst.idx.msk $0xffff, v6  }
0x2f2: {  	v7 =	vor.u32 s16, v2;
	v6 =	vld [tilespmem:s10+$0x20];
	_ =	sdelay $0x2  }
0x2f3: {  	[tilespmem:s15+$0x14050] =	vst v0  }
0x2f4: {  	[tilespmem:s15+$0x14040] =	vst v0  }
0x2f5: {  	s16 =	sadd.s32 $0xFFFFFF80, s12;
	[tilespmem:v7+s29+$0x0] =	vst.idx.msk $0xffff, v6  }
0x2f6: {  	v7 =	vor.u32 s16, v2;
	v6 =	vld [tilespmem:s10+$0x30];
	_ =	sdelay $0x2  }
0x2f7: {  	[tilespmem:s15+$0x14070] =	vst v0  }
0x2f8: {  	[tilespmem:s15+$0x14060] =	vst v0  }
0x2f9: {  	s16 =	sadd.s32 $0xFFFFFFA0, s12;
	[tilespmem:v7+s29+$0x0] =	vst.idx.msk $0xffff, v6  }
0x2fa: {  	v7 =	vor.u32 s16, v2;
	v6 =	vld [tilespmem:s10+$0x40]  }
0x2fb: {  	[tilespmem:s15+$0x14080] =	vst v0  }
0x2fc: {  	[tilespmem:s15+$0x14090] =	vst v0;
	_ =	sdelay $0x2  }
0x2fd: {  	s16 =	sadd.s32 $0xFFFFFFC0, s12;
	[tilespmem:v7+s29+$0x0] =	vst.idx.msk $0xffff, v6  }
0x2fe: {  	v7 =	vor.u32 s16, v2;
	v6 =	vld [tilespmem:s10+$0x50]  }
0x2ff: {  	[tilespmem:s15+$0x140A0] =	vst v0  }
0x300: {  	[tilespmem:s15+$0x140B0] =	vst v0;
	_ =	sdelay $0x2  }
0x301: {  	s16 =	sadd.s32 $0xFFFFFFE0, s12;
	[tilespmem:v7+s29+$0x0] =	vst.idx.msk $0xffff, v6  }
0x302: {  	v7 =	vor.u32 s16, v2;
	v6 =	vld [tilespmem:s10+$0x60]  }
0x303: {  	[tilespmem:s15+$0x140C0] =	vst v0  }
0x304: {  	[tilespmem:s15+$0x140D0] =	vst v0;
	_ =	sdelay $0x2  }
0x305: {  	s12 =	sadd.s32 $0x100, s12;
	[tilespmem:v7+s29+$0x0] =	vst.idx.msk $0xffff, v6  }
.Ltmp6:
0x306: {  	s16 =	sadd.s32 $0xFFFFFF20, s12;
	v7 =	vor.u32 s11, v2;
	s11 =	smov.u32 s12;
	v6 =	vld [tilespmem:s10+$0x70];
	(pc) =	sbr.rel @p0 .LBB2_14-.Ltmp6, $4  }
0x307: {  	v8 =	vmov s16;
	[tilespmem:s15+$0x140E0] =	vst v0  }
0x308: {  	v8 =	vshrl.u32 v8, $0x7;
	[tilespmem:s15+$0x140F0] =	vst v0  }
0x309: {  	v8 =	vshll.u32 v8, $0x7  }
0x30a: {  	v8 =	vbroadcast v8, $0x0  }
0x30b: {  	_ =	sdelay $0x3  }
0x30c: {  	[tilespmem:v7+s29+$0x0] =	vst.idx.msk $0xffff, v6;
	s10 =	sadd.s32 $0x80, s10  }
0x30d: {  	v6 =	vld [tilespmem:s10+$0x0];
	v7 =	vor.u32 v2, v8;
	_ =	sdelay $0x1  }
0x30e: {  	s13 =	sshra.s32 s13, $0x2  }
0x30f: {  	[tilespmem:s13+$0x14010] =	vst v0  }
0x310: {  	[tilespmem:s13+$0x14000] =	vst v0  }
0x311: {  	s14 =	sadd.s32 $0xFFFFFF40, s12;
	[tilespmem:v7+s29+$0x0] =	vst.idx.msk $0xffff, v6  }
0x312: {  	v7 =	vor.u32 s14, v2;
	v6 =	vld [tilespmem:s10+$0x10];
	_ =	sdelay $0x2  }
0x313: {  	[tilespmem:s13+$0x14030] =	vst v0  }
0x314: {  	[tilespmem:s13+$0x14020] =	vst v0  }
0x315: {  	s16 =	sadd.s32 $0xFFFFFF60, s12;
	[tilespmem:v7+s29+$0x0] =	vst.idx.msk $0xffff, v6  }
0x316: {  	v7 =	vor.u32 s16, v2;
	v6 =	vld [tilespmem:s10+$0x20];
	_ =	sdelay $0x2  }
0x317: {  	[tilespmem:s13+$0x14050] =	vst v0  }
0x318: {  	[tilespmem:s13+$0x14040] =	vst v0  }
0x319: {  	s15 =	sadd.s32 $0xFFFFFF80, s12;
	[tilespmem:v7+s29+$0x0] =	vst.idx.msk $0xffff, v6  }
0x31a: {  	v7 =	vor.u32 s15, v2;
	v6 =	vld [tilespmem:s10+$0x30];
	_ =	sdelay $0x2  }
0x31b: {  	[tilespmem:s13+$0x14070] =	vst v0  }
0x31c: {  	[tilespmem:s13+$0x14060] =	vst v0  }
0x31d: {  	s16 =	sadd.s32 $0xFFFFFFA0, s12;
	[tilespmem:v7+s29+$0x0] =	vst.idx.msk $0xffff, v6  }
0x31e: {  	v7 =	vor.u32 s16, v2;
	v6 =	vld [tilespmem:s10+$0x40];
	_ =	sdelay $0x2  }
0x31f: {  	[tilespmem:s13+$0x14080] =	vst v0  }
0x320: {  	[tilespmem:s13+$0x14090] =	vst v0  }
0x321: {  	s15 =	sadd.s32 $0xFFFFFFC0, s12;
	[tilespmem:v7+s29+$0x0] =	vst.idx.msk $0xffff, v6  }
0x322: {  	v7 =	vor.u32 s15, v2;
	v6 =	vld [tilespmem:s10+$0x50];
	_ =	sdelay $0x2  }
0x323: {  	[tilespmem:s13+$0x140A0] =	vst v0  }
0x324: {  	[tilespmem:s13+$0x140B0] =	vst v0  }
0x325: {  	s16 =	sadd.s32 $0xFFFFFFE0, s12;
	[tilespmem:v7+s29+$0x0] =	vst.idx.msk $0xffff, v6  }
0x326: {  	v7 =	vor.u32 s16, v2;
	v6 =	vld [tilespmem:s10+$0x60];
	_ =	sdelay $0x2  }
0x327: {  	[tilespmem:s13+$0x140C0] =	vst v0  }
0x328: {  	[tilespmem:s13+$0x140D0] =	vst v0  }
0x329: {  	[tilespmem:v7+s29+$0x0] =	vst.idx.msk $0xffff, v6  }
0x32a: {  	v7 =	vor.u32 s11, v2;
	v6 =	vld [tilespmem:s10+$0x70];
	_ =	sdelay $0x2  }
0x32b: {  	[tilespmem:s13+$0x140E0] =	vst v0  }
0x32c: {  	s11 =	simm.s32 $0xE000;
	[tilespmem:s13+$0x140F0] =	vst v0  }
0x32d: {  	s12 =	simm.s32 $0x0;
	s13 =	simm.s32 $0x14000;
	[tilespmem:v7+s29+$0x0] =	vst.idx.msk $0xffff, v6;
	v6 =	vmov s11  }
0x32e: {  	[hbm4b:s17+s12] =	stream.linear.scatter [tilespmem:s13], [sflag:$0xF], $0x2000, $0x38;
	v6 =	vshrl.u32 v6, $0x7;
	[tilespmem:$0x18000] =	vst v63  }
0x32f: {  	_ =	swait.ge [sflag:s0], $0x1000;
	v6 =	vshll.u32 v6, $0x7  }
0x330: {  	[sflag:s0] =	ssyncset.done $0x0;
	v6 =	vbroadcast v6, $0x0  }
0x331: {  	s10 =	simm.s32 $0x7000;
	[sflag:s0] =	ssyncadd.s32 $0xFFFFF000  }
0x332: {  	v7 =	vld [tilespmem:s10+$0x0];
	v6 =	vor.u32 v2, v6;
	_ =	sdelay $0x1  }
0x333: {  	s11 =	simm.s32 $0x0  }
0x334: {  	[tilespmem:s11+$0x16010] =	vst v0  }
0x335: {  	[tilespmem:s11+$0x16000] =	vst v0  }
0x336: {  	s14 =	simm.s32 $0xE020;
	[tilespmem:v6+s29+$0x0] =	vst.idx.msk $0xffff, v7  }
0x337: {  	v7 =	vor.u32 s14, v2;
	v6 =	vld [tilespmem:s10+$0x10];
	_ =	sdelay $0x2  }
0x338: {  	[tilespmem:s11+$0x16030] =	vst v0  }
0x339: {  	[tilespmem:s11+$0x16020] =	vst v0  }
0x33a: {  	s15 =	simm.s32 $0xE040;
	[tilespmem:v7+s29+$0x0] =	vst.idx.msk $0xffff, v6  }
0x33b: {  	v7 =	vor.u32 s15, v2;
	v6 =	vld [tilespmem:s10+$0x20];
	_ =	sdelay $0x2  }
0x33c: {  	[tilespmem:s11+$0x16050] =	vst v0  }
0x33d: {  	[tilespmem:s11+$0x16040] =	vst v0  }
0x33e: {  	s16 =	simm.s32 $0xE060;
	[tilespmem:v7+s29+$0x0] =	vst.idx.msk $0xffff, v6  }
0x33f: {  	v7 =	vor.u32 s16, v2;
	v6 =	vld [tilespmem:s10+$0x30];
	_ =	sdelay $0x2  }
0x340: {  	[tilespmem:s11+$0x16070] =	vst v0  }
0x341: {  	[tilespmem:s11+$0x16060] =	vst v0  }
0x342: {  	s13 =	simm.s32 $0xE080;
	[tilespmem:v7+s29+$0x0] =	vst.idx.msk $0xffff, v6  }
0x343: {  	v7 =	vor.u32 s13, v2;
	v6 =	vld [tilespmem:s10+$0x40];
	_ =	sdelay $0x2  }
0x344: {  	[tilespmem:s11+$0x16080] =	vst v0  }
0x345: {  	[tilespmem:s11+$0x16090] =	vst v0  }
0x346: {  	s14 =	simm.s32 $0xE0A0;
	[tilespmem:v7+s29+$0x0] =	vst.idx.msk $0xffff, v6  }
0x347: {  	v7 =	vor.u32 s14, v2;
	v6 =	vld [tilespmem:s10+$0x50];
	_ =	sdelay $0x2  }
0x348: {  	[tilespmem:s11+$0x160A0] =	vst v0  }
0x349: {  	[tilespmem:s11+$0x160B0] =	vst v0  }
0x34a: {  	s15 =	simm.s32 $0xE0C0;
	[tilespmem:v7+s29+$0x0] =	vst.idx.msk $0xffff, v6  }
0x34b: {  	v7 =	vor.u32 s15, v2;
	v6 =	vld [tilespmem:s10+$0x60];
	_ =	sdelay $0x2  }
0x34c: {  	[tilespmem:s11+$0x160C0] =	vst v0  }
0x34d: {  	s16 =	simm.s32 $0xE100;
	[tilespmem:s11+$0x160D0] =	vst v0  }
0x34e: {  	[tilespmem:v7+s29+$0x0] =	vst.idx.msk $0xffff, v6;
	v7 =	vmov s16  }
0x34f: {  	s15 =	simm.s32 $0xE0E0;
	v7 =	vshrl.u32 v7, $0x7  }
0x350: {  	v6 =	vld [tilespmem:s10+$0x70];
	v8 =	vshll.u32 v7, $0x7;
	v7 =	vor.u32 s15, v2;
	_ =	sdelay $0x1  }
0x351: {  	s12 =	simm.s32 $0xE1E0;
	[tilespmem:s11+$0x160E0] =	vst v0  }
0x352: {  	s13 =	simm.s32 $0x400;
	s14 =	simm.s32 $0x800;
	[tilespmem:s11+$0x160F0] =	vst v0;
	s11 =	simm.s32 $0xE1E0;
	v8 =	vbroadcast v8, $0x0  }
.LBB2_16:
0x353: {  	p0 =	sne.s32 s14, $0x7C00  }
0x354: {  	[tilespmem:v7+s29+$0x0] =	vst.idx.msk $0xffff, v6;
	s10 =	sadd.s32 $0x80, s10;
	s16 =	smov.u32 s14;
	s14 =	sadd.s32 $0x400, s14  }
0x355: {  	v6 =	vld [tilespmem:s10+$0x0];
	v7 =	vor.u32 v2, v8;
	_ =	sdelay $0x1  }
0x356: {  	s15 =	sshra.s32 s13, $0x2;
	s13 =	smov.u32 s16  }
0x357: {  	[tilespmem:s15+$0x16010] =	vst v0  }
0x358: {  	[tilespmem:s15+$0x16000] =	vst v0  }
0x359: {  	s16 =	sadd.s32 $0xFFFFFF40, s12;
	[tilespmem:v7+s29+$0x0] =	vst.idx.msk $0xffff, v6  }
0x35a: {  	v7 =	vor.u32 s16, v2;
	v6 =	vld [tilespmem:s10+$0x10];
	_ =	sdelay $0x2  }
0x35b: {  	[tilespmem:s15+$0x16030] =	vst v0  }
0x35c: {  	[tilespmem:s15+$0x16020] =	vst v0  }
0x35d: {  	s16 =	sadd.s32 $0xFFFFFF60, s12;
	[tilespmem:v7+s29+$0x0] =	vst.idx.msk $0xffff, v6  }
0x35e: {  	v7 =	vor.u32 s16, v2;
	v6 =	vld [tilespmem:s10+$0x20];
	_ =	sdelay $0x2  }
0x35f: {  	[tilespmem:s15+$0x16050] =	vst v0  }
0x360: {  	[tilespmem:s15+$0x16040] =	vst v0  }
0x361: {  	s16 =	sadd.s32 $0xFFFFFF80, s12;
	[tilespmem:v7+s29+$0x0] =	vst.idx.msk $0xffff, v6  }
0x362: {  	v7 =	vor.u32 s16, v2;
	v6 =	vld [tilespmem:s10+$0x30];
	_ =	sdelay $0x2  }
0x363: {  	[tilespmem:s15+$0x16070] =	vst v0  }
0x364: {  	[tilespmem:s15+$0x16060] =	vst v0  }
0x365: {  	s16 =	sadd.s32 $0xFFFFFFA0, s12;
	[tilespmem:v7+s29+$0x0] =	vst.idx.msk $0xffff, v6  }
0x366: {  	v7 =	vor.u32 s16, v2;
	v6 =	vld [tilespmem:s10+$0x40]  }
0x367: {  	[tilespmem:s15+$0x16080] =	vst v0  }
0x368: {  	[tilespmem:s15+$0x16090] =	vst v0;
	_ =	sdelay $0x2  }
0x369: {  	s16 =	sadd.s32 $0xFFFFFFC0, s12;
	[tilespmem:v7+s29+$0x0] =	vst.idx.msk $0xffff, v6  }
0x36a: {  	v7 =	vor.u32 s16, v2;
	v6 =	vld [tilespmem:s10+$0x50]  }
0x36b: {  	[tilespmem:s15+$0x160A0] =	vst v0  }
0x36c: {  	[tilespmem:s15+$0x160B0] =	vst v0;
	_ =	sdelay $0x2  }
0x36d: {  	s16 =	sadd.s32 $0xFFFFFFE0, s12;
	[tilespmem:v7+s29+$0x0] =	vst.idx.msk $0xffff, v6  }
0x36e: {  	v7 =	vor.u32 s16, v2;
	v6 =	vld [tilespmem:s10+$0x60]  }
0x36f: {  	[tilespmem:s15+$0x160C0] =	vst v0  }
0x370: {  	[tilespmem:s15+$0x160D0] =	vst v0;
	_ =	sdelay $0x2  }
0x371: {  	s12 =	sadd.s32 $0x100, s12;
	[tilespmem:v7+s29+$0x0] =	vst.idx.msk $0xffff, v6  }
.Ltmp7:
0x372: {  	s16 =	sadd.s32 $0xFFFFFF20, s12;
	v7 =	vor.u32 s11, v2;
	s11 =	smov.u32 s12;
	v6 =	vld [tilespmem:s10+$0x70];
	(pc) =	sbr.rel @p0 .LBB2_16-.Ltmp7, $4  }
0x373: {  	v8 =	vmov s16;
	[tilespmem:s15+$0x160E0] =	vst v0  }
0x374: {  	v8 =	vshrl.u32 v8, $0x7;
	[tilespmem:s15+$0x160F0] =	vst v0  }
0x375: {  	v8 =	vshll.u32 v8, $0x7  }
0x376: {  	v8 =	vbroadcast v8, $0x0  }
0x377: {  	_ =	sdelay $0x3  }
0x378: {  	[tilespmem:v7+s29+$0x0] =	vst.idx.msk $0xffff, v6;
	s10 =	sadd.s32 $0x80, s10  }
0x379: {  	v6 =	vld [tilespmem:s10+$0x0];
	v7 =	vor.u32 v2, v8;
	_ =	sdelay $0x1  }
0x37a: {  	s13 =	sshra.s32 s13, $0x2  }
0x37b: {  	[tilespmem:s13+$0x16010] =	vst v0  }
0x37c: {  	[tilespmem:s13+$0x16000] =	vst v0  }
0x37d: {  	s14 =	sadd.s32 $0xFFFFFF40, s12;
	[tilespmem:v7+s29+$0x0] =	vst.idx.msk $0xffff, v6  }
0x37e: {  	v7 =	vor.u32 s14, v2;
	v6 =	vld [tilespmem:s10+$0x10];
	_ =	sdelay $0x2  }
0x37f: {  	[tilespmem:s13+$0x16030] =	vst v0  }
0x380: {  	[tilespmem:s13+$0x16020] =	vst v0  }
0x381: {  	s15 =	sadd.s32 $0xFFFFFF60, s12;
	[tilespmem:v7+s29+$0x0] =	vst.idx.msk $0xffff, v6  }
0x382: {  	v7 =	vor.u32 s15, v2;
	v6 =	vld [tilespmem:s10+$0x20];
	_ =	sdelay $0x2  }
0x383: {  	[tilespmem:s13+$0x16050] =	vst v0  }
0x384: {  	[tilespmem:s13+$0x16040] =	vst v0  }
0x385: {  	s16 =	sadd.s32 $0xFFFFFF80, s12;
	[tilespmem:v7+s29+$0x0] =	vst.idx.msk $0xffff, v6  }
0x386: {  	v7 =	vor.u32 s16, v2;
	v6 =	vld [tilespmem:s10+$0x30];
	_ =	sdelay $0x2  }
0x387: {  	[tilespmem:s13+$0x16070] =	vst v0  }
0x388: {  	[tilespmem:s13+$0x16060] =	vst v0  }
0x389: {  	s15 =	sadd.s32 $0xFFFFFFA0, s12;
	[tilespmem:v7+s29+$0x0] =	vst.idx.msk $0xffff, v6  }
0x38a: {  	v7 =	vor.u32 s15, v2;
	v6 =	vld [tilespmem:s10+$0x40];
	_ =	sdelay $0x2  }
0x38b: {  	[tilespmem:s13+$0x16080] =	vst v0  }
0x38c: {  	[tilespmem:s13+$0x16090] =	vst v0  }
0x38d: {  	s16 =	sadd.s32 $0xFFFFFFC0, s12;
	[tilespmem:v7+s29+$0x0] =	vst.idx.msk $0xffff, v6  }
0x38e: {  	v7 =	vor.u32 s16, v2;
	v6 =	vld [tilespmem:s10+$0x50];
	_ =	sdelay $0x2  }
0x38f: {  	[tilespmem:s13+$0x160A0] =	vst v0  }
0x390: {  	[tilespmem:s13+$0x160B0] =	vst v0  }
0x391: {  	s15 =	sadd.s32 $0xFFFFFFE0, s12;
	[tilespmem:v7+s29+$0x0] =	vst.idx.msk $0xffff, v6  }
0x392: {  	v7 =	vor.u32 s15, v2;
	v6 =	vld [tilespmem:s10+$0x60];
	_ =	sdelay $0x2  }
0x393: {  	[tilespmem:s13+$0x160C0] =	vst v0  }
0x394: {  	[tilespmem:s13+$0x160D0] =	vst v0  }
0x395: {  	[tilespmem:v7+s29+$0x0] =	vst.idx.msk $0xffff, v6  }
0x396: {  	v7 =	vor.u32 s11, v2;
	v6 =	vld [tilespmem:s10+$0x70];
	_ =	sdelay $0x2  }
0x397: {  	[tilespmem:s13+$0x160E0] =	vst v0  }
0x398: {  	[tilespmem:s13+$0x160F0] =	vst v0  }
0x399: {  	s16 =	simm.s32 $0x16000;
	[tilespmem:v7+s29+$0x0] =	vst.idx.msk $0xffff, v6  }
0x39a: {  	[hbm4b:s18+s2] =	stream.linear.scatter [tilespmem:s16], [sflag:$0x10], $0x2000, $0x38;
	[tilespmem:$0x18000] =	vst v63  }
0x39b: {  	_ =	swait.ge [sflag:s23], $0x2000  }
0x39c: {  	[sflag:s23] =	ssyncset.done $0x0  }
0x39d: {  	[sflag:s23] =	ssyncadd.s32 $0xFFFFE000  }
0x39e: {  	_ =	swait.ge [sflag:s25], $0x2000  }
0x39f: {  	[sflag:s25] =	ssyncset.done $0x0  }
0x3a0: {  	[sflag:s25] =	ssyncadd.s32 $0xFFFFE000  }
0x3a1: {  	_ =	swait.ge [sflag:s31], $0x2000  }
0x3a2: {  	[sflag:s31] =	ssyncset.done $0x0  }
0x3a3: {  	[sflag:s31] =	ssyncadd.s32 $0xFFFFE000  }
0x3a4: {  	_ =	swait.ge [sflag:s21], $0x2000  }
0x3a5: {  	[sflag:s21] =	ssyncset.done $0x0  }
0x3a6: {  	[sflag:s21] =	ssyncadd.s32 $0xFFFFE000  }
0x3a7: {  	_ =	swait.ge [sflag:s4], $0x2000  }
0x3a8: {  	[sflag:s4] =	ssyncset.done $0x0  }
0x3a9: {  	[sflag:s4] =	ssyncadd.s32 $0xFFFFE000  }
0x3aa: {  	_ =	swait.ge [sflag:s5], $0x2000  }
0x3ab: {  	[sflag:s5] =	ssyncset.done $0x0  }
0x3ac: {  	s8 =	sadd.s32 $0x1, s8;
	[sflag:s5] =	ssyncadd.s32 $0xFFFFE000  }
0x3ad: {  	p0 =	sne.s32 s8, s19;
	_ =	swait.ge [sflag:s6], $0x2000  }
.Ltmp8:
0x3ae: {  	[sflag:s6] =	ssyncset.done $0x0;
	(pc) =	sbr.rel @p0 .LBB2_1-.Ltmp8, $4  }
0x3af: {  	[sflag:s6] =	ssyncadd.s32 $0xFFFFE000  }
0x3b0: {  	_ =	swait.ge [sflag:s7], $0x2000  }
0x3b1: {  	[sflag:s7] =	ssyncset.done $0x0  }
0x3b2: {  	[sflag:s7] =	ssyncadd.s32 $0xFFFFE000  }
0x3b3: {  	_ =	sfence.sel $0x180000  }
0x3b4: {  	[bflag:$0x0] =	sbarrier.arrive $0xFFFF  }
0x3b5: {  	_ =	strace $0x90000047  }
0x3b6: {  	s0 =	stileid.u32;
	[bflag:$0x2] =	sbarrier.arrive $0xFFFF  }
0x3b7: {  	p0 =	sne.s32 s0, $0x0;
	s0 =	rddreg [dreg:$0x2]  }
0x3b8: {  	s0 =	sadd.s32 @!p0 $0x100000, s0  }
0x3b9: {  	[sflag:s0] =	ssyncadd.tile.s32 @!p0 $0x1;
	_ =	shalt  }
.Lfunc_end2:
_tile_overlayer_lowered:
.L_overlay_start_2:
0x3ba: {  	(tag) =	ssettag $0x2  }
0x3bb: {  	s0 =	rddreg [dreg:$0x0];
	s2 =	stileid.u32  }
0x3bc: {  	s1 =	rddreg [dreg:$0x1];
	p0 =	sne.s32 s2, $0x0  }
0x3bd: {  	s3 =	rddreg [dreg:$0x2];
	[bflag:$0x3] =	sbarrier.arrive $0xFFFF;
	s2 =	simm.s32 @!p0 $0x1C11  }
0x3be: {  	[timem:s3], [sflag:s2] =	dma.local @!p0 [hbm:s0], s1  }
0x3bf: {  	s0 =	simm.s32 @!p0 $0x11  }
0x3c0: {  	_ =	swait.ge @!p0 [sflag:s0], s1  }
0x3c1: {  	s1 =	ssub.s32 @!p0 $0x0, s1;
	[sflag:s0] =	ssyncset.done @!p0 $0x0  }
0x3c2: {  	[sflag:s0] =	ssyncadd.s32 @!p0 s1  }
0x3c3: {  	[bflag:$0x3] =	sbarrier.arrive $0xFFFF  }
0x3c4: {  	_ =	shalt  }

</sc_bundles>
